<compile_context>
chip_gen: v7x
topology: tpu7x:2x2x1
jax: 0.10.2.dev20260603
libtpu: 0.0.44.dev20260713+nightly
codegen_flags: <defaults>
</compile_context>

<pallas_src>
import functools
import jax
import jax.numpy as jnp
from jax import lax
from jax.experimental import pallas as pl
from jax.experimental.pallas import tpu as pltpu
from jax.experimental.pallas import tpu_sc as plsc

_S, _B, _D = 200, 4096, 64
_BC = 512
_NG = _BC // 16
_NSG = 4
_KS = _S // _NSG


def _sc_body(x2, out2, lens, buf, stage, accv, cntv, comb, shared):
    c = lax.axis_index("c")
    t = lax.axis_index("s")
    bc = lax.rem(t, 4)
    s_off = t // 4
    b0 = c * 2048 + bc * _BC

    for g in range(_NG):
        cntv[pl.ds(g * 16, 16)] = jnp.zeros((16,), jnp.int32)

    def unit(k, carry):
        s = s_off + _NSG * k
        pltpu.sync_copy(x2.at[pl.ds(s, 1), :, pl.ds(b0, _BC)], buf)
        for g in range(_NG):
            accv[pl.ds(g * 16, 16)] = jnp.zeros((16,), jnp.float32)

        def row(r, rc):
            for g in range(_NG):
                sl = pl.ds(g * 16, 16)
                accv[sl] = accv[sl] + buf[0, r, sl]
            return rc

        lax.fori_loop(0, _D, row, 0)
        pltpu.sync_copy(buf, out2.at[pl.ds(s, 1), :, pl.ds(b0, _BC)])
        one = jnp.ones((16,), jnp.int32)
        zero = jnp.zeros((16,), jnp.int32)
        for g in range(_NG):
            sl = pl.ds(g * 16, 16)
            cntv[sl] = cntv[sl] + jnp.where(accv[sl] != 0.0, one, zero)
        return carry

    lax.fori_loop(0, _KS, unit, 0)

    for g in range(_NG):
        sl = pl.ds(g * 16, 16)
        stage[sl] = cntv[sl]
    pltpu.sync_copy(stage, shared.at[t])
    plsc.subcore_barrier()

    @pl.when(t < 4)
    def _emit():
        for j in range(4):
            pltpu.sync_copy(shared.at[t + 4 * j], comb.at[j])
        for g in range(_NG):
            sl = pl.ds(g * 16, 16)
            stage[sl] = (
                comb[0, sl] + comb[1, sl] + comb[2, sl] + comb[3, sl]
            )
        pltpu.sync_copy(stage, lens.at[pl.ds(c * 2048 + bc * _BC, _BC)])


def kernel(batch):
    S, B, D = batch.shape
    x2 = jnp.transpose(batch, (0, 2, 1))
    mesh = plsc.VectorSubcoreMesh(core_axis_name="c", subcore_axis_name="s")
    sc = functools.partial(
        pl.kernel,
        mesh=mesh,
        out_type=[
            jax.ShapeDtypeStruct((S, D, B), jnp.float32),
            jax.ShapeDtypeStruct((B,), jnp.int32),
        ],
        scratch_types=[
            pltpu.VMEM((1, D, _BC), jnp.float32),
            pltpu.VMEM((_BC,), jnp.int32),
            pltpu.VMEM((_BC,), jnp.float32),
            pltpu.VMEM((_BC,), jnp.int32),
            pltpu.VMEM((4, _BC), jnp.int32),
            pltpu.VMEM_SHARED((16, _BC), jnp.int32),
        ],
    )(_sc_body)
    out2, lengths = sc(x2)
    states = jnp.transpose(out2, (2, 0, 1))
    return states, lengths

# --- scband reference (transcript-rebuilt; emitter-appended) ---
"""Pipeline reference for scband-layer-16655883174399 (READ-ONLY COPY).

The authoritative reference and input builder live on the scoring server;
editing this copy changes nothing except your own understanding.
"""

import jax, jax.numpy as jnp
import numpy as np

S, B, D = 200, 4096, 64

def setup_inputs(seed: int = 0) -> dict:
    key = jax.random.key(seed)
    batch = jax.random.normal(key, (S, B, D), dtype=jnp.float32)
    return {"batch": batch}

def reference(batch):
    # _embed: embedding is None -> passthrough branch
    # batch: float32 [S, B, D]
    lengths = jnp.sum(jnp.sum(batch, axis=2) != 0.0, axis=0)  # [B]
    embedded_inputs = batch
    # _forward: transpose time and batch dims
    states = jnp.transpose(embedded_inputs, (1, 0, 2))  # [B, S, D]
    return (states, lengths)

if __name__ == "__main__":
    import jax
    _d = setup_inputs()
    print(jax.jit(kernel)(*tuple(_d.values())))

</pallas_src>

<mosaic_0001>
#map = affine_map<(d0, d1) -> (0, 0, 0)>
#map1 = affine_map<(d0, d1) -> (0)>
module attributes {stable_mosaic.version = 14 : i64} {
  func.func @_sc_body(%arg0: i32, %arg1: i32, %arg2: memref<200x64x4096xf32, #tpu.memory_space<hbm>>, %arg3: memref<200x64x4096xf32, #tpu.memory_space<hbm>>, %arg4: memref<4096xi32, #tpu.memory_space<hbm>>, %arg5: memref<1x64x512xf32, #tpu.memory_space<vmem>>, %arg6: memref<512xi32, #tpu.memory_space<vmem>>, %arg7: memref<512xf32, #tpu.memory_space<vmem>>, %arg8: memref<512xi32, #tpu.memory_space<vmem>>, %arg9: memref<4x512xi32, #tpu.memory_space<vmem>>, %arg10: memref<16x512xi32, #tpu.memory_space<vmem_shared>>) attributes {dimension_semantics = [#tpu.dimension_semantics<core_parallel>, #tpu.dimension_semantics<subcore_parallel>], iteration_bounds = array<i64: 2, 16>, scalar_prefetch = 0 : i64, scratch_operands = 6 : i64, tpu.core_type = #tpu.core_type<sc_vector_subcore>, window_params = [{transform_indices = #map}, {transform_indices = #map}, {transform_indices = #map1}]} {
    %rem3A = arith.constant 4 : i32
    %rem3A_0 = arith.remsi %arg1, %rem3A : i32
    %jit3A = arith.constant 4 : i32
    %div3A = arith.divsi %arg1, %jit3A : i32
    %sign3A = arith.constant 0 : i32
    %sign3A_1 = arith.cmpi sgt, %arg1, %sign3A : i32
    %sign3A_2 = arith.extui %sign3A_1 : i1 to i32
    %sign3A_3 = arith.constant 0 : i32
    %sign3A_4 = arith.cmpi slt, %arg1, %sign3A_3 : i32
    %sign3A_5 = arith.extui %sign3A_4 : i1 to i32
    %sign3A_6 = arith.subi %sign3A_2, %sign3A_5 : i32
    %sign3A_7 = arith.constant 0 : i32
    %sign3A_8 = arith.cmpi sgt, %jit3A, %sign3A_7 : i32
    %sign3A_9 = arith.extui %sign3A_8 : i1 to i32
    %sign3A_10 = arith.constant 0 : i32
    %sign3A_11 = arith.cmpi slt, %jit3A, %sign3A_10 : i32
    %sign3A_12 = arith.extui %sign3A_11 : i1 to i32
    %sign3A_13 = arith.subi %sign3A_9, %sign3A_12 : i32
    %ne3A = arith.cmpi ne, %sign3A_6, %sign3A_13 : i32
    %rem3A_14 = arith.remsi %arg1, %jit3A : i32
    %ne3A_15 = arith.constant 0 : i32
    %ne3A_16 = arith.cmpi ne, %rem3A_14, %ne3A_15 : i32
    %and3A = arith.andi %ne3A, %ne3A_16 : i1
    %sub3A = arith.constant 1 : i32
    %sub3A_17 = arith.subi %div3A, %sub3A : i32
    %select_n3A = arith.select %and3A, %sub3A_17, %div3A : i32
    %mul3A = arith.constant 2048 : i32
    %mul3A_18 = arith.muli %arg0, %mul3A : i32
    %mul3A_19 = arith.constant 512 : i32
    %mul3A_20 = arith.muli %rem3A_0, %mul3A_19 : i32
    %add3A = arith.addi %mul3A_18, %mul3A_20 : i32
    %broadcast_in_dim3A = arith.constant 0 : i32
    %broadcast_in_dim3A_21 = vector.broadcast %broadcast_in_dim3A : i32 to vector<16xi32>
    %swap3A = arith.constant 0 : index
    %swap3A_22 = tpu.vector_load %arg8[%swap3A] {strides = array<i32>} : memref<512xi32, #tpu.memory_space<vmem>>, vector<16xi32>,
    %swap3A_23 = vector.shape_cast %swap3A_22 : vector<16xi32> to vector<16xi32>
    %swap3A_24 = vector.shape_cast %broadcast_in_dim3A_21 : vector<16xi32> to vector<16xi32>
    tpu.vector_store %arg8[%swap3A], %swap3A_24 {strides = array<i32>} : memref<512xi32, #tpu.memory_space<vmem>>, vector<16xi32>,
    %broadcast_in_dim3A_25 = arith.constant 0 : i32
    %broadcast_in_dim3A_26 = vector.broadcast %broadcast_in_dim3A_25 : i32 to vector<16xi32>
    %swap3A_27 = arith.constant 16 : index
    %swap3A_28 = tpu.vector_load %arg8[%swap3A_27] {strides = array<i32>} : memref<512xi32, #tpu.memory_space<vmem>>, vector<16xi32>,
    %swap3A_29 = vector.shape_cast %swap3A_28 : vector<16xi32> to vector<16xi32>
    %swap3A_30 = vector.shape_cast %broadcast_in_dim3A_26 : vector<16xi32> to vector<16xi32>
    tpu.vector_store %arg8[%swap3A_27], %swap3A_30 {strides = array<i32>} : memref<512xi32, #tpu.memory_space<vmem>>, vector<16xi32>,
    %broadcast_in_dim3A_31 = arith.constant 0 : i32
    %broadcast_in_dim3A_32 = vector.broadcast %broadcast_in_dim3A_31 : i32 to vector<16xi32>
    %swap3A_33 = arith.constant 32 : index
    %swap3A_34 = tpu.vector_load %arg8[%swap3A_33] {strides = array<i32>} : memref<512xi32, #tpu.memory_space<vmem>>, vector<16xi32>,
    %swap3A_35 = vector.shape_cast %swap3A_34 : vector<16xi32> to vector<16xi32>
    %swap3A_36 = vector.shape_cast %broadcast_in_dim3A_32 : vector<16xi32> to vector<16xi32>
    tpu.vector_store %arg8[%swap3A_33], %swap3A_36 {strides = array<i32>} : memref<512xi32, #tpu.memory_space<vmem>>, vector<16xi32>,
    %broadcast_in_dim3A_37 = arith.constant 0 : i32
    %broadcast_in_dim3A_38 = vector.broadcast %broadcast_in_dim3A_37 : i32 to vector<16xi32>
    %swap3A_39 = arith.constant 48 : index
    %swap3A_40 = tpu.vector_load %arg8[%swap3A_39] {strides = array<i32>} : memref<512xi32, #tpu.memory_space<vmem>>, vector<16xi32>,
    %swap3A_41 = vector.shape_cast %swap3A_40 : vector<16xi32> to vector<16xi32>
    %swap3A_42 = vector.shape_cast %broadcast_in_dim3A_38 : vector<16xi32> to vector<16xi32>
    tpu.vector_store %arg8[%swap3A_39], %swap3A_42 {strides = array<i32>} : memref<512xi32, #tpu.memory_space<vmem>>, vector<16xi32>,
    %broadcast_in_dim3A_43 = arith.constant 0 : i32
    %broadcast_in_dim3A_44 = vector.broadcast %broadcast_in_dim3A_43 : i32 to vector<16xi32>
    %swap3A_45 = arith.constant 64 : index
    %swap3A_46 = tpu.vector_load %arg8[%swap3A_45] {strides = array<i32>} : memref<512xi32, #tpu.memory_space<vmem>>, vector<16xi32>,
    %swap3A_47 = vector.shape_cast %swap3A_46 : vector<16xi32> to vector<16xi32>
    %swap3A_48 = vector.shape_cast %broadcast_in_dim3A_44 : vector<16xi32> to vector<16xi32>
    tpu.vector_store %arg8[%swap3A_45], %swap3A_48 {strides = array<i32>} : memref<512xi32, #tpu.memory_space<vmem>>, vector<16xi32>,
    %broadcast_in_dim3A_49 = arith.constant 0 : i32
    %broadcast_in_dim3A_50 = vector.broadcast %broadcast_in_dim3A_49 : i32 to vector<16xi32>
    %swap3A_51 = arith.constant 80 : index
    %swap3A_52 = tpu.vector_load %arg8[%swap3A_51] {strides = array<i32>} : memref<512xi32, #tpu.memory_space<vmem>>, vector<16xi32>,
    %swap3A_53 = vector.shape_cast %swap3A_52 : vector<16xi32> to vector<16xi32>
    %swap3A_54 = vector.shape_cast %broadcast_in_dim3A_50 : vector<16xi32> to vector<16xi32>
    tpu.vector_store %arg8[%swap3A_51], %swap3A_54 {strides = array<i32>} : memref<512xi32, #tpu.memory_space<vmem>>, vector<16xi32>,
    %broadcast_in_dim3A_55 = arith.constant 0 : i32
    %broadcast_in_dim3A_56 = vector.broadcast %broadcast_in_dim3A_55 : i32 to vector<16xi32>
    %swap3A_57 = arith.constant 96 : index
    %swap3A_58 = tpu.vector_load %arg8[%swap3A_57] {strides = array<i32>} : memref<512xi32, #tpu.memory_space<vmem>>, vector<16xi32>,
    %swap3A_59 = vector.shape_cast %swap3A_58 : vector<16xi32> to vector<16xi32>
    %swap3A_60 = vector.shape_cast %broadcast_in_dim3A_56 : vector<16xi32> to vector<16xi32>
    tpu.vector_store %arg8[%swap3A_57], %swap3A_60 {strides = array<i32>} : memref<512xi32, #tpu.memory_space<vmem>>, vector<16xi32>,
    %broadcast_in_dim3A_61 = arith.constant 0 : i32
    %broadcast_in_dim3A_62 = vector.broadcast %broadcast_in_dim3A_61 : i32 to vector<16xi32>
    %swap3A_63 = arith.constant 112 : index
    %swap3A_64 = tpu.vector_load %arg8[%swap3A_63] {strides = array<i32>} : memref<512xi32, #tpu.memory_space<vmem>>, vector<16xi32>,
    %swap3A_65 = vector.shape_cast %swap3A_64 : vector<16xi32> to vector<16xi32>
    %swap3A_66 = vector.shape_cast %broadcast_in_dim3A_62 : vector<16xi32> to vector<16xi32>
    tpu.vector_store %arg8[%swap3A_63], %swap3A_66 {strides = array<i32>} : memref<512xi32, #tpu.memory_space<vmem>>, vector<16xi32>,
    %broadcast_in_dim3A_67 = arith.constant 0 : i32
    %broadcast_in_dim3A_68 = vector.broadcast %broadcast_in_dim3A_67 : i32 to vector<16xi32>
    %swap3A_69 = arith.constant 128 : index
    %swap3A_70 = tpu.vector_load %arg8[%swap3A_69] {strides = array<i32>} : memref<512xi32, #tpu.memory_space<vmem>>, vector<16xi32>,
    %swap3A_71 = vector.shape_cast %swap3A_70 : vector<16xi32> to vector<16xi32>
    %swap3A_72 = vector.shape_cast %broadcast_in_dim3A_68 : vector<16xi32> to vector<16xi32>
    tpu.vector_store %arg8[%swap3A_69], %swap3A_72 {strides = array<i32>} : memref<512xi32, #tpu.memory_space<vmem>>, vector<16xi32>,
    %broadcast_in_dim3A_73 = arith.constant 0 : i32
    %broadcast_in_dim3A_74 = vector.broadcast %broadcast_in_dim3A_73 : i32 to vector<16xi32>
    %swap3A_75 = arith.constant 144 : index
    %swap3A_76 = tpu.vector_load %arg8[%swap3A_75] {strides = array<i32>} : memref<512xi32, #tpu.memory_space<vmem>>, vector<16xi32>,
    %swap3A_77 = vector.shape_cast %swap3A_76 : vector<16xi32> to vector<16xi32>
    %swap3A_78 = vector.shape_cast %broadcast_in_dim3A_74 : vector<16xi32> to vector<16xi32>
    tpu.vector_store %arg8[%swap3A_75], %swap3A_78 {strides = array<i32>} : memref<512xi32, #tpu.memory_space<vmem>>, vector<16xi32>,
    %broadcast_in_dim3A_79 = arith.constant 0 : i32
    %broadcast_in_dim3A_80 = vector.broadcast %broadcast_in_dim3A_79 : i32 to vector<16xi32>
    %swap3A_81 = arith.constant 160 : index
    %swap3A_82 = tpu.vector_load %arg8[%swap3A_81] {strides = array<i32>} : memref<512xi32, #tpu.memory_space<vmem>>, vector<16xi32>,
    %swap3A_83 = vector.shape_cast %swap3A_82 : vector<16xi32> to vector<16xi32>
    %swap3A_84 = vector.shape_cast %broadcast_in_dim3A_80 : vector<16xi32> to vector<16xi32>
    tpu.vector_store %arg8[%swap3A_81], %swap3A_84 {strides = array<i32>} : memref<512xi32, #tpu.memory_space<vmem>>, vector<16xi32>,
    %broadcast_in_dim3A_85 = arith.constant 0 : i32
    %broadcast_in_dim3A_86 = vector.broadcast %broadcast_in_dim3A_85 : i32 to vector<16xi32>
    %swap3A_87 = arith.constant 176 : index
    %swap3A_88 = tpu.vector_load %arg8[%swap3A_87] {strides = array<i32>} : memref<512xi32, #tpu.memory_space<vmem>>, vector<16xi32>,
    %swap3A_89 = vector.shape_cast %swap3A_88 : vector<16xi32> to vector<16xi32>
    %swap3A_90 = vector.shape_cast %broadcast_in_dim3A_86 : vector<16xi32> to vector<16xi32>
    tpu.vector_store %arg8[%swap3A_87], %swap3A_90 {strides = array<i32>} : memref<512xi32, #tpu.memory_space<vmem>>, vector<16xi32>,
    %broadcast_in_dim3A_91 = arith.constant 0 : i32
    %broadcast_in_dim3A_92 = vector.broadcast %broadcast_in_dim3A_91 : i32 to vector<16xi32>
    %swap3A_93 = arith.constant 192 : index
    %swap3A_94 = tpu.vector_load %arg8[%swap3A_93] {strides = array<i32>} : memref<512xi32, #tpu.memory_space<vmem>>, vector<16xi32>,
    %swap3A_95 = vector.shape_cast %swap3A_94 : vector<16xi32> to vector<16xi32>
    %swap3A_96 = vector.shape_cast %broadcast_in_dim3A_92 : vector<16xi32> to vector<16xi32>
    tpu.vector_store %arg8[%swap3A_93], %swap3A_96 {strides = array<i32>} : memref<512xi32, #tpu.memory_space<vmem>>, vector<16xi32>,
    %broadcast_in_dim3A_97 = arith.constant 0 : i32
    %broadcast_in_dim3A_98 = vector.broadcast %broadcast_in_dim3A_97 : i32 to vector<16xi32>
    %swap3A_99 = arith.constant 208 : index
    %swap3A_100 = tpu.vector_load %arg8[%swap3A_99] {strides = array<i32>} : memref<512xi32, #tpu.memory_space<vmem>>, vector<16xi32>,
    %swap3A_101 = vector.shape_cast %swap3A_100 : vector<16xi32> to vector<16xi32>
    %swap3A_102 = vector.shape_cast %broadcast_in_dim3A_98 : vector<16xi32> to vector<16xi32>
    tpu.vector_store %arg8[%swap3A_99], %swap3A_102 {strides = array<i32>} : memref<512xi32, #tpu.memory_space<vmem>>, vector<16xi32>,
    %broadcast_in_dim3A_103 = arith.constant 0 : i32
    %broadcast_in_dim3A_104 = vector.broadcast %broadcast_in_dim3A_103 : i32 to vector<16xi32>
    %swap3A_105 = arith.constant 224 : index
    %swap3A_106 = tpu.vector_load %arg8[%swap3A_105] {strides = array<i32>} : memref<512xi32, #tpu.memory_space<vmem>>, vector<16xi32>,
    %swap3A_107 = vector.shape_cast %swap3A_106 : vector<16xi32> to vector<16xi32>
    %swap3A_108 = vector.shape_cast %broadcast_in_dim3A_104 : vector<16xi32> to vector<16xi32>
    tpu.vector_store %arg8[%swap3A_105], %swap3A_108 {strides = array<i32>} : memref<512xi32, #tpu.memory_space<vmem>>, vector<16xi32>,
    %broadcast_in_dim3A_109 = arith.constant 0 : i32
    %broadcast_in_dim3A_110 = vector.broadcast %broadcast_in_dim3A_109 : i32 to vector<16xi32>
    %swap3A_111 = arith.constant 240 : index
    %swap3A_112 = tpu.vector_load %arg8[%swap3A_111] {strides = array<i32>} : memref<512xi32, #tpu.memory_space<vmem>>, vector<16xi32>,
    %swap3A_113 = vector.shape_cast %swap3A_112 : vector<16xi32> to vector<16xi32>
    %swap3A_114 = vector.shape_cast %broadcast_in_dim3A_110 : vector<16xi32> to vector<16xi32>
    tpu.vector_store %arg8[%swap3A_111], %swap3A_114 {strides = array<i32>} : memref<512xi32, #tpu.memory_space<vmem>>, vector<16xi32>,
    %broadcast_in_dim3A_115 = arith.constant 0 : i32
    %broadcast_in_dim3A_116 = vector.broadcast %broadcast_in_dim3A_115 : i32 to vector<16xi32>
    %swap3A_117 = arith.constant 256 : index
    %swap3A_118 = tpu.vector_load %arg8[%swap3A_117] {strides = array<i32>} : memref<512xi32, #tpu.memory_space<vmem>>, vector<16xi32>,
    %swap3A_119 = vector.shape_cast %swap3A_118 : vector<16xi32> to vector<16xi32>
    %swap3A_120 = vector.shape_cast %broadcast_in_dim3A_116 : vector<16xi32> to vector<16xi32>
    tpu.vector_store %arg8[%swap3A_117], %swap3A_120 {strides = array<i32>} : memref<512xi32, #tpu.memory_space<vmem>>, vector<16xi32>,
    %broadcast_in_dim3A_121 = arith.constant 0 : i32
    %broadcast_in_dim3A_122 = vector.broadcast %broadcast_in_dim3A_121 : i32 to vector<16xi32>
    %swap3A_123 = arith.constant 272 : index
    %swap3A_124 = tpu.vector_load %arg8[%swap3A_123] {strides = array<i32>} : memref<512xi32, #tpu.memory_space<vmem>>, vector<16xi32>,
    %swap3A_125 = vector.shape_cast %swap3A_124 : vector<16xi32> to vector<16xi32>
    %swap3A_126 = vector.shape_cast %broadcast_in_dim3A_122 : vector<16xi32> to vector<16xi32>
    tpu.vector_store %arg8[%swap3A_123], %swap3A_126 {strides = array<i32>} : memref<512xi32, #tpu.memory_space<vmem>>, vector<16xi32>,
    %broadcast_in_dim3A_127 = arith.constant 0 : i32
    %broadcast_in_dim3A_128 = vector.broadcast %broadcast_in_dim3A_127 : i32 to vector<16xi32>
    %swap3A_129 = arith.constant 288 : index
    %swap3A_130 = tpu.vector_load %arg8[%swap3A_129] {strides = array<i32>} : memref<512xi32, #tpu.memory_space<vmem>>, vector<16xi32>,
    %swap3A_131 = vector.shape_cast %swap3A_130 : vector<16xi32> to vector<16xi32>
    %swap3A_132 = vector.shape_cast %broadcast_in_dim3A_128 : vector<16xi32> to vector<16xi32>
    tpu.vector_store %arg8[%swap3A_129], %swap3A_132 {strides = array<i32>} : memref<512xi32, #tpu.memory_space<vmem>>, vector<16xi32>,
    %broadcast_in_dim3A_133 = arith.constant 0 : i32
    %broadcast_in_dim3A_134 = vector.broadcast %broadcast_in_dim3A_133 : i32 to vector<16xi32>
    %swap3A_135 = arith.constant 304 : index
    %swap3A_136 = tpu.vector_load %arg8[%swap3A_135] {strides = array<i32>} : memref<512xi32, #tpu.memory_space<vmem>>, vector<16xi32>,
    %swap3A_137 = vector.shape_cast %swap3A_136 : vector<16xi32> to vector<16xi32>
    %swap3A_138 = vector.shape_cast %broadcast_in_dim3A_134 : vector<16xi32> to vector<16xi32>
    tpu.vector_store %arg8[%swap3A_135], %swap3A_138 {strides = array<i32>} : memref<512xi32, #tpu.memory_space<vmem>>, vector<16xi32>,
    %broadcast_in_dim3A_139 = arith.constant 0 : i32
    %broadcast_in_dim3A_140 = vector.broadcast %broadcast_in_dim3A_139 : i32 to vector<16xi32>
    %swap3A_141 = arith.constant 320 : index
    %swap3A_142 = tpu.vector_load %arg8[%swap3A_141] {strides = array<i32>} : memref<512xi32, #tpu.memory_space<vmem>>, vector<16xi32>,
    %swap3A_143 = vector.shape_cast %swap3A_142 : vector<16xi32> to vector<16xi32>
    %swap3A_144 = vector.shape_cast %broadcast_in_dim3A_140 : vector<16xi32> to vector<16xi32>
    tpu.vector_store %arg8[%swap3A_141], %swap3A_144 {strides = array<i32>} : memref<512xi32, #tpu.memory_space<vmem>>, vector<16xi32>,
    %broadcast_in_dim3A_145 = arith.constant 0 : i32
    %broadcast_in_dim3A_146 = vector.broadcast %broadcast_in_dim3A_145 : i32 to vector<16xi32>
    %swap3A_147 = arith.constant 336 : index
    %swap3A_148 = tpu.vector_load %arg8[%swap3A_147] {strides = array<i32>} : memref<512xi32, #tpu.memory_space<vmem>>, vector<16xi32>,
    %swap3A_149 = vector.shape_cast %swap3A_148 : vector<16xi32> to vector<16xi32>
    %swap3A_150 = vector.shape_cast %broadcast_in_dim3A_146 : vector<16xi32> to vector<16xi32>
    tpu.vector_store %arg8[%swap3A_147], %swap3A_150 {strides = array<i32>} : memref<512xi32, #tpu.memory_space<vmem>>, vector<16xi32>,
    %broadcast_in_dim3A_151 = arith.constant 0 : i32
    %broadcast_in_dim3A_152 = vector.broadcast %broadcast_in_dim3A_151 : i32 to vector<16xi32>
    %swap3A_153 = arith.constant 352 : index
    %swap3A_154 = tpu.vector_load %arg8[%swap3A_153] {strides = array<i32>} : memref<512xi32, #tpu.memory_space<vmem>>, vector<16xi32>,
    %swap3A_155 = vector.shape_cast %swap3A_154 : vector<16xi32> to vector<16xi32>
    %swap3A_156 = vector.shape_cast %broadcast_in_dim3A_152 : vector<16xi32> to vector<16xi32>
    tpu.vector_store %arg8[%swap3A_153], %swap3A_156 {strides = array<i32>} : memref<512xi32, #tpu.memory_space<vmem>>, vector<16xi32>,
    %broadcast_in_dim3A_157 = arith.constant 0 : i32
    %broadcast_in_dim3A_158 = vector.broadcast %broadcast_in_dim3A_157 : i32 to vector<16xi32>
    %swap3A_159 = arith.constant 368 : index
    %swap3A_160 = tpu.vector_load %arg8[%swap3A_159] {strides = array<i32>} : memref<512xi32, #tpu.memory_space<vmem>>, vector<16xi32>,
    %swap3A_161 = vector.shape_cast %swap3A_160 : vector<16xi32> to vector<16xi32>
    %swap3A_162 = vector.shape_cast %broadcast_in_dim3A_158 : vector<16xi32> to vector<16xi32>
    tpu.vector_store %arg8[%swap3A_159], %swap3A_162 {strides = array<i32>} : memref<512xi32, #tpu.memory_space<vmem>>, vector<16xi32>,
    %broadcast_in_dim3A_163 = arith.constant 0 : i32
    %broadcast_in_dim3A_164 = vector.broadcast %broadcast_in_dim3A_163 : i32 to vector<16xi32>
    %swap3A_165 = arith.constant 384 : index
    %swap3A_166 = tpu.vector_load %arg8[%swap3A_165] {strides = array<i32>} : memref<512xi32, #tpu.memory_space<vmem>>, vector<16xi32>,
    %swap3A_167 = vector.shape_cast %swap3A_166 : vector<16xi32> to vector<16xi32>
    %swap3A_168 = vector.shape_cast %broadcast_in_dim3A_164 : vector<16xi32> to vector<16xi32>
    tpu.vector_store %arg8[%swap3A_165], %swap3A_168 {strides = array<i32>} : memref<512xi32, #tpu.memory_space<vmem>>, vector<16xi32>,
    %broadcast_in_dim3A_169 = arith.constant 0 : i32
    %broadcast_in_dim3A_170 = vector.broadcast %broadcast_in_dim3A_169 : i32 to vector<16xi32>
    %swap3A_171 = arith.constant 400 : index
    %swap3A_172 = tpu.vector_load %arg8[%swap3A_171] {strides = array<i32>} : memref<512xi32, #tpu.memory_space<vmem>>, vector<16xi32>,
    %swap3A_173 = vector.shape_cast %swap3A_172 : vector<16xi32> to vector<16xi32>
    %swap3A_174 = vector.shape_cast %broadcast_in_dim3A_170 : vector<16xi32> to vector<16xi32>
    tpu.vector_store %arg8[%swap3A_171], %swap3A_174 {strides = array<i32>} : memref<512xi32, #tpu.memory_space<vmem>>, vector<16xi32>,
    %broadcast_in_dim3A_175 = arith.constant 0 : i32
    %broadcast_in_dim3A_176 = vector.broadcast %broadcast_in_dim3A_175 : i32 to vector<16xi32>
    %swap3A_177 = arith.constant 416 : index
    %swap3A_178 = tpu.vector_load %arg8[%swap3A_177] {strides = array<i32>} : memref<512xi32, #tpu.memory_space<vmem>>, vector<16xi32>,
    %swap3A_179 = vector.shape_cast %swap3A_178 : vector<16xi32> to vector<16xi32>
    %swap3A_180 = vector.shape_cast %broadcast_in_dim3A_176 : vector<16xi32> to vector<16xi32>
    tpu.vector_store %arg8[%swap3A_177], %swap3A_180 {strides = array<i32>} : memref<512xi32, #tpu.memory_space<vmem>>, vector<16xi32>,
    %broadcast_in_dim3A_181 = arith.constant 0 : i32
    %broadcast_in_dim3A_182 = vector.broadcast %broadcast_in_dim3A_181 : i32 to vector<16xi32>
    %swap3A_183 = arith.constant 432 : index
    %swap3A_184 = tpu.vector_load %arg8[%swap3A_183] {strides = array<i32>} : memref<512xi32, #tpu.memory_space<vmem>>, vector<16xi32>,
    %swap3A_185 = vector.shape_cast %swap3A_184 : vector<16xi32> to vector<16xi32>
    %swap3A_186 = vector.shape_cast %broadcast_in_dim3A_182 : vector<16xi32> to vector<16xi32>
    tpu.vector_store %arg8[%swap3A_183], %swap3A_186 {strides = array<i32>} : memref<512xi32, #tpu.memory_space<vmem>>, vector<16xi32>,
    %broadcast_in_dim3A_187 = arith.constant 0 : i32
    %broadcast_in_dim3A_188 = vector.broadcast %broadcast_in_dim3A_187 : i32 to vector<16xi32>
    %swap3A_189 = arith.constant 448 : index
    %swap3A_190 = tpu.vector_load %arg8[%swap3A_189] {strides = array<i32>} : memref<512xi32, #tpu.memory_space<vmem>>, vector<16xi32>,
    %swap3A_191 = vector.shape_cast %swap3A_190 : vector<16xi32> to vector<16xi32>
    %swap3A_192 = vector.shape_cast %broadcast_in_dim3A_188 : vector<16xi32> to vector<16xi32>
    tpu.vector_store %arg8[%swap3A_189], %swap3A_192 {strides = array<i32>} : memref<512xi32, #tpu.memory_space<vmem>>, vector<16xi32>,
    %broadcast_in_dim3A_193 = arith.constant 0 : i32
    %broadcast_in_dim3A_194 = vector.broadcast %broadcast_in_dim3A_193 : i32 to vector<16xi32>
    %swap3A_195 = arith.constant 464 : index
    %swap3A_196 = tpu.vector_load %arg8[%swap3A_195] {strides = array<i32>} : memref<512xi32, #tpu.memory_space<vmem>>, vector<16xi32>,
    %swap3A_197 = vector.shape_cast %swap3A_196 : vector<16xi32> to vector<16xi32>
    %swap3A_198 = vector.shape_cast %broadcast_in_dim3A_194 : vector<16xi32> to vector<16xi32>
    tpu.vector_store %arg8[%swap3A_195], %swap3A_198 {strides = array<i32>} : memref<512xi32, #tpu.memory_space<vmem>>, vector<16xi32>,
    %broadcast_in_dim3A_199 = arith.constant 0 : i32
    %broadcast_in_dim3A_200 = vector.broadcast %broadcast_in_dim3A_199 : i32 to vector<16xi32>
    %swap3A_201 = arith.constant 480 : index
    %swap3A_202 = tpu.vector_load %arg8[%swap3A_201] {strides = array<i32>} : memref<512xi32, #tpu.memory_space<vmem>>, vector<16xi32>,
    %swap3A_203 = vector.shape_cast %swap3A_202 : vector<16xi32> to vector<16xi32>
    %swap3A_204 = vector.shape_cast %broadcast_in_dim3A_200 : vector<16xi32> to vector<16xi32>
    tpu.vector_store %arg8[%swap3A_201], %swap3A_204 {strides = array<i32>} : memref<512xi32, #tpu.memory_space<vmem>>, vector<16xi32>,
    %broadcast_in_dim3A_205 = arith.constant 0 : i32
    %broadcast_in_dim3A_206 = vector.broadcast %broadcast_in_dim3A_205 : i32 to vector<16xi32>
    %swap3A_207 = arith.constant 496 : index
    %swap3A_208 = tpu.vector_load %arg8[%swap3A_207] {strides = array<i32>} : memref<512xi32, #tpu.memory_space<vmem>>, vector<16xi32>,
    %swap3A_209 = vector.shape_cast %swap3A_208 : vector<16xi32> to vector<16xi32>
    %swap3A_210 = vector.shape_cast %broadcast_in_dim3A_206 : vector<16xi32> to vector<16xi32>
    tpu.vector_store %arg8[%swap3A_207], %swap3A_210 {strides = array<i32>} : memref<512xi32, #tpu.memory_space<vmem>>, vector<16xi32>,
    %scan3A = arith.constant 0 : i32
    %scan3A_211 = arith.constant 0 : i32
    %scan3A_212 = arith.constant 50 : i32
    %scan3A_213 = arith.addi %scan3A_211, %scan3A_212 : i32
    %scan3A_214 = arith.constant 1 : i32
    scf.for %scan3A_441 = %scan3A_211 to %scan3A_213 step %scan3A_214  : i32 {
      %mul3A_442 = arith.constant 4 : i32
      %mul3A_443 = arith.muli %mul3A_442, %scan3A_441 : i32
      %add3A_444 = arith.addi %select_n3A, %mul3A_443 : i32
      "tpu.region"() ({
        %run_scoped3A = tpu.sem_alloc : memref<!tpu.dma_semaphore, #tpu.memory_space<semaphore_mem>>
        %dma_start3A = arith.constant 0 : i32
        %dma_start3A_1127 = tpu.memref_slice %arg2[%add3A_444, %dma_start3A, %add3A] : memref<200x64x4096xf32, #tpu.memory_space<hbm>> -> memref<1x64x512xf32, #tpu.memory_space<hbm>>
        %dma_start3A_1128 = arith.constant 0 : i32
        %dma_start3A_1129 = tpu.memref_slice %arg2[%add3A_444, %dma_start3A_1128, %add3A] : memref<200x64x4096xf32, #tpu.memory_space<hbm>> -> memref<1x64x512xf32, #tpu.memory_space<hbm>>
        tpu.enqueue_dma source(%dma_start3A_1129 : memref<1x64x512xf32, #tpu.memory_space<hbm>>) target(%arg5 : memref<1x64x512xf32, #tpu.memory_space<vmem>>) target_semaphore(%run_scoped3A : memref<!tpu.dma_semaphore, #tpu.memory_space<semaphore_mem>>)
        %dma_wait3A = arith.constant 0 : i32
        %dma_wait3A_1130 = tpu.memref_slice %arg2[%add3A_444, %dma_wait3A, %add3A] : memref<200x64x4096xf32, #tpu.memory_space<hbm>> -> memref<1x64x512xf32, #tpu.memory_space<hbm>>
        %dma_wait3A_1131 = arith.constant 0 : i32
        %dma_wait3A_1132 = tpu.memref_slice %arg2[%add3A_444, %dma_wait3A_1131, %add3A] : memref<200x64x4096xf32, #tpu.memory_space<hbm>> -> memref<1x64x512xf32, #tpu.memory_space<hbm>>
        tpu.wait_dma2 semaphore(%run_scoped3A : memref<!tpu.dma_semaphore, #tpu.memory_space<semaphore_mem>>) src(%dma_wait3A_1132 : memref<1x64x512xf32, #tpu.memory_space<hbm>>) dst(%arg5 : memref<1x64x512xf32, #tpu.memory_space<vmem>>)
        tpu.yield
      }) : () -> ()
      %broadcast_in_dim3A_445 = arith.constant 0.000000e+00 : f32
      %broadcast_in_dim3A_446 = vector.broadcast %broadcast_in_dim3A_445 : f32 to vector<16xf32>
      %swap3A_447 = arith.constant 0 : index
      %swap3A_448 = tpu.vector_load %arg7[%swap3A_447] {strides = array<i32>} : memref<512xf32, #tpu.memory_space<vmem>>, vector<16xf32>,
      %swap3A_449 = vector.shape_cast %swap3A_448 : vector<16xf32> to vector<16xf32>
      %swap3A_450 = vector.shape_cast %broadcast_in_dim3A_446 : vector<16xf32> to vector<16xf32>
      tpu.vector_store %arg7[%swap3A_447], %swap3A_450 {strides = array<i32>} : memref<512xf32, #tpu.memory_space<vmem>>, vector<16xf32>,
      %broadcast_in_dim3A_451 = arith.constant 0.000000e+00 : f32
      %broadcast_in_dim3A_452 = vector.broadcast %broadcast_in_dim3A_451 : f32 to vector<16xf32>
      %swap3A_453 = arith.constant 16 : index
      %swap3A_454 = tpu.vector_load %arg7[%swap3A_453] {strides = array<i32>} : memref<512xf32, #tpu.memory_space<vmem>>, vector<16xf32>,
      %swap3A_455 = vector.shape_cast %swap3A_454 : vector<16xf32> to vector<16xf32>
      %swap3A_456 = vector.shape_cast %broadcast_in_dim3A_452 : vector<16xf32> to vector<16xf32>
      tpu.vector_store %arg7[%swap3A_453], %swap3A_456 {strides = array<i32>} : memref<512xf32, #tpu.memory_space<vmem>>, vector<16xf32>,
      %broadcast_in_dim3A_457 = arith.constant 0.000000e+00 : f32
      %broadcast_in_dim3A_458 = vector.broadcast %broadcast_in_dim3A_457 : f32 to vector<16xf32>
      %swap3A_459 = arith.constant 32 : index
      %swap3A_460 = tpu.vector_load %arg7[%swap3A_459] {strides = array<i32>} : memref<512xf32, #tpu.memory_space<vmem>>, vector<16xf32>,
      %swap3A_461 = vector.shape_cast %swap3A_460 : vector<16xf32> to vector<16xf32>
      %swap3A_462 = vector.shape_cast %broadcast_in_dim3A_458 : vector<16xf32> to vector<16xf32>
      tpu.vector_store %arg7[%swap3A_459], %swap3A_462 {strides = array<i32>} : memref<512xf32, #tpu.memory_space<vmem>>, vector<16xf32>,
      %broadcast_in_dim3A_463 = arith.constant 0.000000e+00 : f32
      %broadcast_in_dim3A_464 = vector.broadcast %broadcast_in_dim3A_463 : f32 to vector<16xf32>
      %swap3A_465 = arith.constant 48 : index
      %swap3A_466 = tpu.vector_load %arg7[%swap3A_465] {strides = array<i32>} : memref<512xf32, #tpu.memory_space<vmem>>, vector<16xf32>,
      %swap3A_467 = vector.shape_cast %swap3A_466 : vector<16xf32> to vector<16xf32>
      %swap3A_468 = vector.shape_cast %broadcast_in_dim3A_464 : vector<16xf32> to vector<16xf32>
      tpu.vector_store %arg7[%swap3A_465], %swap3A_468 {strides = array<i32>} : memref<512xf32, #tpu.memory_space<vmem>>, vector<16xf32>,
      %broadcast_in_dim3A_469 = arith.constant 0.000000e+00 : f32
      %broadcast_in_dim3A_470 = vector.broadcast %broadcast_in_dim3A_469 : f32 to vector<16xf32>
      %swap3A_471 = arith.constant 64 : index
      %swap3A_472 = tpu.vector_load %arg7[%swap3A_471] {strides = array<i32>} : memref<512xf32, #tpu.memory_space<vmem>>, vector<16xf32>,
      %swap3A_473 = vector.shape_cast %swap3A_472 : vector<16xf32> to vector<16xf32>
      %swap3A_474 = vector.shape_cast %broadcast_in_dim3A_470 : vector<16xf32> to vector<16xf32>
      tpu.vector_store %arg7[%swap3A_471], %swap3A_474 {strides = array<i32>} : memref<512xf32, #tpu.memory_space<vmem>>, vector<16xf32>,
      %broadcast_in_dim3A_475 = arith.constant 0.000000e+00 : f32
      %broadcast_in_dim3A_476 = vector.broadcast %broadcast_in_dim3A_475 : f32 to vector<16xf32>
      %swap3A_477 = arith.constant 80 : index
      %swap3A_478 = tpu.vector_load %arg7[%swap3A_477] {strides = array<i32>} : memref<512xf32, #tpu.memory_space<vmem>>, vector<16xf32>,
      %swap3A_479 = vector.shape_cast %swap3A_478 : vector<16xf32> to vector<16xf32>
      %swap3A_480 = vector.shape_cast %broadcast_in_dim3A_476 : vector<16xf32> to vector<16xf32>
      tpu.vector_store %arg7[%swap3A_477], %swap3A_480 {strides = array<i32>} : memref<512xf32, #tpu.memory_space<vmem>>, vector<16xf32>,
      %broadcast_in_dim3A_481 = arith.constant 0.000000e+00 : f32
      %broadcast_in_dim3A_482 = vector.broadcast %broadcast_in_dim3A_481 : f32 to vector<16xf32>
      %swap3A_483 = arith.constant 96 : index
      %swap3A_484 = tpu.vector_load %arg7[%swap3A_483] {strides = array<i32>} : memref<512xf32, #tpu.memory_space<vmem>>, vector<16xf32>,
      %swap3A_485 = vector.shape_cast %swap3A_484 : vector<16xf32> to vector<16xf32>
      %swap3A_486 = vector.shape_cast %broadcast_in_dim3A_482 : vector<16xf32> to vector<16xf32>
      tpu.vector_store %arg7[%swap3A_483], %swap3A_486 {strides = array<i32>} : memref<512xf32, #tpu.memory_space<vmem>>, vector<16xf32>,
      %broadcast_in_dim3A_487 = arith.constant 0.000000e+00 : f32
      %broadcast_in_dim3A_488 = vector.broadcast %broadcast_in_dim3A_487 : f32 to vector<16xf32>
      %swap3A_489 = arith.constant 112 : index
      %swap3A_490 = tpu.vector_load %arg7[%swap3A_489] {strides = array<i32>} : memref<512xf32, #tpu.memory_space<vmem>>, vector<16xf32>,
      %swap3A_491 = vector.shape_cast %swap3A_490 : vector<16xf32> to vector<16xf32>
      %swap3A_492 = vector.shape_cast %broadcast_in_dim3A_488 : vector<16xf32> to vector<16xf32>
      tpu.vector_store %arg7[%swap3A_489], %swap3A_492 {strides = array<i32>} : memref<512xf32, #tpu.memory_space<vmem>>, vector<16xf32>,
      %broadcast_in_dim3A_493 = arith.constant 0.000000e+00 : f32
      %broadcast_in_dim3A_494 = vector.broadcast %broadcast_in_dim3A_493 : f32 to vector<16xf32>
      %swap3A_495 = arith.constant 128 : index
      %swap3A_496 = tpu.vector_load %arg7[%swap3A_495] {strides = array<i32>} : memref<512xf32, #tpu.memory_space<vmem>>, vector<16xf32>,
      %swap3A_497 = vector.shape_cast %swap3A_496 : vector<16xf32> to vector<16xf32>
      %swap3A_498 = vector.shape_cast %broadcast_in_dim3A_494 : vector<16xf32> to vector<16xf32>
      tpu.vector_store %arg7[%swap3A_495], %swap3A_498 {strides = array<i32>} : memref<512xf32, #tpu.memory_space<vmem>>, vector<16xf32>,
      %broadcast_in_dim3A_499 = arith.constant 0.000000e+00 : f32
      %broadcast_in_dim3A_500 = vector.broadcast %broadcast_in_dim3A_499 : f32 to vector<16xf32>
      %swap3A_501 = arith.constant 144 : index
      %swap3A_502 = tpu.vector_load %arg7[%swap3A_501] {strides = array<i32>} : memref<512xf32, #tpu.memory_space<vmem>>, vector<16xf32>,
      %swap3A_503 = vector.shape_cast %swap3A_502 : vector<16xf32> to vector<16xf32>
      %swap3A_504 = vector.shape_cast %broadcast_in_dim3A_500 : vector<16xf32> to vector<16xf32>
      tpu.vector_store %arg7[%swap3A_501], %swap3A_504 {strides = array<i32>} : memref<512xf32, #tpu.memory_space<vmem>>, vector<16xf32>,
      %broadcast_in_dim3A_505 = arith.constant 0.000000e+00 : f32
      %broadcast_in_dim3A_506 = vector.broadcast %broadcast_in_dim3A_505 : f32 to vector<16xf32>
      %swap3A_507 = arith.constant 160 : index
      %swap3A_508 = tpu.vector_load %arg7[%swap3A_507] {strides = array<i32>} : memref<512xf32, #tpu.memory_space<vmem>>, vector<16xf32>,
      %swap3A_509 = vector.shape_cast %swap3A_508 : vector<16xf32> to vector<16xf32>
      %swap3A_510 = vector.shape_cast %broadcast_in_dim3A_506 : vector<16xf32> to vector<16xf32>
      tpu.vector_store %arg7[%swap3A_507], %swap3A_510 {strides = array<i32>} : memref<512xf32, #tpu.memory_space<vmem>>, vector<16xf32>,
      %broadcast_in_dim3A_511 = arith.constant 0.000000e+00 : f32
      %broadcast_in_dim3A_512 = vector.broadcast %broadcast_in_dim3A_511 : f32 to vector<16xf32>
      %swap3A_513 = arith.constant 176 : index
      %swap3A_514 = tpu.vector_load %arg7[%swap3A_513] {strides = array<i32>} : memref<512xf32, #tpu.memory_space<vmem>>, vector<16xf32>,
      %swap3A_515 = vector.shape_cast %swap3A_514 : vector<16xf32> to vector<16xf32>
      %swap3A_516 = vector.shape_cast %broadcast_in_dim3A_512 : vector<16xf32> to vector<16xf32>
      tpu.vector_store %arg7[%swap3A_513], %swap3A_516 {strides = array<i32>} : memref<512xf32, #tpu.memory_space<vmem>>, vector<16xf32>,
      %broadcast_in_dim3A_517 = arith.constant 0.000000e+00 : f32
      %broadcast_in_dim3A_518 = vector.broadcast %broadcast_in_dim3A_517 : f32 to vector<16xf32>
      %swap3A_519 = arith.constant 192 : index
      %swap3A_520 = tpu.vector_load %arg7[%swap3A_519] {strides = array<i32>} : memref<512xf32, #tpu.memory_space<vmem>>, vector<16xf32>,
      %swap3A_521 = vector.shape_cast %swap3A_520 : vector<16xf32> to vector<16xf32>
      %swap3A_522 = vector.shape_cast %broadcast_in_dim3A_518 : vector<16xf32> to vector<16xf32>
      tpu.vector_store %arg7[%swap3A_519], %swap3A_522 {strides = array<i32>} : memref<512xf32, #tpu.memory_space<vmem>>, vector<16xf32>,
      %broadcast_in_dim3A_523 = arith.constant 0.000000e+00 : f32
      %broadcast_in_dim3A_524 = vector.broadcast %broadcast_in_dim3A_523 : f32 to vector<16xf32>
      %swap3A_525 = arith.constant 208 : index
      %swap3A_526 = tpu.vector_load %arg7[%swap3A_525] {strides = array<i32>} : memref<512xf32, #tpu.memory_space<vmem>>, vector<16xf32>,
      %swap3A_527 = vector.shape_cast %swap3A_526 : vector<16xf32> to vector<16xf32>
      %swap3A_528 = vector.shape_cast %broadcast_in_dim3A_524 : vector<16xf32> to vector<16xf32>
      tpu.vector_store %arg7[%swap3A_525], %swap3A_528 {strides = array<i32>} : memref<512xf32, #tpu.memory_space<vmem>>, vector<16xf32>,
      %broadcast_in_dim3A_529 = arith.constant 0.000000e+00 : f32
      %broadcast_in_dim3A_530 = vector.broadcast %broadcast_in_dim3A_529 : f32 to vector<16xf32>
      %swap3A_531 = arith.constant 224 : index
      %swap3A_532 = tpu.vector_load %arg7[%swap3A_531] {strides = array<i32>} : memref<512xf32, #tpu.memory_space<vmem>>, vector<16xf32>,
      %swap3A_533 = vector.shape_cast %swap3A_532 : vector<16xf32> to vector<16xf32>
      %swap3A_534 = vector.shape_cast %broadcast_in_dim3A_530 : vector<16xf32> to vector<16xf32>
      tpu.vector_store %arg7[%swap3A_531], %swap3A_534 {strides = array<i32>} : memref<512xf32, #tpu.memory_space<vmem>>, vector<16xf32>,
      %broadcast_in_dim3A_535 = arith.constant 0.000000e+00 : f32
      %broadcast_in_dim3A_536 = vector.broadcast %broadcast_in_dim3A_535 : f32 to vector<16xf32>
      %swap3A_537 = arith.constant 240 : index
      %swap3A_538 = tpu.vector_load %arg7[%swap3A_537] {strides = array<i32>} : memref<512xf32, #tpu.memory_space<vmem>>, vector<16xf32>,
      %swap3A_539 = vector.shape_cast %swap3A_538 : vector<16xf32> to vector<16xf32>
      %swap3A_540 = vector.shape_cast %broadcast_in_dim3A_536 : vector<16xf32> to vector<16xf32>
      tpu.vector_store %arg7[%swap3A_537], %swap3A_540 {strides = array<i32>} : memref<512xf32, #tpu.memory_space<vmem>>, vector<16xf32>,
      %broadcast_in_dim3A_541 = arith.constant 0.000000e+00 : f32
      %broadcast_in_dim3A_542 = vector.broadcast %broadcast_in_dim3A_541 : f32 to vector<16xf32>
      %swap3A_543 = arith.constant 256 : index
      %swap3A_544 = tpu.vector_load %arg7[%swap3A_543] {strides = array<i32>} : memref<512xf32, #tpu.memory_space<vmem>>, vector<16xf32>,
      %swap3A_545 = vector.shape_cast %swap3A_544 : vector<16xf32> to vector<16xf32>
      %swap3A_546 = vector.shape_cast %broadcast_in_dim3A_542 : vector<16xf32> to vector<16xf32>
      tpu.vector_store %arg7[%swap3A_543], %swap3A_546 {strides = array<i32>} : memref<512xf32, #tpu.memory_space<vmem>>, vector<16xf32>,
      %broadcast_in_dim3A_547 = arith.constant 0.000000e+00 : f32
      %broadcast_in_dim3A_548 = vector.broadcast %broadcast_in_dim3A_547 : f32 to vector<16xf32>
      %swap3A_549 = arith.constant 272 : index
      %swap3A_550 = tpu.vector_load %arg7[%swap3A_549] {strides = array<i32>} : memref<512xf32, #tpu.memory_space<vmem>>, vector<16xf32>,
      %swap3A_551 = vector.shape_cast %swap3A_550 : vector<16xf32> to vector<16xf32>
      %swap3A_552 = vector.shape_cast %broadcast_in_dim3A_548 : vector<16xf32> to vector<16xf32>
      tpu.vector_store %arg7[%swap3A_549], %swap3A_552 {strides = array<i32>} : memref<512xf32, #tpu.memory_space<vmem>>, vector<16xf32>,
      %broadcast_in_dim3A_553 = arith.constant 0.000000e+00 : f32
      %broadcast_in_dim3A_554 = vector.broadcast %broadcast_in_dim3A_553 : f32 to vector<16xf32>
      %swap3A_555 = arith.constant 288 : index
      %swap3A_556 = tpu.vector_load %arg7[%swap3A_555] {strides = array<i32>} : memref<512xf32, #tpu.memory_space<vmem>>, vector<16xf32>,
      %swap3A_557 = vector.shape_cast %swap3A_556 : vector<16xf32> to vector<16xf32>
      %swap3A_558 = vector.shape_cast %broadcast_in_dim3A_554 : vector<16xf32> to vector<16xf32>
      tpu.vector_store %arg7[%swap3A_555], %swap3A_558 {strides = array<i32>} : memref<512xf32, #tpu.memory_space<vmem>>, vector<16xf32>,
      %broadcast_in_dim3A_559 = arith.constant 0.000000e+00 : f32
      %broadcast_in_dim3A_560 = vector.broadcast %broadcast_in_dim3A_559 : f32 to vector<16xf32>
      %swap3A_561 = arith.constant 304 : index
      %swap3A_562 = tpu.vector_load %arg7[%swap3A_561] {strides = array<i32>} : memref<512xf32, #tpu.memory_space<vmem>>, vector<16xf32>,
      %swap3A_563 = vector.shape_cast %swap3A_562 : vector<16xf32> to vector<16xf32>
      %swap3A_564 = vector.shape_cast %broadcast_in_dim3A_560 : vector<16xf32> to vector<16xf32>
      tpu.vector_store %arg7[%swap3A_561], %swap3A_564 {strides = array<i32>} : memref<512xf32, #tpu.memory_space<vmem>>, vector<16xf32>,
      %broadcast_in_dim3A_565 = arith.constant 0.000000e+00 : f32
      %broadcast_in_dim3A_566 = vector.broadcast %broadcast_in_dim3A_565 : f32 to vector<16xf32>
      %swap3A_567 = arith.constant 320 : index
      %swap3A_568 = tpu.vector_load %arg7[%swap3A_567] {strides = array<i32>} : memref<512xf32, #tpu.memory_space<vmem>>, vector<16xf32>,
      %swap3A_569 = vector.shape_cast %swap3A_568 : vector<16xf32> to vector<16xf32>
      %swap3A_570 = vector.shape_cast %broadcast_in_dim3A_566 : vector<16xf32> to vector<16xf32>
      tpu.vector_store %arg7[%swap3A_567], %swap3A_570 {strides = array<i32>} : memref<512xf32, #tpu.memory_space<vmem>>, vector<16xf32>,
      %broadcast_in_dim3A_571 = arith.constant 0.000000e+00 : f32
      %broadcast_in_dim3A_572 = vector.broadcast %broadcast_in_dim3A_571 : f32 to vector<16xf32>
      %swap3A_573 = arith.constant 336 : index
      %swap3A_574 = tpu.vector_load %arg7[%swap3A_573] {strides = array<i32>} : memref<512xf32, #tpu.memory_space<vmem>>, vector<16xf32>,
      %swap3A_575 = vector.shape_cast %swap3A_574 : vector<16xf32> to vector<16xf32>
      %swap3A_576 = vector.shape_cast %broadcast_in_dim3A_572 : vector<16xf32> to vector<16xf32>
      tpu.vector_store %arg7[%swap3A_573], %swap3A_576 {strides = array<i32>} : memref<512xf32, #tpu.memory_space<vmem>>, vector<16xf32>,
      %broadcast_in_dim3A_577 = arith.constant 0.000000e+00 : f32
      %broadcast_in_dim3A_578 = vector.broadcast %broadcast_in_dim3A_577 : f32 to vector<16xf32>
      %swap3A_579 = arith.constant 352 : index
      %swap3A_580 = tpu.vector_load %arg7[%swap3A_579] {strides = array<i32>} : memref<512xf32, #tpu.memory_space<vmem>>, vector<16xf32>,
      %swap3A_581 = vector.shape_cast %swap3A_580 : vector<16xf32> to vector<16xf32>
      %swap3A_582 = vector.shape_cast %broadcast_in_dim3A_578 : vector<16xf32> to vector<16xf32>
      tpu.vector_store %arg7[%swap3A_579], %swap3A_582 {strides = array<i32>} : memref<512xf32, #tpu.memory_space<vmem>>, vector<16xf32>,
      %broadcast_in_dim3A_583 = arith.constant 0.000000e+00 : f32
      %broadcast_in_dim3A_584 = vector.broadcast %broadcast_in_dim3A_583 : f32 to vector<16xf32>
      %swap3A_585 = arith.constant 368 : index
      %swap3A_586 = tpu.vector_load %arg7[%swap3A_585] {strides = array<i32>} : memref<512xf32, #tpu.memory_space<vmem>>, vector<16xf32>,
      %swap3A_587 = vector.shape_cast %swap3A_586 : vector<16xf32> to vector<16xf32>
      %swap3A_588 = vector.shape_cast %broadcast_in_dim3A_584 : vector<16xf32> to vector<16xf32>
      tpu.vector_store %arg7[%swap3A_585], %swap3A_588 {strides = array<i32>} : memref<512xf32, #tpu.memory_space<vmem>>, vector<16xf32>,
      %broadcast_in_dim3A_589 = arith.constant 0.000000e+00 : f32
      %broadcast_in_dim3A_590 = vector.broadcast %broadcast_in_dim3A_589 : f32 to vector<16xf32>
      %swap3A_591 = arith.constant 384 : index
      %swap3A_592 = tpu.vector_load %arg7[%swap3A_591] {strides = array<i32>} : memref<512xf32, #tpu.memory_space<vmem>>, vector<16xf32>,
      %swap3A_593 = vector.shape_cast %swap3A_592 : vector<16xf32> to vector<16xf32>
      %swap3A_594 = vector.shape_cast %broadcast_in_dim3A_590 : vector<16xf32> to vector<16xf32>
      tpu.vector_store %arg7[%swap3A_591], %swap3A_594 {strides = array<i32>} : memref<512xf32, #tpu.memory_space<vmem>>, vector<16xf32>,
      %broadcast_in_dim3A_595 = arith.constant 0.000000e+00 : f32
      %broadcast_in_dim3A_596 = vector.broadcast %broadcast_in_dim3A_595 : f32 to vector<16xf32>
      %swap3A_597 = arith.constant 400 : index
      %swap3A_598 = tpu.vector_load %arg7[%swap3A_597] {strides = array<i32>} : memref<512xf32, #tpu.memory_space<vmem>>, vector<16xf32>,
      %swap3A_599 = vector.shape_cast %swap3A_598 : vector<16xf32> to vector<16xf32>
      %swap3A_600 = vector.shape_cast %broadcast_in_dim3A_596 : vector<16xf32> to vector<16xf32>
      tpu.vector_store %arg7[%swap3A_597], %swap3A_600 {strides = array<i32>} : memref<512xf32, #tpu.memory_space<vmem>>, vector<16xf32>,
      %broadcast_in_dim3A_601 = arith.constant 0.000000e+00 : f32
      %broadcast_in_dim3A_602 = vector.broadcast %broadcast_in_dim3A_601 : f32 to vector<16xf32>
      %swap3A_603 = arith.constant 416 : index
      %swap3A_604 = tpu.vector_load %arg7[%swap3A_603] {strides = array<i32>} : memref<512xf32, #tpu.memory_space<vmem>>, vector<16xf32>,
      %swap3A_605 = vector.shape_cast %swap3A_604 : vector<16xf32> to vector<16xf32>
      %swap3A_606 = vector.shape_cast %broadcast_in_dim3A_602 : vector<16xf32> to vector<16xf32>
      tpu.vector_store %arg7[%swap3A_603], %swap3A_606 {strides = array<i32>} : memref<512xf32, #tpu.memory_space<vmem>>, vector<16xf32>,
      %broadcast_in_dim3A_607 = arith.constant 0.000000e+00 : f32
      %broadcast_in_dim3A_608 = vector.broadcast %broadcast_in_dim3A_607 : f32 to vector<16xf32>
      %swap3A_609 = arith.constant 432 : index
      %swap3A_610 = tpu.vector_load %arg7[%swap3A_609] {strides = array<i32>} : memref<512xf32, #tpu.memory_space<vmem>>, vector<16xf32>,
      %swap3A_611 = vector.shape_cast %swap3A_610 : vector<16xf32> to vector<16xf32>
      %swap3A_612 = vector.shape_cast %broadcast_in_dim3A_608 : vector<16xf32> to vector<16xf32>
      tpu.vector_store %arg7[%swap3A_609], %swap3A_612 {strides = array<i32>} : memref<512xf32, #tpu.memory_space<vmem>>, vector<16xf32>,
      %broadcast_in_dim3A_613 = arith.constant 0.000000e+00 : f32
      %broadcast_in_dim3A_614 = vector.broadcast %broadcast_in_dim3A_613 : f32 to vector<16xf32>
      %swap3A_615 = arith.constant 448 : index
      %swap3A_616 = tpu.vector_load %arg7[%swap3A_615] {strides = array<i32>} : memref<512xf32, #tpu.memory_space<vmem>>, vector<16xf32>,
      %swap3A_617 = vector.shape_cast %swap3A_616 : vector<16xf32> to vector<16xf32>
      %swap3A_618 = vector.shape_cast %broadcast_in_dim3A_614 : vector<16xf32> to vector<16xf32>
      tpu.vector_store %arg7[%swap3A_615], %swap3A_618 {strides = array<i32>} : memref<512xf32, #tpu.memory_space<vmem>>, vector<16xf32>,
      %broadcast_in_dim3A_619 = arith.constant 0.000000e+00 : f32
      %broadcast_in_dim3A_620 = vector.broadcast %broadcast_in_dim3A_619 : f32 to vector<16xf32>
      %swap3A_621 = arith.constant 464 : index
      %swap3A_622 = tpu.vector_load %arg7[%swap3A_621] {strides = array<i32>} : memref<512xf32, #tpu.memory_space<vmem>>, vector<16xf32>,
      %swap3A_623 = vector.shape_cast %swap3A_622 : vector<16xf32> to vector<16xf32>
      %swap3A_624 = vector.shape_cast %broadcast_in_dim3A_620 : vector<16xf32> to vector<16xf32>
      tpu.vector_store %arg7[%swap3A_621], %swap3A_624 {strides = array<i32>} : memref<512xf32, #tpu.memory_space<vmem>>, vector<16xf32>,
      %broadcast_in_dim3A_625 = arith.constant 0.000000e+00 : f32
      %broadcast_in_dim3A_626 = vector.broadcast %broadcast_in_dim3A_625 : f32 to vector<16xf32>
      %swap3A_627 = arith.constant 480 : index
      %swap3A_628 = tpu.vector_load %arg7[%swap3A_627] {strides = array<i32>} : memref<512xf32, #tpu.memory_space<vmem>>, vector<16xf32>,
      %swap3A_629 = vector.shape_cast %swap3A_628 : vector<16xf32> to vector<16xf32>
      %swap3A_630 = vector.shape_cast %broadcast_in_dim3A_626 : vector<16xf32> to vector<16xf32>
      tpu.vector_store %arg7[%swap3A_627], %swap3A_630 {strides = array<i32>} : memref<512xf32, #tpu.memory_space<vmem>>, vector<16xf32>,
      %broadcast_in_dim3A_631 = arith.constant 0.000000e+00 : f32
      %broadcast_in_dim3A_632 = vector.broadcast %broadcast_in_dim3A_631 : f32 to vector<16xf32>
      %swap3A_633 = arith.constant 496 : index
      %swap3A_634 = tpu.vector_load %arg7[%swap3A_633] {strides = array<i32>} : memref<512xf32, #tpu.memory_space<vmem>>, vector<16xf32>,
      %swap3A_635 = vector.shape_cast %swap3A_634 : vector<16xf32> to vector<16xf32>
      %swap3A_636 = vector.shape_cast %broadcast_in_dim3A_632 : vector<16xf32> to vector<16xf32>
      tpu.vector_store %arg7[%swap3A_633], %swap3A_636 {strides = array<i32>} : memref<512xf32, #tpu.memory_space<vmem>>, vector<16xf32>,
      %scan3A_637 = arith.constant 0 : i32
      %scan3A_638 = arith.constant 0 : i32
      %scan3A_639 = arith.constant 64 : i32
      %scan3A_640 = arith.addi %scan3A_638, %scan3A_639 : i32
      %scan3A_641 = arith.constant 1 : i32
      scf.for %scan3A_1127 = %scan3A_638 to %scan3A_640 step %scan3A_641  : i32 {
        %get3A_1128 = arith.constant 0 : index
        %get3A_1129 = tpu.vector_load %arg7[%get3A_1128] {strides = array<i32>} : memref<512xf32, #tpu.memory_space<vmem>>, vector<16xf32>,
        %get3A_1130 = vector.shape_cast %get3A_1129 : vector<16xf32> to vector<16xf32>
        %get3A_1131 = arith.constant 0 : i32
        %get3A_1132 = arith.index_cast %get3A_1131 : i32 to index
        %get3A_1133 = arith.index_cast %scan3A_1127 : i32 to index
        %get3A_1134 = arith.constant 0 : index
        %get3A_1135 = tpu.vector_load %arg5[%get3A_1132, %get3A_1133, %get3A_1134] {strides = array<i32>} : memref<1x64x512xf32, #tpu.memory_space<vmem>>, vector<1x1x16xf32>,
        %get3A_1136 = vector.shape_cast %get3A_1135 : vector<1x1x16xf32> to vector<16xf32>
        %add3A_1137 = arith.addf %get3A_1130, %get3A_1136 : vector<16xf32>
        %swap3A_1138 = arith.constant 0 : index
        %swap3A_1139 = tpu.vector_load %arg7[%swap3A_1138] {strides = array<i32>} : memref<512xf32, #tpu.memory_space<vmem>>, vector<16xf32>,
        %swap3A_1140 = vector.shape_cast %swap3A_1139 : vector<16xf32> to vector<16xf32>
        %swap3A_1141 = vector.shape_cast %add3A_1137 : vector<16xf32> to vector<16xf32>
        tpu.vector_store %arg7[%swap3A_1138], %swap3A_1141 {strides = array<i32>} : memref<512xf32, #tpu.memory_space<vmem>>, vector<16xf32>,
        %get3A_1142 = arith.constant 16 : index
        %get3A_1143 = tpu.vector_load %arg7[%get3A_1142] {strides = array<i32>} : memref<512xf32, #tpu.memory_space<vmem>>, vector<16xf32>,
        %get3A_1144 = vector.shape_cast %get3A_1143 : vector<16xf32> to vector<16xf32>
        %get3A_1145 = arith.constant 0 : i32
        %get3A_1146 = arith.index_cast %get3A_1145 : i32 to index
        %get3A_1147 = arith.index_cast %scan3A_1127 : i32 to index
        %get3A_1148 = arith.constant 16 : index
        %get3A_1149 = tpu.vector_load %arg5[%get3A_1146, %get3A_1147, %get3A_1148] {strides = array<i32>} : memref<1x64x512xf32, #tpu.memory_space<vmem>>, vector<1x1x16xf32>,
        %get3A_1150 = vector.shape_cast %get3A_1149 : vector<1x1x16xf32> to vector<16xf32>
        %add3A_1151 = arith.addf %get3A_1144, %get3A_1150 : vector<16xf32>
        %swap3A_1152 = arith.constant 16 : index
        %swap3A_1153 = tpu.vector_load %arg7[%swap3A_1152] {strides = array<i32>} : memref<512xf32, #tpu.memory_space<vmem>>, vector<16xf32>,
        %swap3A_1154 = vector.shape_cast %swap3A_1153 : vector<16xf32> to vector<16xf32>
        %swap3A_1155 = vector.shape_cast %add3A_1151 : vector<16xf32> to vector<16xf32>
        tpu.vector_store %arg7[%swap3A_1152], %swap3A_1155 {strides = array<i32>} : memref<512xf32, #tpu.memory_space<vmem>>, vector<16xf32>,
        %get3A_1156 = arith.constant 32 : index
        %get3A_1157 = tpu.vector_load %arg7[%get3A_1156] {strides = array<i32>} : memref<512xf32, #tpu.memory_space<vmem>>, vector<16xf32>,
        %get3A_1158 = vector.shape_cast %get3A_1157 : vector<16xf32> to vector<16xf32>
        %get3A_1159 = arith.constant 0 : i32
        %get3A_1160 = arith.index_cast %get3A_1159 : i32 to index
        %get3A_1161 = arith.index_cast %scan3A_1127 : i32 to index
        %get3A_1162 = arith.constant 32 : index
        %get3A_1163 = tpu.vector_load %arg5[%get3A_1160, %get3A_1161, %get3A_1162] {strides = array<i32>} : memref<1x64x512xf32, #tpu.memory_space<vmem>>, vector<1x1x16xf32>,
        %get3A_1164 = vector.shape_cast %get3A_1163 : vector<1x1x16xf32> to vector<16xf32>
        %add3A_1165 = arith.addf %get3A_1158, %get3A_1164 : vector<16xf32>
        %swap3A_1166 = arith.constant 32 : index
        %swap3A_1167 = tpu.vector_load %arg7[%swap3A_1166] {strides = array<i32>} : memref<512xf32, #tpu.memory_space<vmem>>, vector<16xf32>,
        %swap3A_1168 = vector.shape_cast %swap3A_1167 : vector<16xf32> to vector<16xf32>
        %swap3A_1169 = vector.shape_cast %add3A_1165 : vector<16xf32> to vector<16xf32>
        tpu.vector_store %arg7[%swap3A_1166], %swap3A_1169 {strides = array<i32>} : memref<512xf32, #tpu.memory_space<vmem>>, vector<16xf32>,
        %get3A_1170 = arith.constant 48 : index
        %get3A_1171 = tpu.vector_load %arg7[%get3A_1170] {strides = array<i32>} : memref<512xf32, #tpu.memory_space<vmem>>, vector<16xf32>,
        %get3A_1172 = vector.shape_cast %get3A_1171 : vector<16xf32> to vector<16xf32>
        %get3A_1173 = arith.constant 0 : i32
        %get3A_1174 = arith.index_cast %get3A_1173 : i32 to index
        %get3A_1175 = arith.index_cast %scan3A_1127 : i32 to index
        %get3A_1176 = arith.constant 48 : index
        %get3A_1177 = tpu.vector_load %arg5[%get3A_1174, %get3A_1175, %get3A_1176] {strides = array<i32>} : memref<1x64x512xf32, #tpu.memory_space<vmem>>, vector<1x1x16xf32>,
        %get3A_1178 = vector.shape_cast %get3A_1177 : vector<1x1x16xf32> to vector<16xf32>
        %add3A_1179 = arith.addf %get3A_1172, %get3A_1178 : vector<16xf32>
        %swap3A_1180 = arith.constant 48 : index
        %swap3A_1181 = tpu.vector_load %arg7[%swap3A_1180] {strides = array<i32>} : memref<512xf32, #tpu.memory_space<vmem>>, vector<16xf32>,
        %swap3A_1182 = vector.shape_cast %swap3A_1181 : vector<16xf32> to vector<16xf32>
        %swap3A_1183 = vector.shape_cast %add3A_1179 : vector<16xf32> to vector<16xf32>
        tpu.vector_store %arg7[%swap3A_1180], %swap3A_1183 {strides = array<i32>} : memref<512xf32, #tpu.memory_space<vmem>>, vector<16xf32>,
        %get3A_1184 = arith.constant 64 : index
        %get3A_1185 = tpu.vector_load %arg7[%get3A_1184] {strides = array<i32>} : memref<512xf32, #tpu.memory_space<vmem>>, vector<16xf32>,
        %get3A_1186 = vector.shape_cast %get3A_1185 : vector<16xf32> to vector<16xf32>
        %get3A_1187 = arith.constant 0 : i32
        %get3A_1188 = arith.index_cast %get3A_1187 : i32 to index
        %get3A_1189 = arith.index_cast %scan3A_1127 : i32 to index
        %get3A_1190 = arith.constant 64 : index
        %get3A_1191 = tpu.vector_load %arg5[%get3A_1188, %get3A_1189, %get3A_1190] {strides = array<i32>} : memref<1x64x512xf32, #tpu.memory_space<vmem>>, vector<1x1x16xf32>,
        %get3A_1192 = vector.shape_cast %get3A_1191 : vector<1x1x16xf32> to vector<16xf32>
        %add3A_1193 = arith.addf %get3A_1186, %get3A_1192 : vector<16xf32>
        %swap3A_1194 = arith.constant 64 : index
        %swap3A_1195 = tpu.vector_load %arg7[%swap3A_1194] {strides = array<i32>} : memref<512xf32, #tpu.memory_space<vmem>>, vector<16xf32>,
        %swap3A_1196 = vector.shape_cast %swap3A_1195 : vector<16xf32> to vector<16xf32>
        %swap3A_1197 = vector.shape_cast %add3A_1193 : vector<16xf32> to vector<16xf32>
        tpu.vector_store %arg7[%swap3A_1194], %swap3A_1197 {strides = array<i32>} : memref<512xf32, #tpu.memory_space<vmem>>, vector<16xf32>,
        %get3A_1198 = arith.constant 80 : index
        %get3A_1199 = tpu.vector_load %arg7[%get3A_1198] {strides = array<i32>} : memref<512xf32, #tpu.memory_space<vmem>>, vector<16xf32>,
        %get3A_1200 = vector.shape_cast %get3A_1199 : vector<16xf32> to vector<16xf32>
        %get3A_1201 = arith.constant 0 : i32
        %get3A_1202 = arith.index_cast %get3A_1201 : i32 to index
        %get3A_1203 = arith.index_cast %scan3A_1127 : i32 to index
        %get3A_1204 = arith.constant 80 : index
        %get3A_1205 = tpu.vector_load %arg5[%get3A_1202, %get3A_1203, %get3A_1204] {strides = array<i32>} : memref<1x64x512xf32, #tpu.memory_space<vmem>>, vector<1x1x16xf32>,
        %get3A_1206 = vector.shape_cast %get3A_1205 : vector<1x1x16xf32> to vector<16xf32>
        %add3A_1207 = arith.addf %get3A_1200, %get3A_1206 : vector<16xf32>
        %swap3A_1208 = arith.constant 80 : index
        %swap3A_1209 = tpu.vector_load %arg7[%swap3A_1208] {strides = array<i32>} : memref<512xf32, #tpu.memory_space<vmem>>, vector<16xf32>,
        %swap3A_1210 = vector.shape_cast %swap3A_1209 : vector<16xf32> to vector<16xf32>
        %swap3A_1211 = vector.shape_cast %add3A_1207 : vector<16xf32> to vector<16xf32>
        tpu.vector_store %arg7[%swap3A_1208], %swap3A_1211 {strides = array<i32>} : memref<512xf32, #tpu.memory_space<vmem>>, vector<16xf32>,
        %get3A_1212 = arith.constant 96 : index
        %get3A_1213 = tpu.vector_load %arg7[%get3A_1212] {strides = array<i32>} : memref<512xf32, #tpu.memory_space<vmem>>, vector<16xf32>,
        %get3A_1214 = vector.shape_cast %get3A_1213 : vector<16xf32> to vector<16xf32>
        %get3A_1215 = arith.constant 0 : i32
        %get3A_1216 = arith.index_cast %get3A_1215 : i32 to index
        %get3A_1217 = arith.index_cast %scan3A_1127 : i32 to index
        %get3A_1218 = arith.constant 96 : index
        %get3A_1219 = tpu.vector_load %arg5[%get3A_1216, %get3A_1217, %get3A_1218] {strides = array<i32>} : memref<1x64x512xf32, #tpu.memory_space<vmem>>, vector<1x1x16xf32>,
        %get3A_1220 = vector.shape_cast %get3A_1219 : vector<1x1x16xf32> to vector<16xf32>
        %add3A_1221 = arith.addf %get3A_1214, %get3A_1220 : vector<16xf32>
        %swap3A_1222 = arith.constant 96 : index
        %swap3A_1223 = tpu.vector_load %arg7[%swap3A_1222] {strides = array<i32>} : memref<512xf32, #tpu.memory_space<vmem>>, vector<16xf32>,
        %swap3A_1224 = vector.shape_cast %swap3A_1223 : vector<16xf32> to vector<16xf32>
        %swap3A_1225 = vector.shape_cast %add3A_1221 : vector<16xf32> to vector<16xf32>
        tpu.vector_store %arg7[%swap3A_1222], %swap3A_1225 {strides = array<i32>} : memref<512xf32, #tpu.memory_space<vmem>>, vector<16xf32>,
        %get3A_1226 = arith.constant 112 : index
        %get3A_1227 = tpu.vector_load %arg7[%get3A_1226] {strides = array<i32>} : memref<512xf32, #tpu.memory_space<vmem>>, vector<16xf32>,
        %get3A_1228 = vector.shape_cast %get3A_1227 : vector<16xf32> to vector<16xf32>
        %get3A_1229 = arith.constant 0 : i32
        %get3A_1230 = arith.index_cast %get3A_1229 : i32 to index
        %get3A_1231 = arith.index_cast %scan3A_1127 : i32 to index
        %get3A_1232 = arith.constant 112 : index
        %get3A_1233 = tpu.vector_load %arg5[%get3A_1230, %get3A_1231, %get3A_1232] {strides = array<i32>} : memref<1x64x512xf32, #tpu.memory_space<vmem>>, vector<1x1x16xf32>,
        %get3A_1234 = vector.shape_cast %get3A_1233 : vector<1x1x16xf32> to vector<16xf32>
        %add3A_1235 = arith.addf %get3A_1228, %get3A_1234 : vector<16xf32>
        %swap3A_1236 = arith.constant 112 : index
        %swap3A_1237 = tpu.vector_load %arg7[%swap3A_1236] {strides = array<i32>} : memref<512xf32, #tpu.memory_space<vmem>>, vector<16xf32>,
        %swap3A_1238 = vector.shape_cast %swap3A_1237 : vector<16xf32> to vector<16xf32>
        %swap3A_1239 = vector.shape_cast %add3A_1235 : vector<16xf32> to vector<16xf32>
        tpu.vector_store %arg7[%swap3A_1236], %swap3A_1239 {strides = array<i32>} : memref<512xf32, #tpu.memory_space<vmem>>, vector<16xf32>,
        %get3A_1240 = arith.constant 128 : index
        %get3A_1241 = tpu.vector_load %arg7[%get3A_1240] {strides = array<i32>} : memref<512xf32, #tpu.memory_space<vmem>>, vector<16xf32>,
        %get3A_1242 = vector.shape_cast %get3A_1241 : vector<16xf32> to vector<16xf32>
        %get3A_1243 = arith.constant 0 : i32
        %get3A_1244 = arith.index_cast %get3A_1243 : i32 to index
        %get3A_1245 = arith.index_cast %scan3A_1127 : i32 to index
        %get3A_1246 = arith.constant 128 : index
        %get3A_1247 = tpu.vector_load %arg5[%get3A_1244, %get3A_1245, %get3A_1246] {strides = array<i32>} : memref<1x64x512xf32, #tpu.memory_space<vmem>>, vector<1x1x16xf32>,
        %get3A_1248 = vector.shape_cast %get3A_1247 : vector<1x1x16xf32> to vector<16xf32>
        %add3A_1249 = arith.addf %get3A_1242, %get3A_1248 : vector<16xf32>
        %swap3A_1250 = arith.constant 128 : index
        %swap3A_1251 = tpu.vector_load %arg7[%swap3A_1250] {strides = array<i32>} : memref<512xf32, #tpu.memory_space<vmem>>, vector<16xf32>,
        %swap3A_1252 = vector.shape_cast %swap3A_1251 : vector<16xf32> to vector<16xf32>
        %swap3A_1253 = vector.shape_cast %add3A_1249 : vector<16xf32> to vector<16xf32>
        tpu.vector_store %arg7[%swap3A_1250], %swap3A_1253 {strides = array<i32>} : memref<512xf32, #tpu.memory_space<vmem>>, vector<16xf32>,
        %get3A_1254 = arith.constant 144 : index
        %get3A_1255 = tpu.vector_load %arg7[%get3A_1254] {strides = array<i32>} : memref<512xf32, #tpu.memory_space<vmem>>, vector<16xf32>,
        %get3A_1256 = vector.shape_cast %get3A_1255 : vector<16xf32> to vector<16xf32>
        %get3A_1257 = arith.constant 0 : i32
        %get3A_1258 = arith.index_cast %get3A_1257 : i32 to index
        %get3A_1259 = arith.index_cast %scan3A_1127 : i32 to index
        %get3A_1260 = arith.constant 144 : index
        %get3A_1261 = tpu.vector_load %arg5[%get3A_1258, %get3A_1259, %get3A_1260] {strides = array<i32>} : memref<1x64x512xf32, #tpu.memory_space<vmem>>, vector<1x1x16xf32>,
        %get3A_1262 = vector.shape_cast %get3A_1261 : vector<1x1x16xf32> to vector<16xf32>
        %add3A_1263 = arith.addf %get3A_1256, %get3A_1262 : vector<16xf32>
        %swap3A_1264 = arith.constant 144 : index
        %swap3A_1265 = tpu.vector_load %arg7[%swap3A_1264] {strides = array<i32>} : memref<512xf32, #tpu.memory_space<vmem>>, vector<16xf32>,
        %swap3A_1266 = vector.shape_cast %swap3A_1265 : vector<16xf32> to vector<16xf32>
        %swap3A_1267 = vector.shape_cast %add3A_1263 : vector<16xf32> to vector<16xf32>
        tpu.vector_store %arg7[%swap3A_1264], %swap3A_1267 {strides = array<i32>} : memref<512xf32, #tpu.memory_space<vmem>>, vector<16xf32>,
        %get3A_1268 = arith.constant 160 : index
        %get3A_1269 = tpu.vector_load %arg7[%get3A_1268] {strides = array<i32>} : memref<512xf32, #tpu.memory_space<vmem>>, vector<16xf32>,
        %get3A_1270 = vector.shape_cast %get3A_1269 : vector<16xf32> to vector<16xf32>
        %get3A_1271 = arith.constant 0 : i32
        %get3A_1272 = arith.index_cast %get3A_1271 : i32 to index
        %get3A_1273 = arith.index_cast %scan3A_1127 : i32 to index
        %get3A_1274 = arith.constant 160 : index
        %get3A_1275 = tpu.vector_load %arg5[%get3A_1272, %get3A_1273, %get3A_1274] {strides = array<i32>} : memref<1x64x512xf32, #tpu.memory_space<vmem>>, vector<1x1x16xf32>,
        %get3A_1276 = vector.shape_cast %get3A_1275 : vector<1x1x16xf32> to vector<16xf32>
        %add3A_1277 = arith.addf %get3A_1270, %get3A_1276 : vector<16xf32>
        %swap3A_1278 = arith.constant 160 : index
        %swap3A_1279 = tpu.vector_load %arg7[%swap3A_1278] {strides = array<i32>} : memref<512xf32, #tpu.memory_space<vmem>>, vector<16xf32>,
        %swap3A_1280 = vector.shape_cast %swap3A_1279 : vector<16xf32> to vector<16xf32>
        %swap3A_1281 = vector.shape_cast %add3A_1277 : vector<16xf32> to vector<16xf32>
        tpu.vector_store %arg7[%swap3A_1278], %swap3A_1281 {strides = array<i32>} : memref<512xf32, #tpu.memory_space<vmem>>, vector<16xf32>,
        %get3A_1282 = arith.constant 176 : index
        %get3A_1283 = tpu.vector_load %arg7[%get3A_1282] {strides = array<i32>} : memref<512xf32, #tpu.memory_space<vmem>>, vector<16xf32>,
        %get3A_1284 = vector.shape_cast %get3A_1283 : vector<16xf32> to vector<16xf32>
        %get3A_1285 = arith.constant 0 : i32
        %get3A_1286 = arith.index_cast %get3A_1285 : i32 to index
        %get3A_1287 = arith.index_cast %scan3A_1127 : i32 to index
        %get3A_1288 = arith.constant 176 : index
        %get3A_1289 = tpu.vector_load %arg5[%get3A_1286, %get3A_1287, %get3A_1288] {strides = array<i32>} : memref<1x64x512xf32, #tpu.memory_space<vmem>>, vector<1x1x16xf32>,
        %get3A_1290 = vector.shape_cast %get3A_1289 : vector<1x1x16xf32> to vector<16xf32>
        %add3A_1291 = arith.addf %get3A_1284, %get3A_1290 : vector<16xf32>
        %swap3A_1292 = arith.constant 176 : index
        %swap3A_1293 = tpu.vector_load %arg7[%swap3A_1292] {strides = array<i32>} : memref<512xf32, #tpu.memory_space<vmem>>, vector<16xf32>,
        %swap3A_1294 = vector.shape_cast %swap3A_1293 : vector<16xf32> to vector<16xf32>
        %swap3A_1295 = vector.shape_cast %add3A_1291 : vector<16xf32> to vector<16xf32>
        tpu.vector_store %arg7[%swap3A_1292], %swap3A_1295 {strides = array<i32>} : memref<512xf32, #tpu.memory_space<vmem>>, vector<16xf32>,
        %get3A_1296 = arith.constant 192 : index
        %get3A_1297 = tpu.vector_load %arg7[%get3A_1296] {strides = array<i32>} : memref<512xf32, #tpu.memory_space<vmem>>, vector<16xf32>,
        %get3A_1298 = vector.shape_cast %get3A_1297 : vector<16xf32> to vector<16xf32>
        %get3A_1299 = arith.constant 0 : i32
        %get3A_1300 = arith.index_cast %get3A_1299 : i32 to index
        %get3A_1301 = arith.index_cast %scan3A_1127 : i32 to index
        %get3A_1302 = arith.constant 192 : index
        %get3A_1303 = tpu.vector_load %arg5[%get3A_1300, %get3A_1301, %get3A_1302] {strides = array<i32>} : memref<1x64x512xf32, #tpu.memory_space<vmem>>, vector<1x1x16xf32>,
        %get3A_1304 = vector.shape_cast %get3A_1303 : vector<1x1x16xf32> to vector<16xf32>
        %add3A_1305 = arith.addf %get3A_1298, %get3A_1304 : vector<16xf32>
        %swap3A_1306 = arith.constant 192 : index
        %swap3A_1307 = tpu.vector_load %arg7[%swap3A_1306] {strides = array<i32>} : memref<512xf32, #tpu.memory_space<vmem>>, vector<16xf32>,
        %swap3A_1308 = vector.shape_cast %swap3A_1307 : vector<16xf32> to vector<16xf32>
        %swap3A_1309 = vector.shape_cast %add3A_1305 : vector<16xf32> to vector<16xf32>
        tpu.vector_store %arg7[%swap3A_1306], %swap3A_1309 {strides = array<i32>} : memref<512xf32, #tpu.memory_space<vmem>>, vector<16xf32>,
        %get3A_1310 = arith.constant 208 : index
        %get3A_1311 = tpu.vector_load %arg7[%get3A_1310] {strides = array<i32>} : memref<512xf32, #tpu.memory_space<vmem>>, vector<16xf32>,
        %get3A_1312 = vector.shape_cast %get3A_1311 : vector<16xf32> to vector<16xf32>
        %get3A_1313 = arith.constant 0 : i32
        %get3A_1314 = arith.index_cast %get3A_1313 : i32 to index
        %get3A_1315 = arith.index_cast %scan3A_1127 : i32 to index
        %get3A_1316 = arith.constant 208 : index
        %get3A_1317 = tpu.vector_load %arg5[%get3A_1314, %get3A_1315, %get3A_1316] {strides = array<i32>} : memref<1x64x512xf32, #tpu.memory_space<vmem>>, vector<1x1x16xf32>,
        %get3A_1318 = vector.shape_cast %get3A_1317 : vector<1x1x16xf32> to vector<16xf32>
        %add3A_1319 = arith.addf %get3A_1312, %get3A_1318 : vector<16xf32>
        %swap3A_1320 = arith.constant 208 : index
        %swap3A_1321 = tpu.vector_load %arg7[%swap3A_1320] {strides = array<i32>} : memref<512xf32, #tpu.memory_space<vmem>>, vector<16xf32>,
        %swap3A_1322 = vector.shape_cast %swap3A_1321 : vector<16xf32> to vector<16xf32>
        %swap3A_1323 = vector.shape_cast %add3A_1319 : vector<16xf32> to vector<16xf32>
        tpu.vector_store %arg7[%swap3A_1320], %swap3A_1323 {strides = array<i32>} : memref<512xf32, #tpu.memory_space<vmem>>, vector<16xf32>,
        %get3A_1324 = arith.constant 224 : index
        %get3A_1325 = tpu.vector_load %arg7[%get3A_1324] {strides = array<i32>} : memref<512xf32, #tpu.memory_space<vmem>>, vector<16xf32>,
        %get3A_1326 = vector.shape_cast %get3A_1325 : vector<16xf32> to vector<16xf32>
        %get3A_1327 = arith.constant 0 : i32
        %get3A_1328 = arith.index_cast %get3A_1327 : i32 to index
        %get3A_1329 = arith.index_cast %scan3A_1127 : i32 to index
        %get3A_1330 = arith.constant 224 : index
        %get3A_1331 = tpu.vector_load %arg5[%get3A_1328, %get3A_1329, %get3A_1330] {strides = array<i32>} : memref<1x64x512xf32, #tpu.memory_space<vmem>>, vector<1x1x16xf32>,
        %get3A_1332 = vector.shape_cast %get3A_1331 : vector<1x1x16xf32> to vector<16xf32>
        %add3A_1333 = arith.addf %get3A_1326, %get3A_1332 : vector<16xf32>
        %swap3A_1334 = arith.constant 224 : index
        %swap3A_1335 = tpu.vector_load %arg7[%swap3A_1334] {strides = array<i32>} : memref<512xf32, #tpu.memory_space<vmem>>, vector<16xf32>,
        %swap3A_1336 = vector.shape_cast %swap3A_1335 : vector<16xf32> to vector<16xf32>
        %swap3A_1337 = vector.shape_cast %add3A_1333 : vector<16xf32> to vector<16xf32>
        tpu.vector_store %arg7[%swap3A_1334], %swap3A_1337 {strides = array<i32>} : memref<512xf32, #tpu.memory_space<vmem>>, vector<16xf32>,
        %get3A_1338 = arith.constant 240 : index
        %get3A_1339 = tpu.vector_load %arg7[%get3A_1338] {strides = array<i32>} : memref<512xf32, #tpu.memory_space<vmem>>, vector<16xf32>,
        %get3A_1340 = vector.shape_cast %get3A_1339 : vector<16xf32> to vector<16xf32>
        %get3A_1341 = arith.constant 0 : i32
        %get3A_1342 = arith.index_cast %get3A_1341 : i32 to index
        %get3A_1343 = arith.index_cast %scan3A_1127 : i32 to index
        %get3A_1344 = arith.constant 240 : index
        %get3A_1345 = tpu.vector_load %arg5[%get3A_1342, %get3A_1343, %get3A_1344] {strides = array<i32>} : memref<1x64x512xf32, #tpu.memory_space<vmem>>, vector<1x1x16xf32>,
        %get3A_1346 = vector.shape_cast %get3A_1345 : vector<1x1x16xf32> to vector<16xf32>
        %add3A_1347 = arith.addf %get3A_1340, %get3A_1346 : vector<16xf32>
        %swap3A_1348 = arith.constant 240 : index
        %swap3A_1349 = tpu.vector_load %arg7[%swap3A_1348] {strides = array<i32>} : memref<512xf32, #tpu.memory_space<vmem>>, vector<16xf32>,
        %swap3A_1350 = vector.shape_cast %swap3A_1349 : vector<16xf32> to vector<16xf32>
        %swap3A_1351 = vector.shape_cast %add3A_1347 : vector<16xf32> to vector<16xf32>
        tpu.vector_store %arg7[%swap3A_1348], %swap3A_1351 {strides = array<i32>} : memref<512xf32, #tpu.memory_space<vmem>>, vector<16xf32>,
        %get3A_1352 = arith.constant 256 : index
        %get3A_1353 = tpu.vector_load %arg7[%get3A_1352] {strides = array<i32>} : memref<512xf32, #tpu.memory_space<vmem>>, vector<16xf32>,
        %get3A_1354 = vector.shape_cast %get3A_1353 : vector<16xf32> to vector<16xf32>
        %get3A_1355 = arith.constant 0 : i32
        %get3A_1356 = arith.index_cast %get3A_1355 : i32 to index
        %get3A_1357 = arith.index_cast %scan3A_1127 : i32 to index
        %get3A_1358 = arith.constant 256 : index
        %get3A_1359 = tpu.vector_load %arg5[%get3A_1356, %get3A_1357, %get3A_1358] {strides = array<i32>} : memref<1x64x512xf32, #tpu.memory_space<vmem>>, vector<1x1x16xf32>,
        %get3A_1360 = vector.shape_cast %get3A_1359 : vector<1x1x16xf32> to vector<16xf32>
        %add3A_1361 = arith.addf %get3A_1354, %get3A_1360 : vector<16xf32>
        %swap3A_1362 = arith.constant 256 : index
        %swap3A_1363 = tpu.vector_load %arg7[%swap3A_1362] {strides = array<i32>} : memref<512xf32, #tpu.memory_space<vmem>>, vector<16xf32>,
        %swap3A_1364 = vector.shape_cast %swap3A_1363 : vector<16xf32> to vector<16xf32>
        %swap3A_1365 = vector.shape_cast %add3A_1361 : vector<16xf32> to vector<16xf32>
        tpu.vector_store %arg7[%swap3A_1362], %swap3A_1365 {strides = array<i32>} : memref<512xf32, #tpu.memory_space<vmem>>, vector<16xf32>,
        %get3A_1366 = arith.constant 272 : index
        %get3A_1367 = tpu.vector_load %arg7[%get3A_1366] {strides = array<i32>} : memref<512xf32, #tpu.memory_space<vmem>>, vector<16xf32>,
        %get3A_1368 = vector.shape_cast %get3A_1367 : vector<16xf32> to vector<16xf32>
        %get3A_1369 = arith.constant 0 : i32
        %get3A_1370 = arith.index_cast %get3A_1369 : i32 to index
        %get3A_1371 = arith.index_cast %scan3A_1127 : i32 to index
        %get3A_1372 = arith.constant 272 : index
        %get3A_1373 = tpu.vector_load %arg5[%get3A_1370, %get3A_1371, %get3A_1372] {strides = array<i32>} : memref<1x64x512xf32, #tpu.memory_space<vmem>>, vector<1x1x16xf32>,
        %get3A_1374 = vector.shape_cast %get3A_1373 : vector<1x1x16xf32> to vector<16xf32>
        %add3A_1375 = arith.addf %get3A_1368, %get3A_1374 : vector<16xf32>
        %swap3A_1376 = arith.constant 272 : index
        %swap3A_1377 = tpu.vector_load %arg7[%swap3A_1376] {strides = array<i32>} : memref<512xf32, #tpu.memory_space<vmem>>, vector<16xf32>,
        %swap3A_1378 = vector.shape_cast %swap3A_1377 : vector<16xf32> to vector<16xf32>
        %swap3A_1379 = vector.shape_cast %add3A_1375 : vector<16xf32> to vector<16xf32>
        tpu.vector_store %arg7[%swap3A_1376], %swap3A_1379 {strides = array<i32>} : memref<512xf32, #tpu.memory_space<vmem>>, vector<16xf32>,
        %get3A_1380 = arith.constant 288 : index
        %get3A_1381 = tpu.vector_load %arg7[%get3A_1380] {strides = array<i32>} : memref<512xf32, #tpu.memory_space<vmem>>, vector<16xf32>,
        %get3A_1382 = vector.shape_cast %get3A_1381 : vector<16xf32> to vector<16xf32>
        %get3A_1383 = arith.constant 0 : i32
        %get3A_1384 = arith.index_cast %get3A_1383 : i32 to index
        %get3A_1385 = arith.index_cast %scan3A_1127 : i32 to index
        %get3A_1386 = arith.constant 288 : index
        %get3A_1387 = tpu.vector_load %arg5[%get3A_1384, %get3A_1385, %get3A_1386] {strides = array<i32>} : memref<1x64x512xf32, #tpu.memory_space<vmem>>, vector<1x1x16xf32>,
        %get3A_1388 = vector.shape_cast %get3A_1387 : vector<1x1x16xf32> to vector<16xf32>
        %add3A_1389 = arith.addf %get3A_1382, %get3A_1388 : vector<16xf32>
        %swap3A_1390 = arith.constant 288 : index
        %swap3A_1391 = tpu.vector_load %arg7[%swap3A_1390] {strides = array<i32>} : memref<512xf32, #tpu.memory_space<vmem>>, vector<16xf32>,
        %swap3A_1392 = vector.shape_cast %swap3A_1391 : vector<16xf32> to vector<16xf32>
        %swap3A_1393 = vector.shape_cast %add3A_1389 : vector<16xf32> to vector<16xf32>
        tpu.vector_store %arg7[%swap3A_1390], %swap3A_1393 {strides = array<i32>} : memref<512xf32, #tpu.memory_space<vmem>>, vector<16xf32>,
        %get3A_1394 = arith.constant 304 : index
        %get3A_1395 = tpu.vector_load %arg7[%get3A_1394] {strides = array<i32>} : memref<512xf32, #tpu.memory_space<vmem>>, vector<16xf32>,
        %get3A_1396 = vector.shape_cast %get3A_1395 : vector<16xf32> to vector<16xf32>
        %get3A_1397 = arith.constant 0 : i32
        %get3A_1398 = arith.index_cast %get3A_1397 : i32 to index
        %get3A_1399 = arith.index_cast %scan3A_1127 : i32 to index
        %get3A_1400 = arith.constant 304 : index
        %get3A_1401 = tpu.vector_load %arg5[%get3A_1398, %get3A_1399, %get3A_1400] {strides = array<i32>} : memref<1x64x512xf32, #tpu.memory_space<vmem>>, vector<1x1x16xf32>,
        %get3A_1402 = vector.shape_cast %get3A_1401 : vector<1x1x16xf32> to vector<16xf32>
        %add3A_1403 = arith.addf %get3A_1396, %get3A_1402 : vector<16xf32>
        %swap3A_1404 = arith.constant 304 : index
        %swap3A_1405 = tpu.vector_load %arg7[%swap3A_1404] {strides = array<i32>} : memref<512xf32, #tpu.memory_space<vmem>>, vector<16xf32>,
        %swap3A_1406 = vector.shape_cast %swap3A_1405 : vector<16xf32> to vector<16xf32>
        %swap3A_1407 = vector.shape_cast %add3A_1403 : vector<16xf32> to vector<16xf32>
        tpu.vector_store %arg7[%swap3A_1404], %swap3A_1407 {strides = array<i32>} : memref<512xf32, #tpu.memory_space<vmem>>, vector<16xf32>,
        %get3A_1408 = arith.constant 320 : index
        %get3A_1409 = tpu.vector_load %arg7[%get3A_1408] {strides = array<i32>} : memref<512xf32, #tpu.memory_space<vmem>>, vector<16xf32>,
        %get3A_1410 = vector.shape_cast %get3A_1409 : vector<16xf32> to vector<16xf32>
        %get3A_1411 = arith.constant 0 : i32
        %get3A_1412 = arith.index_cast %get3A_1411 : i32 to index
        %get3A_1413 = arith.index_cast %scan3A_1127 : i32 to index
        %get3A_1414 = arith.constant 320 : index
        %get3A_1415 = tpu.vector_load %arg5[%get3A_1412, %get3A_1413, %get3A_1414] {strides = array<i32>} : memref<1x64x512xf32, #tpu.memory_space<vmem>>, vector<1x1x16xf32>,
        %get3A_1416 = vector.shape_cast %get3A_1415 : vector<1x1x16xf32> to vector<16xf32>
        %add3A_1417 = arith.addf %get3A_1410, %get3A_1416 : vector<16xf32>
        %swap3A_1418 = arith.constant 320 : index
        %swap3A_1419 = tpu.vector_load %arg7[%swap3A_1418] {strides = array<i32>} : memref<512xf32, #tpu.memory_space<vmem>>, vector<16xf32>,
        %swap3A_1420 = vector.shape_cast %swap3A_1419 : vector<16xf32> to vector<16xf32>
        %swap3A_1421 = vector.shape_cast %add3A_1417 : vector<16xf32> to vector<16xf32>
        tpu.vector_store %arg7[%swap3A_1418], %swap3A_1421 {strides = array<i32>} : memref<512xf32, #tpu.memory_space<vmem>>, vector<16xf32>,
        %get3A_1422 = arith.constant 336 : index
        %get3A_1423 = tpu.vector_load %arg7[%get3A_1422] {strides = array<i32>} : memref<512xf32, #tpu.memory_space<vmem>>, vector<16xf32>,
        %get3A_1424 = vector.shape_cast %get3A_1423 : vector<16xf32> to vector<16xf32>
        %get3A_1425 = arith.constant 0 : i32
        %get3A_1426 = arith.index_cast %get3A_1425 : i32 to index
        %get3A_1427 = arith.index_cast %scan3A_1127 : i32 to index
        %get3A_1428 = arith.constant 336 : index
        %get3A_1429 = tpu.vector_load %arg5[%get3A_1426, %get3A_1427, %get3A_1428] {strides = array<i32>} : memref<1x64x512xf32, #tpu.memory_space<vmem>>, vector<1x1x16xf32>,
        %get3A_1430 = vector.shape_cast %get3A_1429 : vector<1x1x16xf32> to vector<16xf32>
        %add3A_1431 = arith.addf %get3A_1424, %get3A_1430 : vector<16xf32>
        %swap3A_1432 = arith.constant 336 : index
        %swap3A_1433 = tpu.vector_load %arg7[%swap3A_1432] {strides = array<i32>} : memref<512xf32, #tpu.memory_space<vmem>>, vector<16xf32>,
        %swap3A_1434 = vector.shape_cast %swap3A_1433 : vector<16xf32> to vector<16xf32>
        %swap3A_1435 = vector.shape_cast %add3A_1431 : vector<16xf32> to vector<16xf32>
        tpu.vector_store %arg7[%swap3A_1432], %swap3A_1435 {strides = array<i32>} : memref<512xf32, #tpu.memory_space<vmem>>, vector<16xf32>,
        %get3A_1436 = arith.constant 352 : index
        %get3A_1437 = tpu.vector_load %arg7[%get3A_1436] {strides = array<i32>} : memref<512xf32, #tpu.memory_space<vmem>>, vector<16xf32>,
        %get3A_1438 = vector.shape_cast %get3A_1437 : vector<16xf32> to vector<16xf32>
        %get3A_1439 = arith.constant 0 : i32
        %get3A_1440 = arith.index_cast %get3A_1439 : i32 to index
        %get3A_1441 = arith.index_cast %scan3A_1127 : i32 to index
        %get3A_1442 = arith.constant 352 : index
        %get3A_1443 = tpu.vector_load %arg5[%get3A_1440, %get3A_1441, %get3A_1442] {strides = array<i32>} : memref<1x64x512xf32, #tpu.memory_space<vmem>>, vector<1x1x16xf32>,
        %get3A_1444 = vector.shape_cast %get3A_1443 : vector<1x1x16xf32> to vector<16xf32>
        %add3A_1445 = arith.addf %get3A_1438, %get3A_1444 : vector<16xf32>
        %swap3A_1446 = arith.constant 352 : index
        %swap3A_1447 = tpu.vector_load %arg7[%swap3A_1446] {strides = array<i32>} : memref<512xf32, #tpu.memory_space<vmem>>, vector<16xf32>,
        %swap3A_1448 = vector.shape_cast %swap3A_1447 : vector<16xf32> to vector<16xf32>
        %swap3A_1449 = vector.shape_cast %add3A_1445 : vector<16xf32> to vector<16xf32>
        tpu.vector_store %arg7[%swap3A_1446], %swap3A_1449 {strides = array<i32>} : memref<512xf32, #tpu.memory_space<vmem>>, vector<16xf32>,
        %get3A_1450 = arith.constant 368 : index
        %get3A_1451 = tpu.vector_load %arg7[%get3A_1450] {strides = array<i32>} : memref<512xf32, #tpu.memory_space<vmem>>, vector<16xf32>,
        %get3A_1452 = vector.shape_cast %get3A_1451 : vector<16xf32> to vector<16xf32>
        %get3A_1453 = arith.constant 0 : i32
        %get3A_1454 = arith.index_cast %get3A_1453 : i32 to index
        %get3A_1455 = arith.index_cast %scan3A_1127 : i32 to index
        %get3A_1456 = arith.constant 368 : index
        %get3A_1457 = tpu.vector_load %arg5[%get3A_1454, %get3A_1455, %get3A_1456] {strides = array<i32>} : memref<1x64x512xf32, #tpu.memory_space<vmem>>, vector<1x1x16xf32>,
        %get3A_1458 = vector.shape_cast %get3A_1457 : vector<1x1x16xf32> to vector<16xf32>
        %add3A_1459 = arith.addf %get3A_1452, %get3A_1458 : vector<16xf32>
        %swap3A_1460 = arith.constant 368 : index
        %swap3A_1461 = tpu.vector_load %arg7[%swap3A_1460] {strides = array<i32>} : memref<512xf32, #tpu.memory_space<vmem>>, vector<16xf32>,
        %swap3A_1462 = vector.shape_cast %swap3A_1461 : vector<16xf32> to vector<16xf32>
        %swap3A_1463 = vector.shape_cast %add3A_1459 : vector<16xf32> to vector<16xf32>
        tpu.vector_store %arg7[%swap3A_1460], %swap3A_1463 {strides = array<i32>} : memref<512xf32, #tpu.memory_space<vmem>>, vector<16xf32>,
        %get3A_1464 = arith.constant 384 : index
        %get3A_1465 = tpu.vector_load %arg7[%get3A_1464] {strides = array<i32>} : memref<512xf32, #tpu.memory_space<vmem>>, vector<16xf32>,
        %get3A_1466 = vector.shape_cast %get3A_1465 : vector<16xf32> to vector<16xf32>
        %get3A_1467 = arith.constant 0 : i32
        %get3A_1468 = arith.index_cast %get3A_1467 : i32 to index
        %get3A_1469 = arith.index_cast %scan3A_1127 : i32 to index
        %get3A_1470 = arith.constant 384 : index
        %get3A_1471 = tpu.vector_load %arg5[%get3A_1468, %get3A_1469, %get3A_1470] {strides = array<i32>} : memref<1x64x512xf32, #tpu.memory_space<vmem>>, vector<1x1x16xf32>,
        %get3A_1472 = vector.shape_cast %get3A_1471 : vector<1x1x16xf32> to vector<16xf32>
        %add3A_1473 = arith.addf %get3A_1466, %get3A_1472 : vector<16xf32>
        %swap3A_1474 = arith.constant 384 : index
        %swap3A_1475 = tpu.vector_load %arg7[%swap3A_1474] {strides = array<i32>} : memref<512xf32, #tpu.memory_space<vmem>>, vector<16xf32>,
        %swap3A_1476 = vector.shape_cast %swap3A_1475 : vector<16xf32> to vector<16xf32>
        %swap3A_1477 = vector.shape_cast %add3A_1473 : vector<16xf32> to vector<16xf32>
        tpu.vector_store %arg7[%swap3A_1474], %swap3A_1477 {strides = array<i32>} : memref<512xf32, #tpu.memory_space<vmem>>, vector<16xf32>,
        %get3A_1478 = arith.constant 400 : index
        %get3A_1479 = tpu.vector_load %arg7[%get3A_1478] {strides = array<i32>} : memref<512xf32, #tpu.memory_space<vmem>>, vector<16xf32>,
        %get3A_1480 = vector.shape_cast %get3A_1479 : vector<16xf32> to vector<16xf32>
        %get3A_1481 = arith.constant 0 : i32
        %get3A_1482 = arith.index_cast %get3A_1481 : i32 to index
        %get3A_1483 = arith.index_cast %scan3A_1127 : i32 to index
        %get3A_1484 = arith.constant 400 : index
        %get3A_1485 = tpu.vector_load %arg5[%get3A_1482, %get3A_1483, %get3A_1484] {strides = array<i32>} : memref<1x64x512xf32, #tpu.memory_space<vmem>>, vector<1x1x16xf32>,
        %get3A_1486 = vector.shape_cast %get3A_1485 : vector<1x1x16xf32> to vector<16xf32>
        %add3A_1487 = arith.addf %get3A_1480, %get3A_1486 : vector<16xf32>
        %swap3A_1488 = arith.constant 400 : index
        %swap3A_1489 = tpu.vector_load %arg7[%swap3A_1488] {strides = array<i32>} : memref<512xf32, #tpu.memory_space<vmem>>, vector<16xf32>,
        %swap3A_1490 = vector.shape_cast %swap3A_1489 : vector<16xf32> to vector<16xf32>
        %swap3A_1491 = vector.shape_cast %add3A_1487 : vector<16xf32> to vector<16xf32>
        tpu.vector_store %arg7[%swap3A_1488], %swap3A_1491 {strides = array<i32>} : memref<512xf32, #tpu.memory_space<vmem>>, vector<16xf32>,
        %get3A_1492 = arith.constant 416 : index
        %get3A_1493 = tpu.vector_load %arg7[%get3A_1492] {strides = array<i32>} : memref<512xf32, #tpu.memory_space<vmem>>, vector<16xf32>,
        %get3A_1494 = vector.shape_cast %get3A_1493 : vector<16xf32> to vector<16xf32>
        %get3A_1495 = arith.constant 0 : i32
        %get3A_1496 = arith.index_cast %get3A_1495 : i32 to index
        %get3A_1497 = arith.index_cast %scan3A_1127 : i32 to index
        %get3A_1498 = arith.constant 416 : index
        %get3A_1499 = tpu.vector_load %arg5[%get3A_1496, %get3A_1497, %get3A_1498] {strides = array<i32>} : memref<1x64x512xf32, #tpu.memory_space<vmem>>, vector<1x1x16xf32>,
        %get3A_1500 = vector.shape_cast %get3A_1499 : vector<1x1x16xf32> to vector<16xf32>
        %add3A_1501 = arith.addf %get3A_1494, %get3A_1500 : vector<16xf32>
        %swap3A_1502 = arith.constant 416 : index
        %swap3A_1503 = tpu.vector_load %arg7[%swap3A_1502] {strides = array<i32>} : memref<512xf32, #tpu.memory_space<vmem>>, vector<16xf32>,
        %swap3A_1504 = vector.shape_cast %swap3A_1503 : vector<16xf32> to vector<16xf32>
        %swap3A_1505 = vector.shape_cast %add3A_1501 : vector<16xf32> to vector<16xf32>
        tpu.vector_store %arg7[%swap3A_1502], %swap3A_1505 {strides = array<i32>} : memref<512xf32, #tpu.memory_space<vmem>>, vector<16xf32>,
        %get3A_1506 = arith.constant 432 : index
        %get3A_1507 = tpu.vector_load %arg7[%get3A_1506] {strides = array<i32>} : memref<512xf32, #tpu.memory_space<vmem>>, vector<16xf32>,
        %get3A_1508 = vector.shape_cast %get3A_1507 : vector<16xf32> to vector<16xf32>
        %get3A_1509 = arith.constant 0 : i32
        %get3A_1510 = arith.index_cast %get3A_1509 : i32 to index
        %get3A_1511 = arith.index_cast %scan3A_1127 : i32 to index
        %get3A_1512 = arith.constant 432 : index
        %get3A_1513 = tpu.vector_load %arg5[%get3A_1510, %get3A_1511, %get3A_1512] {strides = array<i32>} : memref<1x64x512xf32, #tpu.memory_space<vmem>>, vector<1x1x16xf32>,
        %get3A_1514 = vector.shape_cast %get3A_1513 : vector<1x1x16xf32> to vector<16xf32>
        %add3A_1515 = arith.addf %get3A_1508, %get3A_1514 : vector<16xf32>
        %swap3A_1516 = arith.constant 432 : index
        %swap3A_1517 = tpu.vector_load %arg7[%swap3A_1516] {strides = array<i32>} : memref<512xf32, #tpu.memory_space<vmem>>, vector<16xf32>,
        %swap3A_1518 = vector.shape_cast %swap3A_1517 : vector<16xf32> to vector<16xf32>
        %swap3A_1519 = vector.shape_cast %add3A_1515 : vector<16xf32> to vector<16xf32>
        tpu.vector_store %arg7[%swap3A_1516], %swap3A_1519 {strides = array<i32>} : memref<512xf32, #tpu.memory_space<vmem>>, vector<16xf32>,
        %get3A_1520 = arith.constant 448 : index
        %get3A_1521 = tpu.vector_load %arg7[%get3A_1520] {strides = array<i32>} : memref<512xf32, #tpu.memory_space<vmem>>, vector<16xf32>,
        %get3A_1522 = vector.shape_cast %get3A_1521 : vector<16xf32> to vector<16xf32>
        %get3A_1523 = arith.constant 0 : i32
        %get3A_1524 = arith.index_cast %get3A_1523 : i32 to index
        %get3A_1525 = arith.index_cast %scan3A_1127 : i32 to index
        %get3A_1526 = arith.constant 448 : index
        %get3A_1527 = tpu.vector_load %arg5[%get3A_1524, %get3A_1525, %get3A_1526] {strides = array<i32>} : memref<1x64x512xf32, #tpu.memory_space<vmem>>, vector<1x1x16xf32>,
        %get3A_1528 = vector.shape_cast %get3A_1527 : vector<1x1x16xf32> to vector<16xf32>
        %add3A_1529 = arith.addf %get3A_1522, %get3A_1528 : vector<16xf32>
        %swap3A_1530 = arith.constant 448 : index
        %swap3A_1531 = tpu.vector_load %arg7[%swap3A_1530] {strides = array<i32>} : memref<512xf32, #tpu.memory_space<vmem>>, vector<16xf32>,
        %swap3A_1532 = vector.shape_cast %swap3A_1531 : vector<16xf32> to vector<16xf32>
        %swap3A_1533 = vector.shape_cast %add3A_1529 : vector<16xf32> to vector<16xf32>
        tpu.vector_store %arg7[%swap3A_1530], %swap3A_1533 {strides = array<i32>} : memref<512xf32, #tpu.memory_space<vmem>>, vector<16xf32>,
        %get3A_1534 = arith.constant 464 : index
        %get3A_1535 = tpu.vector_load %arg7[%get3A_1534] {strides = array<i32>} : memref<512xf32, #tpu.memory_space<vmem>>, vector<16xf32>,
        %get3A_1536 = vector.shape_cast %get3A_1535 : vector<16xf32> to vector<16xf32>
        %get3A_1537 = arith.constant 0 : i32
        %get3A_1538 = arith.index_cast %get3A_1537 : i32 to index
        %get3A_1539 = arith.index_cast %scan3A_1127 : i32 to index
        %get3A_1540 = arith.constant 464 : index
        %get3A_1541 = tpu.vector_load %arg5[%get3A_1538, %get3A_1539, %get3A_1540] {strides = array<i32>} : memref<1x64x512xf32, #tpu.memory_space<vmem>>, vector<1x1x16xf32>,
        %get3A_1542 = vector.shape_cast %get3A_1541 : vector<1x1x16xf32> to vector<16xf32>
        %add3A_1543 = arith.addf %get3A_1536, %get3A_1542 : vector<16xf32>
        %swap3A_1544 = arith.constant 464 : index
        %swap3A_1545 = tpu.vector_load %arg7[%swap3A_1544] {strides = array<i32>} : memref<512xf32, #tpu.memory_space<vmem>>, vector<16xf32>,
        %swap3A_1546 = vector.shape_cast %swap3A_1545 : vector<16xf32> to vector<16xf32>
        %swap3A_1547 = vector.shape_cast %add3A_1543 : vector<16xf32> to vector<16xf32>
        tpu.vector_store %arg7[%swap3A_1544], %swap3A_1547 {strides = array<i32>} : memref<512xf32, #tpu.memory_space<vmem>>, vector<16xf32>,
        %get3A_1548 = arith.constant 480 : index
        %get3A_1549 = tpu.vector_load %arg7[%get3A_1548] {strides = array<i32>} : memref<512xf32, #tpu.memory_space<vmem>>, vector<16xf32>,
        %get3A_1550 = vector.shape_cast %get3A_1549 : vector<16xf32> to vector<16xf32>
        %get3A_1551 = arith.constant 0 : i32
        %get3A_1552 = arith.index_cast %get3A_1551 : i32 to index
        %get3A_1553 = arith.index_cast %scan3A_1127 : i32 to index
        %get3A_1554 = arith.constant 480 : index
        %get3A_1555 = tpu.vector_load %arg5[%get3A_1552, %get3A_1553, %get3A_1554] {strides = array<i32>} : memref<1x64x512xf32, #tpu.memory_space<vmem>>, vector<1x1x16xf32>,
        %get3A_1556 = vector.shape_cast %get3A_1555 : vector<1x1x16xf32> to vector<16xf32>
        %add3A_1557 = arith.addf %get3A_1550, %get3A_1556 : vector<16xf32>
        %swap3A_1558 = arith.constant 480 : index
        %swap3A_1559 = tpu.vector_load %arg7[%swap3A_1558] {strides = array<i32>} : memref<512xf32, #tpu.memory_space<vmem>>, vector<16xf32>,
        %swap3A_1560 = vector.shape_cast %swap3A_1559 : vector<16xf32> to vector<16xf32>
        %swap3A_1561 = vector.shape_cast %add3A_1557 : vector<16xf32> to vector<16xf32>
        tpu.vector_store %arg7[%swap3A_1558], %swap3A_1561 {strides = array<i32>} : memref<512xf32, #tpu.memory_space<vmem>>, vector<16xf32>,
        %get3A_1562 = arith.constant 496 : index
        %get3A_1563 = tpu.vector_load %arg7[%get3A_1562] {strides = array<i32>} : memref<512xf32, #tpu.memory_space<vmem>>, vector<16xf32>,
        %get3A_1564 = vector.shape_cast %get3A_1563 : vector<16xf32> to vector<16xf32>
        %get3A_1565 = arith.constant 0 : i32
        %get3A_1566 = arith.index_cast %get3A_1565 : i32 to index
        %get3A_1567 = arith.index_cast %scan3A_1127 : i32 to index
        %get3A_1568 = arith.constant 496 : index
        %get3A_1569 = tpu.vector_load %arg5[%get3A_1566, %get3A_1567, %get3A_1568] {strides = array<i32>} : memref<1x64x512xf32, #tpu.memory_space<vmem>>, vector<1x1x16xf32>,
        %get3A_1570 = vector.shape_cast %get3A_1569 : vector<1x1x16xf32> to vector<16xf32>
        %add3A_1571 = arith.addf %get3A_1564, %get3A_1570 : vector<16xf32>
        %swap3A_1572 = arith.constant 496 : index
        %swap3A_1573 = tpu.vector_load %arg7[%swap3A_1572] {strides = array<i32>} : memref<512xf32, #tpu.memory_space<vmem>>, vector<16xf32>,
        %swap3A_1574 = vector.shape_cast %swap3A_1573 : vector<16xf32> to vector<16xf32>
        %swap3A_1575 = vector.shape_cast %add3A_1571 : vector<16xf32> to vector<16xf32>
        tpu.vector_store %arg7[%swap3A_1572], %swap3A_1575 {strides = array<i32>} : memref<512xf32, #tpu.memory_space<vmem>>, vector<16xf32>,
      }
      %scan3A_642 = arith.constant 64 : i32
      "tpu.region"() ({
        %run_scoped3A = tpu.sem_alloc : memref<!tpu.dma_semaphore, #tpu.memory_space<semaphore_mem>>
        %dma_start3A = arith.constant 0 : i32
        %dma_start3A_1127 = tpu.memref_slice %arg3[%add3A_444, %dma_start3A, %add3A] : memref<200x64x4096xf32, #tpu.memory_space<hbm>> -> memref<1x64x512xf32, #tpu.memory_space<hbm>>
        %dma_start3A_1128 = arith.constant 0 : i32
        %dma_start3A_1129 = tpu.memref_slice %arg3[%add3A_444, %dma_start3A_1128, %add3A] : memref<200x64x4096xf32, #tpu.memory_space<hbm>> -> memref<1x64x512xf32, #tpu.memory_space<hbm>>
        tpu.enqueue_dma source(%arg5 : memref<1x64x512xf32, #tpu.memory_space<vmem>>) target(%dma_start3A_1129 : memref<1x64x512xf32, #tpu.memory_space<hbm>>) target_semaphore(%run_scoped3A : memref<!tpu.dma_semaphore, #tpu.memory_space<semaphore_mem>>)
        %dma_wait3A = arith.constant 0 : i32
        %dma_wait3A_1130 = tpu.memref_slice %arg3[%add3A_444, %dma_wait3A, %add3A] : memref<200x64x4096xf32, #tpu.memory_space<hbm>> -> memref<1x64x512xf32, #tpu.memory_space<hbm>>
        %dma_wait3A_1131 = arith.constant 0 : i32
        %dma_wait3A_1132 = tpu.memref_slice %arg3[%add3A_444, %dma_wait3A_1131, %add3A] : memref<200x64x4096xf32, #tpu.memory_space<hbm>> -> memref<1x64x512xf32, #tpu.memory_space<hbm>>
        tpu.wait_dma2 semaphore(%run_scoped3A : memref<!tpu.dma_semaphore, #tpu.memory_space<semaphore_mem>>) src(%arg5 : memref<1x64x512xf32, #tpu.memory_space<vmem>>) dst(%dma_wait3A_1132 : memref<1x64x512xf32, #tpu.memory_space<hbm>>)
        tpu.yield
      }) : () -> ()
      %broadcast_in_dim3A_643 = arith.constant 1 : i32
      %broadcast_in_dim3A_644 = vector.broadcast %broadcast_in_dim3A_643 : i32 to vector<16xi32>
      %broadcast_in_dim3A_645 = arith.constant 0 : i32
      %broadcast_in_dim3A_646 = vector.broadcast %broadcast_in_dim3A_645 : i32 to vector<16xi32>
      %get3A_647 = arith.constant 0 : index
      %get3A_648 = tpu.vector_load %arg8[%get3A_647] {strides = array<i32>} : memref<512xi32, #tpu.memory_space<vmem>>, vector<16xi32>,
      %get3A_649 = vector.shape_cast %get3A_648 : vector<16xi32> to vector<16xi32>
      %get3A_650 = arith.constant 0 : index
      %get3A_651 = tpu.vector_load %arg7[%get3A_650] {strides = array<i32>} : memref<512xf32, #tpu.memory_space<vmem>>, vector<16xf32>,
      %get3A_652 = vector.shape_cast %get3A_651 : vector<16xf32> to vector<16xf32>
      %ne3A_653 = arith.constant 0.000000e+00 : f32
      %ne3A_654 = vector.broadcast %ne3A_653 : f32 to vector<16xf32>
      %ne3A_655 = arith.cmpf one, %get3A_652, %ne3A_654 : vector<16xf32>
      %select_n3A_656 = arith.select %ne3A_655, %broadcast_in_dim3A_644, %broadcast_in_dim3A_646 : vector<16xi1>, vector<16xi32>
      %add3A_657 = arith.addi %get3A_649, %select_n3A_656 : vector<16xi32>
      %swap3A_658 = arith.constant 0 : index
      %swap3A_659 = tpu.vector_load %arg8[%swap3A_658] {strides = array<i32>} : memref<512xi32, #tpu.memory_space<vmem>>, vector<16xi32>,
      %swap3A_660 = vector.shape_cast %swap3A_659 : vector<16xi32> to vector<16xi32>
      %swap3A_661 = vector.shape_cast %add3A_657 : vector<16xi32> to vector<16xi32>
      tpu.vector_store %arg8[%swap3A_658], %swap3A_661 {strides = array<i32>} : memref<512xi32, #tpu.memory_space<vmem>>, vector<16xi32>,
      %get3A_662 = arith.constant 16 : index
      %get3A_663 = tpu.vector_load %arg8[%get3A_662] {strides = array<i32>} : memref<512xi32, #tpu.memory_space<vmem>>, vector<16xi32>,
      %get3A_664 = vector.shape_cast %get3A_663 : vector<16xi32> to vector<16xi32>
      %get3A_665 = arith.constant 16 : index
      %get3A_666 = tpu.vector_load %arg7[%get3A_665] {strides = array<i32>} : memref<512xf32, #tpu.memory_space<vmem>>, vector<16xf32>,
      %get3A_667 = vector.shape_cast %get3A_666 : vector<16xf32> to vector<16xf32>
      %ne3A_668 = arith.constant 0.000000e+00 : f32
      %ne3A_669 = vector.broadcast %ne3A_668 : f32 to vector<16xf32>
      %ne3A_670 = arith.cmpf one, %get3A_667, %ne3A_669 : vector<16xf32>
      %select_n3A_671 = arith.select %ne3A_670, %broadcast_in_dim3A_644, %broadcast_in_dim3A_646 : vector<16xi1>, vector<16xi32>
      %add3A_672 = arith.addi %get3A_664, %select_n3A_671 : vector<16xi32>
      %swap3A_673 = arith.constant 16 : index
      %swap3A_674 = tpu.vector_load %arg8[%swap3A_673] {strides = array<i32>} : memref<512xi32, #tpu.memory_space<vmem>>, vector<16xi32>,
      %swap3A_675 = vector.shape_cast %swap3A_674 : vector<16xi32> to vector<16xi32>
      %swap3A_676 = vector.shape_cast %add3A_672 : vector<16xi32> to vector<16xi32>
      tpu.vector_store %arg8[%swap3A_673], %swap3A_676 {strides = array<i32>} : memref<512xi32, #tpu.memory_space<vmem>>, vector<16xi32>,
      %get3A_677 = arith.constant 32 : index
      %get3A_678 = tpu.vector_load %arg8[%get3A_677] {strides = array<i32>} : memref<512xi32, #tpu.memory_space<vmem>>, vector<16xi32>,
      %get3A_679 = vector.shape_cast %get3A_678 : vector<16xi32> to vector<16xi32>
      %get3A_680 = arith.constant 32 : index
      %get3A_681 = tpu.vector_load %arg7[%get3A_680] {strides = array<i32>} : memref<512xf32, #tpu.memory_space<vmem>>, vector<16xf32>,
      %get3A_682 = vector.shape_cast %get3A_681 : vector<16xf32> to vector<16xf32>
      %ne3A_683 = arith.constant 0.000000e+00 : f32
      %ne3A_684 = vector.broadcast %ne3A_683 : f32 to vector<16xf32>
      %ne3A_685 = arith.cmpf one, %get3A_682, %ne3A_684 : vector<16xf32>
      %select_n3A_686 = arith.select %ne3A_685, %broadcast_in_dim3A_644, %broadcast_in_dim3A_646 : vector<16xi1>, vector<16xi32>
      %add3A_687 = arith.addi %get3A_679, %select_n3A_686 : vector<16xi32>
      %swap3A_688 = arith.constant 32 : index
      %swap3A_689 = tpu.vector_load %arg8[%swap3A_688] {strides = array<i32>} : memref<512xi32, #tpu.memory_space<vmem>>, vector<16xi32>,
      %swap3A_690 = vector.shape_cast %swap3A_689 : vector<16xi32> to vector<16xi32>
      %swap3A_691 = vector.shape_cast %add3A_687 : vector<16xi32> to vector<16xi32>
      tpu.vector_store %arg8[%swap3A_688], %swap3A_691 {strides = array<i32>} : memref<512xi32, #tpu.memory_space<vmem>>, vector<16xi32>,
      %get3A_692 = arith.constant 48 : index
      %get3A_693 = tpu.vector_load %arg8[%get3A_692] {strides = array<i32>} : memref<512xi32, #tpu.memory_space<vmem>>, vector<16xi32>,
      %get3A_694 = vector.shape_cast %get3A_693 : vector<16xi32> to vector<16xi32>
      %get3A_695 = arith.constant 48 : index
      %get3A_696 = tpu.vector_load %arg7[%get3A_695] {strides = array<i32>} : memref<512xf32, #tpu.memory_space<vmem>>, vector<16xf32>,
      %get3A_697 = vector.shape_cast %get3A_696 : vector<16xf32> to vector<16xf32>
      %ne3A_698 = arith.constant 0.000000e+00 : f32
      %ne3A_699 = vector.broadcast %ne3A_698 : f32 to vector<16xf32>
      %ne3A_700 = arith.cmpf one, %get3A_697, %ne3A_699 : vector<16xf32>
      %select_n3A_701 = arith.select %ne3A_700, %broadcast_in_dim3A_644, %broadcast_in_dim3A_646 : vector<16xi1>, vector<16xi32>
      %add3A_702 = arith.addi %get3A_694, %select_n3A_701 : vector<16xi32>
      %swap3A_703 = arith.constant 48 : index
      %swap3A_704 = tpu.vector_load %arg8[%swap3A_703] {strides = array<i32>} : memref<512xi32, #tpu.memory_space<vmem>>, vector<16xi32>,
      %swap3A_705 = vector.shape_cast %swap3A_704 : vector<16xi32> to vector<16xi32>
      %swap3A_706 = vector.shape_cast %add3A_702 : vector<16xi32> to vector<16xi32>
      tpu.vector_store %arg8[%swap3A_703], %swap3A_706 {strides = array<i32>} : memref<512xi32, #tpu.memory_space<vmem>>, vector<16xi32>,
      %get3A_707 = arith.constant 64 : index
      %get3A_708 = tpu.vector_load %arg8[%get3A_707] {strides = array<i32>} : memref<512xi32, #tpu.memory_space<vmem>>, vector<16xi32>,
      %get3A_709 = vector.shape_cast %get3A_708 : vector<16xi32> to vector<16xi32>
      %get3A_710 = arith.constant 64 : index
      %get3A_711 = tpu.vector_load %arg7[%get3A_710] {strides = array<i32>} : memref<512xf32, #tpu.memory_space<vmem>>, vector<16xf32>,
      %get3A_712 = vector.shape_cast %get3A_711 : vector<16xf32> to vector<16xf32>
      %ne3A_713 = arith.constant 0.000000e+00 : f32
      %ne3A_714 = vector.broadcast %ne3A_713 : f32 to vector<16xf32>
      %ne3A_715 = arith.cmpf one, %get3A_712, %ne3A_714 : vector<16xf32>
      %select_n3A_716 = arith.select %ne3A_715, %broadcast_in_dim3A_644, %broadcast_in_dim3A_646 : vector<16xi1>, vector<16xi32>
      %add3A_717 = arith.addi %get3A_709, %select_n3A_716 : vector<16xi32>
      %swap3A_718 = arith.constant 64 : index
      %swap3A_719 = tpu.vector_load %arg8[%swap3A_718] {strides = array<i32>} : memref<512xi32, #tpu.memory_space<vmem>>, vector<16xi32>,
      %swap3A_720 = vector.shape_cast %swap3A_719 : vector<16xi32> to vector<16xi32>
      %swap3A_721 = vector.shape_cast %add3A_717 : vector<16xi32> to vector<16xi32>
      tpu.vector_store %arg8[%swap3A_718], %swap3A_721 {strides = array<i32>} : memref<512xi32, #tpu.memory_space<vmem>>, vector<16xi32>,
      %get3A_722 = arith.constant 80 : index
      %get3A_723 = tpu.vector_load %arg8[%get3A_722] {strides = array<i32>} : memref<512xi32, #tpu.memory_space<vmem>>, vector<16xi32>,
      %get3A_724 = vector.shape_cast %get3A_723 : vector<16xi32> to vector<16xi32>
      %get3A_725 = arith.constant 80 : index
      %get3A_726 = tpu.vector_load %arg7[%get3A_725] {strides = array<i32>} : memref<512xf32, #tpu.memory_space<vmem>>, vector<16xf32>,
      %get3A_727 = vector.shape_cast %get3A_726 : vector<16xf32> to vector<16xf32>
      %ne3A_728 = arith.constant 0.000000e+00 : f32
      %ne3A_729 = vector.broadcast %ne3A_728 : f32 to vector<16xf32>
      %ne3A_730 = arith.cmpf one, %get3A_727, %ne3A_729 : vector<16xf32>
      %select_n3A_731 = arith.select %ne3A_730, %broadcast_in_dim3A_644, %broadcast_in_dim3A_646 : vector<16xi1>, vector<16xi32>
      %add3A_732 = arith.addi %get3A_724, %select_n3A_731 : vector<16xi32>
      %swap3A_733 = arith.constant 80 : index
      %swap3A_734 = tpu.vector_load %arg8[%swap3A_733] {strides = array<i32>} : memref<512xi32, #tpu.memory_space<vmem>>, vector<16xi32>,
      %swap3A_735 = vector.shape_cast %swap3A_734 : vector<16xi32> to vector<16xi32>
      %swap3A_736 = vector.shape_cast %add3A_732 : vector<16xi32> to vector<16xi32>
      tpu.vector_store %arg8[%swap3A_733], %swap3A_736 {strides = array<i32>} : memref<512xi32, #tpu.memory_space<vmem>>, vector<16xi32>,
      %get3A_737 = arith.constant 96 : index
      %get3A_738 = tpu.vector_load %arg8[%get3A_737] {strides = array<i32>} : memref<512xi32, #tpu.memory_space<vmem>>, vector<16xi32>,
      %get3A_739 = vector.shape_cast %get3A_738 : vector<16xi32> to vector<16xi32>
      %get3A_740 = arith.constant 96 : index
      %get3A_741 = tpu.vector_load %arg7[%get3A_740] {strides = array<i32>} : memref<512xf32, #tpu.memory_space<vmem>>, vector<16xf32>,
      %get3A_742 = vector.shape_cast %get3A_741 : vector<16xf32> to vector<16xf32>
      %ne3A_743 = arith.constant 0.000000e+00 : f32
      %ne3A_744 = vector.broadcast %ne3A_743 : f32 to vector<16xf32>
      %ne3A_745 = arith.cmpf one, %get3A_742, %ne3A_744 : vector<16xf32>
      %select_n3A_746 = arith.select %ne3A_745, %broadcast_in_dim3A_644, %broadcast_in_dim3A_646 : vector<16xi1>, vector<16xi32>
      %add3A_747 = arith.addi %get3A_739, %select_n3A_746 : vector<16xi32>
      %swap3A_748 = arith.constant 96 : index
      %swap3A_749 = tpu.vector_load %arg8[%swap3A_748] {strides = array<i32>} : memref<512xi32, #tpu.memory_space<vmem>>, vector<16xi32>,
      %swap3A_750 = vector.shape_cast %swap3A_749 : vector<16xi32> to vector<16xi32>
      %swap3A_751 = vector.shape_cast %add3A_747 : vector<16xi32> to vector<16xi32>
      tpu.vector_store %arg8[%swap3A_748], %swap3A_751 {strides = array<i32>} : memref<512xi32, #tpu.memory_space<vmem>>, vector<16xi32>,
      %get3A_752 = arith.constant 112 : index
      %get3A_753 = tpu.vector_load %arg8[%get3A_752] {strides = array<i32>} : memref<512xi32, #tpu.memory_space<vmem>>, vector<16xi32>,
      %get3A_754 = vector.shape_cast %get3A_753 : vector<16xi32> to vector<16xi32>
      %get3A_755 = arith.constant 112 : index
      %get3A_756 = tpu.vector_load %arg7[%get3A_755] {strides = array<i32>} : memref<512xf32, #tpu.memory_space<vmem>>, vector<16xf32>,
      %get3A_757 = vector.shape_cast %get3A_756 : vector<16xf32> to vector<16xf32>
      %ne3A_758 = arith.constant 0.000000e+00 : f32
      %ne3A_759 = vector.broadcast %ne3A_758 : f32 to vector<16xf32>
      %ne3A_760 = arith.cmpf one, %get3A_757, %ne3A_759 : vector<16xf32>
      %select_n3A_761 = arith.select %ne3A_760, %broadcast_in_dim3A_644, %broadcast_in_dim3A_646 : vector<16xi1>, vector<16xi32>
      %add3A_762 = arith.addi %get3A_754, %select_n3A_761 : vector<16xi32>
      %swap3A_763 = arith.constant 112 : index
      %swap3A_764 = tpu.vector_load %arg8[%swap3A_763] {strides = array<i32>} : memref<512xi32, #tpu.memory_space<vmem>>, vector<16xi32>,
      %swap3A_765 = vector.shape_cast %swap3A_764 : vector<16xi32> to vector<16xi32>
      %swap3A_766 = vector.shape_cast %add3A_762 : vector<16xi32> to vector<16xi32>
      tpu.vector_store %arg8[%swap3A_763], %swap3A_766 {strides = array<i32>} : memref<512xi32, #tpu.memory_space<vmem>>, vector<16xi32>,
      %get3A_767 = arith.constant 128 : index
      %get3A_768 = tpu.vector_load %arg8[%get3A_767] {strides = array<i32>} : memref<512xi32, #tpu.memory_space<vmem>>, vector<16xi32>,
      %get3A_769 = vector.shape_cast %get3A_768 : vector<16xi32> to vector<16xi32>
      %get3A_770 = arith.constant 128 : index
      %get3A_771 = tpu.vector_load %arg7[%get3A_770] {strides = array<i32>} : memref<512xf32, #tpu.memory_space<vmem>>, vector<16xf32>,
      %get3A_772 = vector.shape_cast %get3A_771 : vector<16xf32> to vector<16xf32>
      %ne3A_773 = arith.constant 0.000000e+00 : f32
      %ne3A_774 = vector.broadcast %ne3A_773 : f32 to vector<16xf32>
      %ne3A_775 = arith.cmpf one, %get3A_772, %ne3A_774 : vector<16xf32>
      %select_n3A_776 = arith.select %ne3A_775, %broadcast_in_dim3A_644, %broadcast_in_dim3A_646 : vector<16xi1>, vector<16xi32>
      %add3A_777 = arith.addi %get3A_769, %select_n3A_776 : vector<16xi32>
      %swap3A_778 = arith.constant 128 : index
      %swap3A_779 = tpu.vector_load %arg8[%swap3A_778] {strides = array<i32>} : memref<512xi32, #tpu.memory_space<vmem>>, vector<16xi32>,
      %swap3A_780 = vector.shape_cast %swap3A_779 : vector<16xi32> to vector<16xi32>
      %swap3A_781 = vector.shape_cast %add3A_777 : vector<16xi32> to vector<16xi32>
      tpu.vector_store %arg8[%swap3A_778], %swap3A_781 {strides = array<i32>} : memref<512xi32, #tpu.memory_space<vmem>>, vector<16xi32>,
      %get3A_782 = arith.constant 144 : index
      %get3A_783 = tpu.vector_load %arg8[%get3A_782] {strides = array<i32>} : memref<512xi32, #tpu.memory_space<vmem>>, vector<16xi32>,
      %get3A_784 = vector.shape_cast %get3A_783 : vector<16xi32> to vector<16xi32>
      %get3A_785 = arith.constant 144 : index
      %get3A_786 = tpu.vector_load %arg7[%get3A_785] {strides = array<i32>} : memref<512xf32, #tpu.memory_space<vmem>>, vector<16xf32>,
      %get3A_787 = vector.shape_cast %get3A_786 : vector<16xf32> to vector<16xf32>
      %ne3A_788 = arith.constant 0.000000e+00 : f32
      %ne3A_789 = vector.broadcast %ne3A_788 : f32 to vector<16xf32>
      %ne3A_790 = arith.cmpf one, %get3A_787, %ne3A_789 : vector<16xf32>
      %select_n3A_791 = arith.select %ne3A_790, %broadcast_in_dim3A_644, %broadcast_in_dim3A_646 : vector<16xi1>, vector<16xi32>
      %add3A_792 = arith.addi %get3A_784, %select_n3A_791 : vector<16xi32>
      %swap3A_793 = arith.constant 144 : index
      %swap3A_794 = tpu.vector_load %arg8[%swap3A_793] {strides = array<i32>} : memref<512xi32, #tpu.memory_space<vmem>>, vector<16xi32>,
      %swap3A_795 = vector.shape_cast %swap3A_794 : vector<16xi32> to vector<16xi32>
      %swap3A_796 = vector.shape_cast %add3A_792 : vector<16xi32> to vector<16xi32>
      tpu.vector_store %arg8[%swap3A_793], %swap3A_796 {strides = array<i32>} : memref<512xi32, #tpu.memory_space<vmem>>, vector<16xi32>,
      %get3A_797 = arith.constant 160 : index
      %get3A_798 = tpu.vector_load %arg8[%get3A_797] {strides = array<i32>} : memref<512xi32, #tpu.memory_space<vmem>>, vector<16xi32>,
      %get3A_799 = vector.shape_cast %get3A_798 : vector<16xi32> to vector<16xi32>
      %get3A_800 = arith.constant 160 : index
      %get3A_801 = tpu.vector_load %arg7[%get3A_800] {strides = array<i32>} : memref<512xf32, #tpu.memory_space<vmem>>, vector<16xf32>,
      %get3A_802 = vector.shape_cast %get3A_801 : vector<16xf32> to vector<16xf32>
      %ne3A_803 = arith.constant 0.000000e+00 : f32
      %ne3A_804 = vector.broadcast %ne3A_803 : f32 to vector<16xf32>
      %ne3A_805 = arith.cmpf one, %get3A_802, %ne3A_804 : vector<16xf32>
      %select_n3A_806 = arith.select %ne3A_805, %broadcast_in_dim3A_644, %broadcast_in_dim3A_646 : vector<16xi1>, vector<16xi32>
      %add3A_807 = arith.addi %get3A_799, %select_n3A_806 : vector<16xi32>
      %swap3A_808 = arith.constant 160 : index
      %swap3A_809 = tpu.vector_load %arg8[%swap3A_808] {strides = array<i32>} : memref<512xi32, #tpu.memory_space<vmem>>, vector<16xi32>,
      %swap3A_810 = vector.shape_cast %swap3A_809 : vector<16xi32> to vector<16xi32>
      %swap3A_811 = vector.shape_cast %add3A_807 : vector<16xi32> to vector<16xi32>
      tpu.vector_store %arg8[%swap3A_808], %swap3A_811 {strides = array<i32>} : memref<512xi32, #tpu.memory_space<vmem>>, vector<16xi32>,
      %get3A_812 = arith.constant 176 : index
      %get3A_813 = tpu.vector_load %arg8[%get3A_812] {strides = array<i32>} : memref<512xi32, #tpu.memory_space<vmem>>, vector<16xi32>,
      %get3A_814 = vector.shape_cast %get3A_813 : vector<16xi32> to vector<16xi32>
      %get3A_815 = arith.constant 176 : index
      %get3A_816 = tpu.vector_load %arg7[%get3A_815] {strides = array<i32>} : memref<512xf32, #tpu.memory_space<vmem>>, vector<16xf32>,
      %get3A_817 = vector.shape_cast %get3A_816 : vector<16xf32> to vector<16xf32>
      %ne3A_818 = arith.constant 0.000000e+00 : f32
      %ne3A_819 = vector.broadcast %ne3A_818 : f32 to vector<16xf32>
      %ne3A_820 = arith.cmpf one, %get3A_817, %ne3A_819 : vector<16xf32>
      %select_n3A_821 = arith.select %ne3A_820, %broadcast_in_dim3A_644, %broadcast_in_dim3A_646 : vector<16xi1>, vector<16xi32>
      %add3A_822 = arith.addi %get3A_814, %select_n3A_821 : vector<16xi32>
      %swap3A_823 = arith.constant 176 : index
      %swap3A_824 = tpu.vector_load %arg8[%swap3A_823] {strides = array<i32>} : memref<512xi32, #tpu.memory_space<vmem>>, vector<16xi32>,
      %swap3A_825 = vector.shape_cast %swap3A_824 : vector<16xi32> to vector<16xi32>
      %swap3A_826 = vector.shape_cast %add3A_822 : vector<16xi32> to vector<16xi32>
      tpu.vector_store %arg8[%swap3A_823], %swap3A_826 {strides = array<i32>} : memref<512xi32, #tpu.memory_space<vmem>>, vector<16xi32>,
      %get3A_827 = arith.constant 192 : index
      %get3A_828 = tpu.vector_load %arg8[%get3A_827] {strides = array<i32>} : memref<512xi32, #tpu.memory_space<vmem>>, vector<16xi32>,
      %get3A_829 = vector.shape_cast %get3A_828 : vector<16xi32> to vector<16xi32>
      %get3A_830 = arith.constant 192 : index
      %get3A_831 = tpu.vector_load %arg7[%get3A_830] {strides = array<i32>} : memref<512xf32, #tpu.memory_space<vmem>>, vector<16xf32>,
      %get3A_832 = vector.shape_cast %get3A_831 : vector<16xf32> to vector<16xf32>
      %ne3A_833 = arith.constant 0.000000e+00 : f32
      %ne3A_834 = vector.broadcast %ne3A_833 : f32 to vector<16xf32>
      %ne3A_835 = arith.cmpf one, %get3A_832, %ne3A_834 : vector<16xf32>
      %select_n3A_836 = arith.select %ne3A_835, %broadcast_in_dim3A_644, %broadcast_in_dim3A_646 : vector<16xi1>, vector<16xi32>
      %add3A_837 = arith.addi %get3A_829, %select_n3A_836 : vector<16xi32>
      %swap3A_838 = arith.constant 192 : index
      %swap3A_839 = tpu.vector_load %arg8[%swap3A_838] {strides = array<i32>} : memref<512xi32, #tpu.memory_space<vmem>>, vector<16xi32>,
      %swap3A_840 = vector.shape_cast %swap3A_839 : vector<16xi32> to vector<16xi32>
      %swap3A_841 = vector.shape_cast %add3A_837 : vector<16xi32> to vector<16xi32>
      tpu.vector_store %arg8[%swap3A_838], %swap3A_841 {strides = array<i32>} : memref<512xi32, #tpu.memory_space<vmem>>, vector<16xi32>,
      %get3A_842 = arith.constant 208 : index
      %get3A_843 = tpu.vector_load %arg8[%get3A_842] {strides = array<i32>} : memref<512xi32, #tpu.memory_space<vmem>>, vector<16xi32>,
      %get3A_844 = vector.shape_cast %get3A_843 : vector<16xi32> to vector<16xi32>
      %get3A_845 = arith.constant 208 : index
      %get3A_846 = tpu.vector_load %arg7[%get3A_845] {strides = array<i32>} : memref<512xf32, #tpu.memory_space<vmem>>, vector<16xf32>,
      %get3A_847 = vector.shape_cast %get3A_846 : vector<16xf32> to vector<16xf32>
      %ne3A_848 = arith.constant 0.000000e+00 : f32
      %ne3A_849 = vector.broadcast %ne3A_848 : f32 to vector<16xf32>
      %ne3A_850 = arith.cmpf one, %get3A_847, %ne3A_849 : vector<16xf32>
      %select_n3A_851 = arith.select %ne3A_850, %broadcast_in_dim3A_644, %broadcast_in_dim3A_646 : vector<16xi1>, vector<16xi32>
      %add3A_852 = arith.addi %get3A_844, %select_n3A_851 : vector<16xi32>
      %swap3A_853 = arith.constant 208 : index
      %swap3A_854 = tpu.vector_load %arg8[%swap3A_853] {strides = array<i32>} : memref<512xi32, #tpu.memory_space<vmem>>, vector<16xi32>,
      %swap3A_855 = vector.shape_cast %swap3A_854 : vector<16xi32> to vector<16xi32>
      %swap3A_856 = vector.shape_cast %add3A_852 : vector<16xi32> to vector<16xi32>
      tpu.vector_store %arg8[%swap3A_853], %swap3A_856 {strides = array<i32>} : memref<512xi32, #tpu.memory_space<vmem>>, vector<16xi32>,
      %get3A_857 = arith.constant 224 : index
      %get3A_858 = tpu.vector_load %arg8[%get3A_857] {strides = array<i32>} : memref<512xi32, #tpu.memory_space<vmem>>, vector<16xi32>,
      %get3A_859 = vector.shape_cast %get3A_858 : vector<16xi32> to vector<16xi32>
      %get3A_860 = arith.constant 224 : index
      %get3A_861 = tpu.vector_load %arg7[%get3A_860] {strides = array<i32>} : memref<512xf32, #tpu.memory_space<vmem>>, vector<16xf32>,
      %get3A_862 = vector.shape_cast %get3A_861 : vector<16xf32> to vector<16xf32>
      %ne3A_863 = arith.constant 0.000000e+00 : f32
      %ne3A_864 = vector.broadcast %ne3A_863 : f32 to vector<16xf32>
      %ne3A_865 = arith.cmpf one, %get3A_862, %ne3A_864 : vector<16xf32>
      %select_n3A_866 = arith.select %ne3A_865, %broadcast_in_dim3A_644, %broadcast_in_dim3A_646 : vector<16xi1>, vector<16xi32>
      %add3A_867 = arith.addi %get3A_859, %select_n3A_866 : vector<16xi32>
      %swap3A_868 = arith.constant 224 : index
      %swap3A_869 = tpu.vector_load %arg8[%swap3A_868] {strides = array<i32>} : memref<512xi32, #tpu.memory_space<vmem>>, vector<16xi32>,
      %swap3A_870 = vector.shape_cast %swap3A_869 : vector<16xi32> to vector<16xi32>
      %swap3A_871 = vector.shape_cast %add3A_867 : vector<16xi32> to vector<16xi32>
      tpu.vector_store %arg8[%swap3A_868], %swap3A_871 {strides = array<i32>} : memref<512xi32, #tpu.memory_space<vmem>>, vector<16xi32>,
      %get3A_872 = arith.constant 240 : index
      %get3A_873 = tpu.vector_load %arg8[%get3A_872] {strides = array<i32>} : memref<512xi32, #tpu.memory_space<vmem>>, vector<16xi32>,
      %get3A_874 = vector.shape_cast %get3A_873 : vector<16xi32> to vector<16xi32>
      %get3A_875 = arith.constant 240 : index
      %get3A_876 = tpu.vector_load %arg7[%get3A_875] {strides = array<i32>} : memref<512xf32, #tpu.memory_space<vmem>>, vector<16xf32>,
      %get3A_877 = vector.shape_cast %get3A_876 : vector<16xf32> to vector<16xf32>
      %ne3A_878 = arith.constant 0.000000e+00 : f32
      %ne3A_879 = vector.broadcast %ne3A_878 : f32 to vector<16xf32>
      %ne3A_880 = arith.cmpf one, %get3A_877, %ne3A_879 : vector<16xf32>
      %select_n3A_881 = arith.select %ne3A_880, %broadcast_in_dim3A_644, %broadcast_in_dim3A_646 : vector<16xi1>, vector<16xi32>
      %add3A_882 = arith.addi %get3A_874, %select_n3A_881 : vector<16xi32>
      %swap3A_883 = arith.constant 240 : index
      %swap3A_884 = tpu.vector_load %arg8[%swap3A_883] {strides = array<i32>} : memref<512xi32, #tpu.memory_space<vmem>>, vector<16xi32>,
      %swap3A_885 = vector.shape_cast %swap3A_884 : vector<16xi32> to vector<16xi32>
      %swap3A_886 = vector.shape_cast %add3A_882 : vector<16xi32> to vector<16xi32>
      tpu.vector_store %arg8[%swap3A_883], %swap3A_886 {strides = array<i32>} : memref<512xi32, #tpu.memory_space<vmem>>, vector<16xi32>,
      %get3A_887 = arith.constant 256 : index
      %get3A_888 = tpu.vector_load %arg8[%get3A_887] {strides = array<i32>} : memref<512xi32, #tpu.memory_space<vmem>>, vector<16xi32>,
      %get3A_889 = vector.shape_cast %get3A_888 : vector<16xi32> to vector<16xi32>
      %get3A_890 = arith.constant 256 : index
      %get3A_891 = tpu.vector_load %arg7[%get3A_890] {strides = array<i32>} : memref<512xf32, #tpu.memory_space<vmem>>, vector<16xf32>,
      %get3A_892 = vector.shape_cast %get3A_891 : vector<16xf32> to vector<16xf32>
      %ne3A_893 = arith.constant 0.000000e+00 : f32
      %ne3A_894 = vector.broadcast %ne3A_893 : f32 to vector<16xf32>
      %ne3A_895 = arith.cmpf one, %get3A_892, %ne3A_894 : vector<16xf32>
      %select_n3A_896 = arith.select %ne3A_895, %broadcast_in_dim3A_644, %broadcast_in_dim3A_646 : vector<16xi1>, vector<16xi32>
      %add3A_897 = arith.addi %get3A_889, %select_n3A_896 : vector<16xi32>
      %swap3A_898 = arith.constant 256 : index
      %swap3A_899 = tpu.vector_load %arg8[%swap3A_898] {strides = array<i32>} : memref<512xi32, #tpu.memory_space<vmem>>, vector<16xi32>,
      %swap3A_900 = vector.shape_cast %swap3A_899 : vector<16xi32> to vector<16xi32>
      %swap3A_901 = vector.shape_cast %add3A_897 : vector<16xi32> to vector<16xi32>
      tpu.vector_store %arg8[%swap3A_898], %swap3A_901 {strides = array<i32>} : memref<512xi32, #tpu.memory_space<vmem>>, vector<16xi32>,
      %get3A_902 = arith.constant 272 : index
      %get3A_903 = tpu.vector_load %arg8[%get3A_902] {strides = array<i32>} : memref<512xi32, #tpu.memory_space<vmem>>, vector<16xi32>,
      %get3A_904 = vector.shape_cast %get3A_903 : vector<16xi32> to vector<16xi32>
      %get3A_905 = arith.constant 272 : index
      %get3A_906 = tpu.vector_load %arg7[%get3A_905] {strides = array<i32>} : memref<512xf32, #tpu.memory_space<vmem>>, vector<16xf32>,
      %get3A_907 = vector.shape_cast %get3A_906 : vector<16xf32> to vector<16xf32>
      %ne3A_908 = arith.constant 0.000000e+00 : f32
      %ne3A_909 = vector.broadcast %ne3A_908 : f32 to vector<16xf32>
      %ne3A_910 = arith.cmpf one, %get3A_907, %ne3A_909 : vector<16xf32>
      %select_n3A_911 = arith.select %ne3A_910, %broadcast_in_dim3A_644, %broadcast_in_dim3A_646 : vector<16xi1>, vector<16xi32>
      %add3A_912 = arith.addi %get3A_904, %select_n3A_911 : vector<16xi32>
      %swap3A_913 = arith.constant 272 : index
      %swap3A_914 = tpu.vector_load %arg8[%swap3A_913] {strides = array<i32>} : memref<512xi32, #tpu.memory_space<vmem>>, vector<16xi32>,
      %swap3A_915 = vector.shape_cast %swap3A_914 : vector<16xi32> to vector<16xi32>
      %swap3A_916 = vector.shape_cast %add3A_912 : vector<16xi32> to vector<16xi32>
      tpu.vector_store %arg8[%swap3A_913], %swap3A_916 {strides = array<i32>} : memref<512xi32, #tpu.memory_space<vmem>>, vector<16xi32>,
      %get3A_917 = arith.constant 288 : index
      %get3A_918 = tpu.vector_load %arg8[%get3A_917] {strides = array<i32>} : memref<512xi32, #tpu.memory_space<vmem>>, vector<16xi32>,
      %get3A_919 = vector.shape_cast %get3A_918 : vector<16xi32> to vector<16xi32>
      %get3A_920 = arith.constant 288 : index
      %get3A_921 = tpu.vector_load %arg7[%get3A_920] {strides = array<i32>} : memref<512xf32, #tpu.memory_space<vmem>>, vector<16xf32>,
      %get3A_922 = vector.shape_cast %get3A_921 : vector<16xf32> to vector<16xf32>
      %ne3A_923 = arith.constant 0.000000e+00 : f32
      %ne3A_924 = vector.broadcast %ne3A_923 : f32 to vector<16xf32>
      %ne3A_925 = arith.cmpf one, %get3A_922, %ne3A_924 : vector<16xf32>
      %select_n3A_926 = arith.select %ne3A_925, %broadcast_in_dim3A_644, %broadcast_in_dim3A_646 : vector<16xi1>, vector<16xi32>
      %add3A_927 = arith.addi %get3A_919, %select_n3A_926 : vector<16xi32>
      %swap3A_928 = arith.constant 288 : index
      %swap3A_929 = tpu.vector_load %arg8[%swap3A_928] {strides = array<i32>} : memref<512xi32, #tpu.memory_space<vmem>>, vector<16xi32>,
      %swap3A_930 = vector.shape_cast %swap3A_929 : vector<16xi32> to vector<16xi32>
      %swap3A_931 = vector.shape_cast %add3A_927 : vector<16xi32> to vector<16xi32>
      tpu.vector_store %arg8[%swap3A_928], %swap3A_931 {strides = array<i32>} : memref<512xi32, #tpu.memory_space<vmem>>, vector<16xi32>,
      %get3A_932 = arith.constant 304 : index
      %get3A_933 = tpu.vector_load %arg8[%get3A_932] {strides = array<i32>} : memref<512xi32, #tpu.memory_space<vmem>>, vector<16xi32>,
      %get3A_934 = vector.shape_cast %get3A_933 : vector<16xi32> to vector<16xi32>
      %get3A_935 = arith.constant 304 : index
      %get3A_936 = tpu.vector_load %arg7[%get3A_935] {strides = array<i32>} : memref<512xf32, #tpu.memory_space<vmem>>, vector<16xf32>,
      %get3A_937 = vector.shape_cast %get3A_936 : vector<16xf32> to vector<16xf32>
      %ne3A_938 = arith.constant 0.000000e+00 : f32
      %ne3A_939 = vector.broadcast %ne3A_938 : f32 to vector<16xf32>
      %ne3A_940 = arith.cmpf one, %get3A_937, %ne3A_939 : vector<16xf32>
      %select_n3A_941 = arith.select %ne3A_940, %broadcast_in_dim3A_644, %broadcast_in_dim3A_646 : vector<16xi1>, vector<16xi32>
      %add3A_942 = arith.addi %get3A_934, %select_n3A_941 : vector<16xi32>
      %swap3A_943 = arith.constant 304 : index
      %swap3A_944 = tpu.vector_load %arg8[%swap3A_943] {strides = array<i32>} : memref<512xi32, #tpu.memory_space<vmem>>, vector<16xi32>,
      %swap3A_945 = vector.shape_cast %swap3A_944 : vector<16xi32> to vector<16xi32>
      %swap3A_946 = vector.shape_cast %add3A_942 : vector<16xi32> to vector<16xi32>
      tpu.vector_store %arg8[%swap3A_943], %swap3A_946 {strides = array<i32>} : memref<512xi32, #tpu.memory_space<vmem>>, vector<16xi32>,
      %get3A_947 = arith.constant 320 : index
      %get3A_948 = tpu.vector_load %arg8[%get3A_947] {strides = array<i32>} : memref<512xi32, #tpu.memory_space<vmem>>, vector<16xi32>,
      %get3A_949 = vector.shape_cast %get3A_948 : vector<16xi32> to vector<16xi32>
      %get3A_950 = arith.constant 320 : index
      %get3A_951 = tpu.vector_load %arg7[%get3A_950] {strides = array<i32>} : memref<512xf32, #tpu.memory_space<vmem>>, vector<16xf32>,
      %get3A_952 = vector.shape_cast %get3A_951 : vector<16xf32> to vector<16xf32>
      %ne3A_953 = arith.constant 0.000000e+00 : f32
      %ne3A_954 = vector.broadcast %ne3A_953 : f32 to vector<16xf32>
      %ne3A_955 = arith.cmpf one, %get3A_952, %ne3A_954 : vector<16xf32>
      %select_n3A_956 = arith.select %ne3A_955, %broadcast_in_dim3A_644, %broadcast_in_dim3A_646 : vector<16xi1>, vector<16xi32>
      %add3A_957 = arith.addi %get3A_949, %select_n3A_956 : vector<16xi32>
      %swap3A_958 = arith.constant 320 : index
      %swap3A_959 = tpu.vector_load %arg8[%swap3A_958] {strides = array<i32>} : memref<512xi32, #tpu.memory_space<vmem>>, vector<16xi32>,
      %swap3A_960 = vector.shape_cast %swap3A_959 : vector<16xi32> to vector<16xi32>
      %swap3A_961 = vector.shape_cast %add3A_957 : vector<16xi32> to vector<16xi32>
      tpu.vector_store %arg8[%swap3A_958], %swap3A_961 {strides = array<i32>} : memref<512xi32, #tpu.memory_space<vmem>>, vector<16xi32>,
      %get3A_962 = arith.constant 336 : index
      %get3A_963 = tpu.vector_load %arg8[%get3A_962] {strides = array<i32>} : memref<512xi32, #tpu.memory_space<vmem>>, vector<16xi32>,
      %get3A_964 = vector.shape_cast %get3A_963 : vector<16xi32> to vector<16xi32>
      %get3A_965 = arith.constant 336 : index
      %get3A_966 = tpu.vector_load %arg7[%get3A_965] {strides = array<i32>} : memref<512xf32, #tpu.memory_space<vmem>>, vector<16xf32>,
      %get3A_967 = vector.shape_cast %get3A_966 : vector<16xf32> to vector<16xf32>
      %ne3A_968 = arith.constant 0.000000e+00 : f32
      %ne3A_969 = vector.broadcast %ne3A_968 : f32 to vector<16xf32>
      %ne3A_970 = arith.cmpf one, %get3A_967, %ne3A_969 : vector<16xf32>
      %select_n3A_971 = arith.select %ne3A_970, %broadcast_in_dim3A_644, %broadcast_in_dim3A_646 : vector<16xi1>, vector<16xi32>
      %add3A_972 = arith.addi %get3A_964, %select_n3A_971 : vector<16xi32>
      %swap3A_973 = arith.constant 336 : index
      %swap3A_974 = tpu.vector_load %arg8[%swap3A_973] {strides = array<i32>} : memref<512xi32, #tpu.memory_space<vmem>>, vector<16xi32>,
      %swap3A_975 = vector.shape_cast %swap3A_974 : vector<16xi32> to vector<16xi32>
      %swap3A_976 = vector.shape_cast %add3A_972 : vector<16xi32> to vector<16xi32>
      tpu.vector_store %arg8[%swap3A_973], %swap3A_976 {strides = array<i32>} : memref<512xi32, #tpu.memory_space<vmem>>, vector<16xi32>,
      %get3A_977 = arith.constant 352 : index
      %get3A_978 = tpu.vector_load %arg8[%get3A_977] {strides = array<i32>} : memref<512xi32, #tpu.memory_space<vmem>>, vector<16xi32>,
      %get3A_979 = vector.shape_cast %get3A_978 : vector<16xi32> to vector<16xi32>
      %get3A_980 = arith.constant 352 : index
      %get3A_981 = tpu.vector_load %arg7[%get3A_980] {strides = array<i32>} : memref<512xf32, #tpu.memory_space<vmem>>, vector<16xf32>,
      %get3A_982 = vector.shape_cast %get3A_981 : vector<16xf32> to vector<16xf32>
      %ne3A_983 = arith.constant 0.000000e+00 : f32
      %ne3A_984 = vector.broadcast %ne3A_983 : f32 to vector<16xf32>
      %ne3A_985 = arith.cmpf one, %get3A_982, %ne3A_984 : vector<16xf32>
      %select_n3A_986 = arith.select %ne3A_985, %broadcast_in_dim3A_644, %broadcast_in_dim3A_646 : vector<16xi1>, vector<16xi32>
      %add3A_987 = arith.addi %get3A_979, %select_n3A_986 : vector<16xi32>
      %swap3A_988 = arith.constant 352 : index
      %swap3A_989 = tpu.vector_load %arg8[%swap3A_988] {strides = array<i32>} : memref<512xi32, #tpu.memory_space<vmem>>, vector<16xi32>,
      %swap3A_990 = vector.shape_cast %swap3A_989 : vector<16xi32> to vector<16xi32>
      %swap3A_991 = vector.shape_cast %add3A_987 : vector<16xi32> to vector<16xi32>
      tpu.vector_store %arg8[%swap3A_988], %swap3A_991 {strides = array<i32>} : memref<512xi32, #tpu.memory_space<vmem>>, vector<16xi32>,
      %get3A_992 = arith.constant 368 : index
      %get3A_993 = tpu.vector_load %arg8[%get3A_992] {strides = array<i32>} : memref<512xi32, #tpu.memory_space<vmem>>, vector<16xi32>,
      %get3A_994 = vector.shape_cast %get3A_993 : vector<16xi32> to vector<16xi32>
      %get3A_995 = arith.constant 368 : index
      %get3A_996 = tpu.vector_load %arg7[%get3A_995] {strides = array<i32>} : memref<512xf32, #tpu.memory_space<vmem>>, vector<16xf32>,
      %get3A_997 = vector.shape_cast %get3A_996 : vector<16xf32> to vector<16xf32>
      %ne3A_998 = arith.constant 0.000000e+00 : f32
      %ne3A_999 = vector.broadcast %ne3A_998 : f32 to vector<16xf32>
      %ne3A_1000 = arith.cmpf one, %get3A_997, %ne3A_999 : vector<16xf32>
      %select_n3A_1001 = arith.select %ne3A_1000, %broadcast_in_dim3A_644, %broadcast_in_dim3A_646 : vector<16xi1>, vector<16xi32>
      %add3A_1002 = arith.addi %get3A_994, %select_n3A_1001 : vector<16xi32>
      %swap3A_1003 = arith.constant 368 : index
      %swap3A_1004 = tpu.vector_load %arg8[%swap3A_1003] {strides = array<i32>} : memref<512xi32, #tpu.memory_space<vmem>>, vector<16xi32>,
      %swap3A_1005 = vector.shape_cast %swap3A_1004 : vector<16xi32> to vector<16xi32>
      %swap3A_1006 = vector.shape_cast %add3A_1002 : vector<16xi32> to vector<16xi32>
      tpu.vector_store %arg8[%swap3A_1003], %swap3A_1006 {strides = array<i32>} : memref<512xi32, #tpu.memory_space<vmem>>, vector<16xi32>,
      %get3A_1007 = arith.constant 384 : index
      %get3A_1008 = tpu.vector_load %arg8[%get3A_1007] {strides = array<i32>} : memref<512xi32, #tpu.memory_space<vmem>>, vector<16xi32>,
      %get3A_1009 = vector.shape_cast %get3A_1008 : vector<16xi32> to vector<16xi32>
      %get3A_1010 = arith.constant 384 : index
      %get3A_1011 = tpu.vector_load %arg7[%get3A_1010] {strides = array<i32>} : memref<512xf32, #tpu.memory_space<vmem>>, vector<16xf32>,
      %get3A_1012 = vector.shape_cast %get3A_1011 : vector<16xf32> to vector<16xf32>
      %ne3A_1013 = arith.constant 0.000000e+00 : f32
      %ne3A_1014 = vector.broadcast %ne3A_1013 : f32 to vector<16xf32>
      %ne3A_1015 = arith.cmpf one, %get3A_1012, %ne3A_1014 : vector<16xf32>
      %select_n3A_1016 = arith.select %ne3A_1015, %broadcast_in_dim3A_644, %broadcast_in_dim3A_646 : vector<16xi1>, vector<16xi32>
      %add3A_1017 = arith.addi %get3A_1009, %select_n3A_1016 : vector<16xi32>
      %swap3A_1018 = arith.constant 384 : index
      %swap3A_1019 = tpu.vector_load %arg8[%swap3A_1018] {strides = array<i32>} : memref<512xi32, #tpu.memory_space<vmem>>, vector<16xi32>,
      %swap3A_1020 = vector.shape_cast %swap3A_1019 : vector<16xi32> to vector<16xi32>
      %swap3A_1021 = vector.shape_cast %add3A_1017 : vector<16xi32> to vector<16xi32>
      tpu.vector_store %arg8[%swap3A_1018], %swap3A_1021 {strides = array<i32>} : memref<512xi32, #tpu.memory_space<vmem>>, vector<16xi32>,
      %get3A_1022 = arith.constant 400 : index
      %get3A_1023 = tpu.vector_load %arg8[%get3A_1022] {strides = array<i32>} : memref<512xi32, #tpu.memory_space<vmem>>, vector<16xi32>,
      %get3A_1024 = vector.shape_cast %get3A_1023 : vector<16xi32> to vector<16xi32>
      %get3A_1025 = arith.constant 400 : index
      %get3A_1026 = tpu.vector_load %arg7[%get3A_1025] {strides = array<i32>} : memref<512xf32, #tpu.memory_space<vmem>>, vector<16xf32>,
      %get3A_1027 = vector.shape_cast %get3A_1026 : vector<16xf32> to vector<16xf32>
      %ne3A_1028 = arith.constant 0.000000e+00 : f32
      %ne3A_1029 = vector.broadcast %ne3A_1028 : f32 to vector<16xf32>
      %ne3A_1030 = arith.cmpf one, %get3A_1027, %ne3A_1029 : vector<16xf32>
      %select_n3A_1031 = arith.select %ne3A_1030, %broadcast_in_dim3A_644, %broadcast_in_dim3A_646 : vector<16xi1>, vector<16xi32>
      %add3A_1032 = arith.addi %get3A_1024, %select_n3A_1031 : vector<16xi32>
      %swap3A_1033 = arith.constant 400 : index
      %swap3A_1034 = tpu.vector_load %arg8[%swap3A_1033] {strides = array<i32>} : memref<512xi32, #tpu.memory_space<vmem>>, vector<16xi32>,
      %swap3A_1035 = vector.shape_cast %swap3A_1034 : vector<16xi32> to vector<16xi32>
      %swap3A_1036 = vector.shape_cast %add3A_1032 : vector<16xi32> to vector<16xi32>
      tpu.vector_store %arg8[%swap3A_1033], %swap3A_1036 {strides = array<i32>} : memref<512xi32, #tpu.memory_space<vmem>>, vector<16xi32>,
      %get3A_1037 = arith.constant 416 : index
      %get3A_1038 = tpu.vector_load %arg8[%get3A_1037] {strides = array<i32>} : memref<512xi32, #tpu.memory_space<vmem>>, vector<16xi32>,
      %get3A_1039 = vector.shape_cast %get3A_1038 : vector<16xi32> to vector<16xi32>
      %get3A_1040 = arith.constant 416 : index
      %get3A_1041 = tpu.vector_load %arg7[%get3A_1040] {strides = array<i32>} : memref<512xf32, #tpu.memory_space<vmem>>, vector<16xf32>,
      %get3A_1042 = vector.shape_cast %get3A_1041 : vector<16xf32> to vector<16xf32>
      %ne3A_1043 = arith.constant 0.000000e+00 : f32
      %ne3A_1044 = vector.broadcast %ne3A_1043 : f32 to vector<16xf32>
      %ne3A_1045 = arith.cmpf one, %get3A_1042, %ne3A_1044 : vector<16xf32>
      %select_n3A_1046 = arith.select %ne3A_1045, %broadcast_in_dim3A_644, %broadcast_in_dim3A_646 : vector<16xi1>, vector<16xi32>
      %add3A_1047 = arith.addi %get3A_1039, %select_n3A_1046 : vector<16xi32>
      %swap3A_1048 = arith.constant 416 : index
      %swap3A_1049 = tpu.vector_load %arg8[%swap3A_1048] {strides = array<i32>} : memref<512xi32, #tpu.memory_space<vmem>>, vector<16xi32>,
      %swap3A_1050 = vector.shape_cast %swap3A_1049 : vector<16xi32> to vector<16xi32>
      %swap3A_1051 = vector.shape_cast %add3A_1047 : vector<16xi32> to vector<16xi32>
      tpu.vector_store %arg8[%swap3A_1048], %swap3A_1051 {strides = array<i32>} : memref<512xi32, #tpu.memory_space<vmem>>, vector<16xi32>,
      %get3A_1052 = arith.constant 432 : index
      %get3A_1053 = tpu.vector_load %arg8[%get3A_1052] {strides = array<i32>} : memref<512xi32, #tpu.memory_space<vmem>>, vector<16xi32>,
      %get3A_1054 = vector.shape_cast %get3A_1053 : vector<16xi32> to vector<16xi32>
      %get3A_1055 = arith.constant 432 : index
      %get3A_1056 = tpu.vector_load %arg7[%get3A_1055] {strides = array<i32>} : memref<512xf32, #tpu.memory_space<vmem>>, vector<16xf32>,
      %get3A_1057 = vector.shape_cast %get3A_1056 : vector<16xf32> to vector<16xf32>
      %ne3A_1058 = arith.constant 0.000000e+00 : f32
      %ne3A_1059 = vector.broadcast %ne3A_1058 : f32 to vector<16xf32>
      %ne3A_1060 = arith.cmpf one, %get3A_1057, %ne3A_1059 : vector<16xf32>
      %select_n3A_1061 = arith.select %ne3A_1060, %broadcast_in_dim3A_644, %broadcast_in_dim3A_646 : vector<16xi1>, vector<16xi32>
      %add3A_1062 = arith.addi %get3A_1054, %select_n3A_1061 : vector<16xi32>
      %swap3A_1063 = arith.constant 432 : index
      %swap3A_1064 = tpu.vector_load %arg8[%swap3A_1063] {strides = array<i32>} : memref<512xi32, #tpu.memory_space<vmem>>, vector<16xi32>,
      %swap3A_1065 = vector.shape_cast %swap3A_1064 : vector<16xi32> to vector<16xi32>
      %swap3A_1066 = vector.shape_cast %add3A_1062 : vector<16xi32> to vector<16xi32>
      tpu.vector_store %arg8[%swap3A_1063], %swap3A_1066 {strides = array<i32>} : memref<512xi32, #tpu.memory_space<vmem>>, vector<16xi32>,
      %get3A_1067 = arith.constant 448 : index
      %get3A_1068 = tpu.vector_load %arg8[%get3A_1067] {strides = array<i32>} : memref<512xi32, #tpu.memory_space<vmem>>, vector<16xi32>,
      %get3A_1069 = vector.shape_cast %get3A_1068 : vector<16xi32> to vector<16xi32>
      %get3A_1070 = arith.constant 448 : index
      %get3A_1071 = tpu.vector_load %arg7[%get3A_1070] {strides = array<i32>} : memref<512xf32, #tpu.memory_space<vmem>>, vector<16xf32>,
      %get3A_1072 = vector.shape_cast %get3A_1071 : vector<16xf32> to vector<16xf32>
      %ne3A_1073 = arith.constant 0.000000e+00 : f32
      %ne3A_1074 = vector.broadcast %ne3A_1073 : f32 to vector<16xf32>
      %ne3A_1075 = arith.cmpf one, %get3A_1072, %ne3A_1074 : vector<16xf32>
      %select_n3A_1076 = arith.select %ne3A_1075, %broadcast_in_dim3A_644, %broadcast_in_dim3A_646 : vector<16xi1>, vector<16xi32>
      %add3A_1077 = arith.addi %get3A_1069, %select_n3A_1076 : vector<16xi32>
      %swap3A_1078 = arith.constant 448 : index
      %swap3A_1079 = tpu.vector_load %arg8[%swap3A_1078] {strides = array<i32>} : memref<512xi32, #tpu.memory_space<vmem>>, vector<16xi32>,
      %swap3A_1080 = vector.shape_cast %swap3A_1079 : vector<16xi32> to vector<16xi32>
      %swap3A_1081 = vector.shape_cast %add3A_1077 : vector<16xi32> to vector<16xi32>
      tpu.vector_store %arg8[%swap3A_1078], %swap3A_1081 {strides = array<i32>} : memref<512xi32, #tpu.memory_space<vmem>>, vector<16xi32>,
      %get3A_1082 = arith.constant 464 : index
      %get3A_1083 = tpu.vector_load %arg8[%get3A_1082] {strides = array<i32>} : memref<512xi32, #tpu.memory_space<vmem>>, vector<16xi32>,
      %get3A_1084 = vector.shape_cast %get3A_1083 : vector<16xi32> to vector<16xi32>
      %get3A_1085 = arith.constant 464 : index
      %get3A_1086 = tpu.vector_load %arg7[%get3A_1085] {strides = array<i32>} : memref<512xf32, #tpu.memory_space<vmem>>, vector<16xf32>,
      %get3A_1087 = vector.shape_cast %get3A_1086 : vector<16xf32> to vector<16xf32>
      %ne3A_1088 = arith.constant 0.000000e+00 : f32
      %ne3A_1089 = vector.broadcast %ne3A_1088 : f32 to vector<16xf32>
      %ne3A_1090 = arith.cmpf one, %get3A_1087, %ne3A_1089 : vector<16xf32>
      %select_n3A_1091 = arith.select %ne3A_1090, %broadcast_in_dim3A_644, %broadcast_in_dim3A_646 : vector<16xi1>, vector<16xi32>
      %add3A_1092 = arith.addi %get3A_1084, %select_n3A_1091 : vector<16xi32>
      %swap3A_1093 = arith.constant 464 : index
      %swap3A_1094 = tpu.vector_load %arg8[%swap3A_1093] {strides = array<i32>} : memref<512xi32, #tpu.memory_space<vmem>>, vector<16xi32>,
      %swap3A_1095 = vector.shape_cast %swap3A_1094 : vector<16xi32> to vector<16xi32>
      %swap3A_1096 = vector.shape_cast %add3A_1092 : vector<16xi32> to vector<16xi32>
      tpu.vector_store %arg8[%swap3A_1093], %swap3A_1096 {strides = array<i32>} : memref<512xi32, #tpu.memory_space<vmem>>, vector<16xi32>,
      %get3A_1097 = arith.constant 480 : index
      %get3A_1098 = tpu.vector_load %arg8[%get3A_1097] {strides = array<i32>} : memref<512xi32, #tpu.memory_space<vmem>>, vector<16xi32>,
      %get3A_1099 = vector.shape_cast %get3A_1098 : vector<16xi32> to vector<16xi32>
      %get3A_1100 = arith.constant 480 : index
      %get3A_1101 = tpu.vector_load %arg7[%get3A_1100] {strides = array<i32>} : memref<512xf32, #tpu.memory_space<vmem>>, vector<16xf32>,
      %get3A_1102 = vector.shape_cast %get3A_1101 : vector<16xf32> to vector<16xf32>
      %ne3A_1103 = arith.constant 0.000000e+00 : f32
      %ne3A_1104 = vector.broadcast %ne3A_1103 : f32 to vector<16xf32>
      %ne3A_1105 = arith.cmpf one, %get3A_1102, %ne3A_1104 : vector<16xf32>
      %select_n3A_1106 = arith.select %ne3A_1105, %broadcast_in_dim3A_644, %broadcast_in_dim3A_646 : vector<16xi1>, vector<16xi32>
      %add3A_1107 = arith.addi %get3A_1099, %select_n3A_1106 : vector<16xi32>
      %swap3A_1108 = arith.constant 480 : index
      %swap3A_1109 = tpu.vector_load %arg8[%swap3A_1108] {strides = array<i32>} : memref<512xi32, #tpu.memory_space<vmem>>, vector<16xi32>,
      %swap3A_1110 = vector.shape_cast %swap3A_1109 : vector<16xi32> to vector<16xi32>
      %swap3A_1111 = vector.shape_cast %add3A_1107 : vector<16xi32> to vector<16xi32>
      tpu.vector_store %arg8[%swap3A_1108], %swap3A_1111 {strides = array<i32>} : memref<512xi32, #tpu.memory_space<vmem>>, vector<16xi32>,
      %get3A_1112 = arith.constant 496 : index
      %get3A_1113 = tpu.vector_load %arg8[%get3A_1112] {strides = array<i32>} : memref<512xi32, #tpu.memory_space<vmem>>, vector<16xi32>,
      %get3A_1114 = vector.shape_cast %get3A_1113 : vector<16xi32> to vector<16xi32>
      %get3A_1115 = arith.constant 496 : index
      %get3A_1116 = tpu.vector_load %arg7[%get3A_1115] {strides = array<i32>} : memref<512xf32, #tpu.memory_space<vmem>>, vector<16xf32>,
      %get3A_1117 = vector.shape_cast %get3A_1116 : vector<16xf32> to vector<16xf32>
      %ne3A_1118 = arith.constant 0.000000e+00 : f32
      %ne3A_1119 = vector.broadcast %ne3A_1118 : f32 to vector<16xf32>
      %ne3A_1120 = arith.cmpf one, %get3A_1117, %ne3A_1119 : vector<16xf32>
      %select_n3A_1121 = arith.select %ne3A_1120, %broadcast_in_dim3A_644, %broadcast_in_dim3A_646 : vector<16xi1>, vector<16xi32>
      %add3A_1122 = arith.addi %get3A_1114, %select_n3A_1121 : vector<16xi32>
      %swap3A_1123 = arith.constant 496 : index
      %swap3A_1124 = tpu.vector_load %arg8[%swap3A_1123] {strides = array<i32>} : memref<512xi32, #tpu.memory_space<vmem>>, vector<16xi32>,
      %swap3A_1125 = vector.shape_cast %swap3A_1124 : vector<16xi32> to vector<16xi32>
      %swap3A_1126 = vector.shape_cast %add3A_1122 : vector<16xi32> to vector<16xi32>
      tpu.vector_store %arg8[%swap3A_1123], %swap3A_1126 {strides = array<i32>} : memref<512xi32, #tpu.memory_space<vmem>>, vector<16xi32>,
    }
    %scan3A_215 = arith.constant 50 : i32
    %get3A = arith.constant 0 : index
    %get3A_216 = tpu.vector_load %arg8[%get3A] {strides = array<i32>} : memref<512xi32, #tpu.memory_space<vmem>>, vector<16xi32>,
    %get3A_217 = vector.shape_cast %get3A_216 : vector<16xi32> to vector<16xi32>
    %swap3A_218 = arith.constant 0 : index
    %swap3A_219 = tpu.vector_load %arg6[%swap3A_218] {strides = array<i32>} : memref<512xi32, #tpu.memory_space<vmem>>, vector<16xi32>,
    %swap3A_220 = vector.shape_cast %swap3A_219 : vector<16xi32> to vector<16xi32>
    %swap3A_221 = vector.shape_cast %get3A_217 : vector<16xi32> to vector<16xi32>
    tpu.vector_store %arg6[%swap3A_218], %swap3A_221 {strides = array<i32>} : memref<512xi32, #tpu.memory_space<vmem>>, vector<16xi32>,
    %get3A_222 = arith.constant 16 : index
    %get3A_223 = tpu.vector_load %arg8[%get3A_222] {strides = array<i32>} : memref<512xi32, #tpu.memory_space<vmem>>, vector<16xi32>,
    %get3A_224 = vector.shape_cast %get3A_223 : vector<16xi32> to vector<16xi32>
    %swap3A_225 = arith.constant 16 : index
    %swap3A_226 = tpu.vector_load %arg6[%swap3A_225] {strides = array<i32>} : memref<512xi32, #tpu.memory_space<vmem>>, vector<16xi32>,
    %swap3A_227 = vector.shape_cast %swap3A_226 : vector<16xi32> to vector<16xi32>
    %swap3A_228 = vector.shape_cast %get3A_224 : vector<16xi32> to vector<16xi32>
    tpu.vector_store %arg6[%swap3A_225], %swap3A_228 {strides = array<i32>} : memref<512xi32, #tpu.memory_space<vmem>>, vector<16xi32>,
    %get3A_229 = arith.constant 32 : index
    %get3A_230 = tpu.vector_load %arg8[%get3A_229] {strides = array<i32>} : memref<512xi32, #tpu.memory_space<vmem>>, vector<16xi32>,
    %get3A_231 = vector.shape_cast %get3A_230 : vector<16xi32> to vector<16xi32>
    %swap3A_232 = arith.constant 32 : index
    %swap3A_233 = tpu.vector_load %arg6[%swap3A_232] {strides = array<i32>} : memref<512xi32, #tpu.memory_space<vmem>>, vector<16xi32>,
    %swap3A_234 = vector.shape_cast %swap3A_233 : vector<16xi32> to vector<16xi32>
    %swap3A_235 = vector.shape_cast %get3A_231 : vector<16xi32> to vector<16xi32>
    tpu.vector_store %arg6[%swap3A_232], %swap3A_235 {strides = array<i32>} : memref<512xi32, #tpu.memory_space<vmem>>, vector<16xi32>,
    %get3A_236 = arith.constant 48 : index
    %get3A_237 = tpu.vector_load %arg8[%get3A_236] {strides = array<i32>} : memref<512xi32, #tpu.memory_space<vmem>>, vector<16xi32>,
    %get3A_238 = vector.shape_cast %get3A_237 : vector<16xi32> to vector<16xi32>
    %swap3A_239 = arith.constant 48 : index
    %swap3A_240 = tpu.vector_load %arg6[%swap3A_239] {strides = array<i32>} : memref<512xi32, #tpu.memory_space<vmem>>, vector<16xi32>,
    %swap3A_241 = vector.shape_cast %swap3A_240 : vector<16xi32> to vector<16xi32>
    %swap3A_242 = vector.shape_cast %get3A_238 : vector<16xi32> to vector<16xi32>
    tpu.vector_store %arg6[%swap3A_239], %swap3A_242 {strides = array<i32>} : memref<512xi32, #tpu.memory_space<vmem>>, vector<16xi32>,
    %get3A_243 = arith.constant 64 : index
    %get3A_244 = tpu.vector_load %arg8[%get3A_243] {strides = array<i32>} : memref<512xi32, #tpu.memory_space<vmem>>, vector<16xi32>,
    %get3A_245 = vector.shape_cast %get3A_244 : vector<16xi32> to vector<16xi32>
    %swap3A_246 = arith.constant 64 : index
    %swap3A_247 = tpu.vector_load %arg6[%swap3A_246] {strides = array<i32>} : memref<512xi32, #tpu.memory_space<vmem>>, vector<16xi32>,
    %swap3A_248 = vector.shape_cast %swap3A_247 : vector<16xi32> to vector<16xi32>
    %swap3A_249 = vector.shape_cast %get3A_245 : vector<16xi32> to vector<16xi32>
    tpu.vector_store %arg6[%swap3A_246], %swap3A_249 {strides = array<i32>} : memref<512xi32, #tpu.memory_space<vmem>>, vector<16xi32>,
    %get3A_250 = arith.constant 80 : index
    %get3A_251 = tpu.vector_load %arg8[%get3A_250] {strides = array<i32>} : memref<512xi32, #tpu.memory_space<vmem>>, vector<16xi32>,
    %get3A_252 = vector.shape_cast %get3A_251 : vector<16xi32> to vector<16xi32>
    %swap3A_253 = arith.constant 80 : index
    %swap3A_254 = tpu.vector_load %arg6[%swap3A_253] {strides = array<i32>} : memref<512xi32, #tpu.memory_space<vmem>>, vector<16xi32>,
    %swap3A_255 = vector.shape_cast %swap3A_254 : vector<16xi32> to vector<16xi32>
    %swap3A_256 = vector.shape_cast %get3A_252 : vector<16xi32> to vector<16xi32>
    tpu.vector_store %arg6[%swap3A_253], %swap3A_256 {strides = array<i32>} : memref<512xi32, #tpu.memory_space<vmem>>, vector<16xi32>,
    %get3A_257 = arith.constant 96 : index
    %get3A_258 = tpu.vector_load %arg8[%get3A_257] {strides = array<i32>} : memref<512xi32, #tpu.memory_space<vmem>>, vector<16xi32>,
    %get3A_259 = vector.shape_cast %get3A_258 : vector<16xi32> to vector<16xi32>
    %swap3A_260 = arith.constant 96 : index
    %swap3A_261 = tpu.vector_load %arg6[%swap3A_260] {strides = array<i32>} : memref<512xi32, #tpu.memory_space<vmem>>, vector<16xi32>,
    %swap3A_262 = vector.shape_cast %swap3A_261 : vector<16xi32> to vector<16xi32>
    %swap3A_263 = vector.shape_cast %get3A_259 : vector<16xi32> to vector<16xi32>
    tpu.vector_store %arg6[%swap3A_260], %swap3A_263 {strides = array<i32>} : memref<512xi32, #tpu.memory_space<vmem>>, vector<16xi32>,
    %get3A_264 = arith.constant 112 : index
    %get3A_265 = tpu.vector_load %arg8[%get3A_264] {strides = array<i32>} : memref<512xi32, #tpu.memory_space<vmem>>, vector<16xi32>,
    %get3A_266 = vector.shape_cast %get3A_265 : vector<16xi32> to vector<16xi32>
    %swap3A_267 = arith.constant 112 : index
    %swap3A_268 = tpu.vector_load %arg6[%swap3A_267] {strides = array<i32>} : memref<512xi32, #tpu.memory_space<vmem>>, vector<16xi32>,
    %swap3A_269 = vector.shape_cast %swap3A_268 : vector<16xi32> to vector<16xi32>
    %swap3A_270 = vector.shape_cast %get3A_266 : vector<16xi32> to vector<16xi32>
    tpu.vector_store %arg6[%swap3A_267], %swap3A_270 {strides = array<i32>} : memref<512xi32, #tpu.memory_space<vmem>>, vector<16xi32>,
    %get3A_271 = arith.constant 128 : index
    %get3A_272 = tpu.vector_load %arg8[%get3A_271] {strides = array<i32>} : memref<512xi32, #tpu.memory_space<vmem>>, vector<16xi32>,
    %get3A_273 = vector.shape_cast %get3A_272 : vector<16xi32> to vector<16xi32>
    %swap3A_274 = arith.constant 128 : index
    %swap3A_275 = tpu.vector_load %arg6[%swap3A_274] {strides = array<i32>} : memref<512xi32, #tpu.memory_space<vmem>>, vector<16xi32>,
    %swap3A_276 = vector.shape_cast %swap3A_275 : vector<16xi32> to vector<16xi32>
    %swap3A_277 = vector.shape_cast %get3A_273 : vector<16xi32> to vector<16xi32>
    tpu.vector_store %arg6[%swap3A_274], %swap3A_277 {strides = array<i32>} : memref<512xi32, #tpu.memory_space<vmem>>, vector<16xi32>,
    %get3A_278 = arith.constant 144 : index
    %get3A_279 = tpu.vector_load %arg8[%get3A_278] {strides = array<i32>} : memref<512xi32, #tpu.memory_space<vmem>>, vector<16xi32>,
    %get3A_280 = vector.shape_cast %get3A_279 : vector<16xi32> to vector<16xi32>
    %swap3A_281 = arith.constant 144 : index
    %swap3A_282 = tpu.vector_load %arg6[%swap3A_281] {strides = array<i32>} : memref<512xi32, #tpu.memory_space<vmem>>, vector<16xi32>,
    %swap3A_283 = vector.shape_cast %swap3A_282 : vector<16xi32> to vector<16xi32>
    %swap3A_284 = vector.shape_cast %get3A_280 : vector<16xi32> to vector<16xi32>
    tpu.vector_store %arg6[%swap3A_281], %swap3A_284 {strides = array<i32>} : memref<512xi32, #tpu.memory_space<vmem>>, vector<16xi32>,
    %get3A_285 = arith.constant 160 : index
    %get3A_286 = tpu.vector_load %arg8[%get3A_285] {strides = array<i32>} : memref<512xi32, #tpu.memory_space<vmem>>, vector<16xi32>,
    %get3A_287 = vector.shape_cast %get3A_286 : vector<16xi32> to vector<16xi32>
    %swap3A_288 = arith.constant 160 : index
    %swap3A_289 = tpu.vector_load %arg6[%swap3A_288] {strides = array<i32>} : memref<512xi32, #tpu.memory_space<vmem>>, vector<16xi32>,
    %swap3A_290 = vector.shape_cast %swap3A_289 : vector<16xi32> to vector<16xi32>
    %swap3A_291 = vector.shape_cast %get3A_287 : vector<16xi32> to vector<16xi32>
    tpu.vector_store %arg6[%swap3A_288], %swap3A_291 {strides = array<i32>} : memref<512xi32, #tpu.memory_space<vmem>>, vector<16xi32>,
    %get3A_292 = arith.constant 176 : index
    %get3A_293 = tpu.vector_load %arg8[%get3A_292] {strides = array<i32>} : memref<512xi32, #tpu.memory_space<vmem>>, vector<16xi32>,
    %get3A_294 = vector.shape_cast %get3A_293 : vector<16xi32> to vector<16xi32>
    %swap3A_295 = arith.constant 176 : index
    %swap3A_296 = tpu.vector_load %arg6[%swap3A_295] {strides = array<i32>} : memref<512xi32, #tpu.memory_space<vmem>>, vector<16xi32>,
    %swap3A_297 = vector.shape_cast %swap3A_296 : vector<16xi32> to vector<16xi32>
    %swap3A_298 = vector.shape_cast %get3A_294 : vector<16xi32> to vector<16xi32>
    tpu.vector_store %arg6[%swap3A_295], %swap3A_298 {strides = array<i32>} : memref<512xi32, #tpu.memory_space<vmem>>, vector<16xi32>,
    %get3A_299 = arith.constant 192 : index
    %get3A_300 = tpu.vector_load %arg8[%get3A_299] {strides = array<i32>} : memref<512xi32, #tpu.memory_space<vmem>>, vector<16xi32>,
    %get3A_301 = vector.shape_cast %get3A_300 : vector<16xi32> to vector<16xi32>
    %swap3A_302 = arith.constant 192 : index
    %swap3A_303 = tpu.vector_load %arg6[%swap3A_302] {strides = array<i32>} : memref<512xi32, #tpu.memory_space<vmem>>, vector<16xi32>,
    %swap3A_304 = vector.shape_cast %swap3A_303 : vector<16xi32> to vector<16xi32>
    %swap3A_305 = vector.shape_cast %get3A_301 : vector<16xi32> to vector<16xi32>
    tpu.vector_store %arg6[%swap3A_302], %swap3A_305 {strides = array<i32>} : memref<512xi32, #tpu.memory_space<vmem>>, vector<16xi32>,
    %get3A_306 = arith.constant 208 : index
    %get3A_307 = tpu.vector_load %arg8[%get3A_306] {strides = array<i32>} : memref<512xi32, #tpu.memory_space<vmem>>, vector<16xi32>,
    %get3A_308 = vector.shape_cast %get3A_307 : vector<16xi32> to vector<16xi32>
    %swap3A_309 = arith.constant 208 : index
    %swap3A_310 = tpu.vector_load %arg6[%swap3A_309] {strides = array<i32>} : memref<512xi32, #tpu.memory_space<vmem>>, vector<16xi32>,
    %swap3A_311 = vector.shape_cast %swap3A_310 : vector<16xi32> to vector<16xi32>
    %swap3A_312 = vector.shape_cast %get3A_308 : vector<16xi32> to vector<16xi32>
    tpu.vector_store %arg6[%swap3A_309], %swap3A_312 {strides = array<i32>} : memref<512xi32, #tpu.memory_space<vmem>>, vector<16xi32>,
    %get3A_313 = arith.constant 224 : index
    %get3A_314 = tpu.vector_load %arg8[%get3A_313] {strides = array<i32>} : memref<512xi32, #tpu.memory_space<vmem>>, vector<16xi32>,
    %get3A_315 = vector.shape_cast %get3A_314 : vector<16xi32> to vector<16xi32>
    %swap3A_316 = arith.constant 224 : index
    %swap3A_317 = tpu.vector_load %arg6[%swap3A_316] {strides = array<i32>} : memref<512xi32, #tpu.memory_space<vmem>>, vector<16xi32>,
    %swap3A_318 = vector.shape_cast %swap3A_317 : vector<16xi32> to vector<16xi32>
    %swap3A_319 = vector.shape_cast %get3A_315 : vector<16xi32> to vector<16xi32>
    tpu.vector_store %arg6[%swap3A_316], %swap3A_319 {strides = array<i32>} : memref<512xi32, #tpu.memory_space<vmem>>, vector<16xi32>,
    %get3A_320 = arith.constant 240 : index
    %get3A_321 = tpu.vector_load %arg8[%get3A_320] {strides = array<i32>} : memref<512xi32, #tpu.memory_space<vmem>>, vector<16xi32>,
    %get3A_322 = vector.shape_cast %get3A_321 : vector<16xi32> to vector<16xi32>
    %swap3A_323 = arith.constant 240 : index
    %swap3A_324 = tpu.vector_load %arg6[%swap3A_323] {strides = array<i32>} : memref<512xi32, #tpu.memory_space<vmem>>, vector<16xi32>,
    %swap3A_325 = vector.shape_cast %swap3A_324 : vector<16xi32> to vector<16xi32>
    %swap3A_326 = vector.shape_cast %get3A_322 : vector<16xi32> to vector<16xi32>
    tpu.vector_store %arg6[%swap3A_323], %swap3A_326 {strides = array<i32>} : memref<512xi32, #tpu.memory_space<vmem>>, vector<16xi32>,
    %get3A_327 = arith.constant 256 : index
    %get3A_328 = tpu.vector_load %arg8[%get3A_327] {strides = array<i32>} : memref<512xi32, #tpu.memory_space<vmem>>, vector<16xi32>,
    %get3A_329 = vector.shape_cast %get3A_328 : vector<16xi32> to vector<16xi32>
    %swap3A_330 = arith.constant 256 : index
    %swap3A_331 = tpu.vector_load %arg6[%swap3A_330] {strides = array<i32>} : memref<512xi32, #tpu.memory_space<vmem>>, vector<16xi32>,
    %swap3A_332 = vector.shape_cast %swap3A_331 : vector<16xi32> to vector<16xi32>
    %swap3A_333 = vector.shape_cast %get3A_329 : vector<16xi32> to vector<16xi32>
    tpu.vector_store %arg6[%swap3A_330], %swap3A_333 {strides = array<i32>} : memref<512xi32, #tpu.memory_space<vmem>>, vector<16xi32>,
    %get3A_334 = arith.constant 272 : index
    %get3A_335 = tpu.vector_load %arg8[%get3A_334] {strides = array<i32>} : memref<512xi32, #tpu.memory_space<vmem>>, vector<16xi32>,
    %get3A_336 = vector.shape_cast %get3A_335 : vector<16xi32> to vector<16xi32>
    %swap3A_337 = arith.constant 272 : index
    %swap3A_338 = tpu.vector_load %arg6[%swap3A_337] {strides = array<i32>} : memref<512xi32, #tpu.memory_space<vmem>>, vector<16xi32>,
    %swap3A_339 = vector.shape_cast %swap3A_338 : vector<16xi32> to vector<16xi32>
    %swap3A_340 = vector.shape_cast %get3A_336 : vector<16xi32> to vector<16xi32>
    tpu.vector_store %arg6[%swap3A_337], %swap3A_340 {strides = array<i32>} : memref<512xi32, #tpu.memory_space<vmem>>, vector<16xi32>,
    %get3A_341 = arith.constant 288 : index
    %get3A_342 = tpu.vector_load %arg8[%get3A_341] {strides = array<i32>} : memref<512xi32, #tpu.memory_space<vmem>>, vector<16xi32>,
    %get3A_343 = vector.shape_cast %get3A_342 : vector<16xi32> to vector<16xi32>
    %swap3A_344 = arith.constant 288 : index
    %swap3A_345 = tpu.vector_load %arg6[%swap3A_344] {strides = array<i32>} : memref<512xi32, #tpu.memory_space<vmem>>, vector<16xi32>,
    %swap3A_346 = vector.shape_cast %swap3A_345 : vector<16xi32> to vector<16xi32>
    %swap3A_347 = vector.shape_cast %get3A_343 : vector<16xi32> to vector<16xi32>
    tpu.vector_store %arg6[%swap3A_344], %swap3A_347 {strides = array<i32>} : memref<512xi32, #tpu.memory_space<vmem>>, vector<16xi32>,
    %get3A_348 = arith.constant 304 : index
    %get3A_349 = tpu.vector_load %arg8[%get3A_348] {strides = array<i32>} : memref<512xi32, #tpu.memory_space<vmem>>, vector<16xi32>,
    %get3A_350 = vector.shape_cast %get3A_349 : vector<16xi32> to vector<16xi32>
    %swap3A_351 = arith.constant 304 : index
    %swap3A_352 = tpu.vector_load %arg6[%swap3A_351] {strides = array<i32>} : memref<512xi32, #tpu.memory_space<vmem>>, vector<16xi32>,
    %swap3A_353 = vector.shape_cast %swap3A_352 : vector<16xi32> to vector<16xi32>
    %swap3A_354 = vector.shape_cast %get3A_350 : vector<16xi32> to vector<16xi32>
    tpu.vector_store %arg6[%swap3A_351], %swap3A_354 {strides = array<i32>} : memref<512xi32, #tpu.memory_space<vmem>>, vector<16xi32>,
    %get3A_355 = arith.constant 320 : index
    %get3A_356 = tpu.vector_load %arg8[%get3A_355] {strides = array<i32>} : memref<512xi32, #tpu.memory_space<vmem>>, vector<16xi32>,
    %get3A_357 = vector.shape_cast %get3A_356 : vector<16xi32> to vector<16xi32>
    %swap3A_358 = arith.constant 320 : index
    %swap3A_359 = tpu.vector_load %arg6[%swap3A_358] {strides = array<i32>} : memref<512xi32, #tpu.memory_space<vmem>>, vector<16xi32>,
    %swap3A_360 = vector.shape_cast %swap3A_359 : vector<16xi32> to vector<16xi32>
    %swap3A_361 = vector.shape_cast %get3A_357 : vector<16xi32> to vector<16xi32>
    tpu.vector_store %arg6[%swap3A_358], %swap3A_361 {strides = array<i32>} : memref<512xi32, #tpu.memory_space<vmem>>, vector<16xi32>,
    %get3A_362 = arith.constant 336 : index
    %get3A_363 = tpu.vector_load %arg8[%get3A_362] {strides = array<i32>} : memref<512xi32, #tpu.memory_space<vmem>>, vector<16xi32>,
    %get3A_364 = vector.shape_cast %get3A_363 : vector<16xi32> to vector<16xi32>
    %swap3A_365 = arith.constant 336 : index
    %swap3A_366 = tpu.vector_load %arg6[%swap3A_365] {strides = array<i32>} : memref<512xi32, #tpu.memory_space<vmem>>, vector<16xi32>,
    %swap3A_367 = vector.shape_cast %swap3A_366 : vector<16xi32> to vector<16xi32>
    %swap3A_368 = vector.shape_cast %get3A_364 : vector<16xi32> to vector<16xi32>
    tpu.vector_store %arg6[%swap3A_365], %swap3A_368 {strides = array<i32>} : memref<512xi32, #tpu.memory_space<vmem>>, vector<16xi32>,
    %get3A_369 = arith.constant 352 : index
    %get3A_370 = tpu.vector_load %arg8[%get3A_369] {strides = array<i32>} : memref<512xi32, #tpu.memory_space<vmem>>, vector<16xi32>,
    %get3A_371 = vector.shape_cast %get3A_370 : vector<16xi32> to vector<16xi32>
    %swap3A_372 = arith.constant 352 : index
    %swap3A_373 = tpu.vector_load %arg6[%swap3A_372] {strides = array<i32>} : memref<512xi32, #tpu.memory_space<vmem>>, vector<16xi32>,
    %swap3A_374 = vector.shape_cast %swap3A_373 : vector<16xi32> to vector<16xi32>
    %swap3A_375 = vector.shape_cast %get3A_371 : vector<16xi32> to vector<16xi32>
    tpu.vector_store %arg6[%swap3A_372], %swap3A_375 {strides = array<i32>} : memref<512xi32, #tpu.memory_space<vmem>>, vector<16xi32>,
    %get3A_376 = arith.constant 368 : index
    %get3A_377 = tpu.vector_load %arg8[%get3A_376] {strides = array<i32>} : memref<512xi32, #tpu.memory_space<vmem>>, vector<16xi32>,
    %get3A_378 = vector.shape_cast %get3A_377 : vector<16xi32> to vector<16xi32>
    %swap3A_379 = arith.constant 368 : index
    %swap3A_380 = tpu.vector_load %arg6[%swap3A_379] {strides = array<i32>} : memref<512xi32, #tpu.memory_space<vmem>>, vector<16xi32>,
    %swap3A_381 = vector.shape_cast %swap3A_380 : vector<16xi32> to vector<16xi32>
    %swap3A_382 = vector.shape_cast %get3A_378 : vector<16xi32> to vector<16xi32>
    tpu.vector_store %arg6[%swap3A_379], %swap3A_382 {strides = array<i32>} : memref<512xi32, #tpu.memory_space<vmem>>, vector<16xi32>,
    %get3A_383 = arith.constant 384 : index
    %get3A_384 = tpu.vector_load %arg8[%get3A_383] {strides = array<i32>} : memref<512xi32, #tpu.memory_space<vmem>>, vector<16xi32>,
    %get3A_385 = vector.shape_cast %get3A_384 : vector<16xi32> to vector<16xi32>
    %swap3A_386 = arith.constant 384 : index
    %swap3A_387 = tpu.vector_load %arg6[%swap3A_386] {strides = array<i32>} : memref<512xi32, #tpu.memory_space<vmem>>, vector<16xi32>,
    %swap3A_388 = vector.shape_cast %swap3A_387 : vector<16xi32> to vector<16xi32>
    %swap3A_389 = vector.shape_cast %get3A_385 : vector<16xi32> to vector<16xi32>
    tpu.vector_store %arg6[%swap3A_386], %swap3A_389 {strides = array<i32>} : memref<512xi32, #tpu.memory_space<vmem>>, vector<16xi32>,
    %get3A_390 = arith.constant 400 : index
    %get3A_391 = tpu.vector_load %arg8[%get3A_390] {strides = array<i32>} : memref<512xi32, #tpu.memory_space<vmem>>, vector<16xi32>,
    %get3A_392 = vector.shape_cast %get3A_391 : vector<16xi32> to vector<16xi32>
    %swap3A_393 = arith.constant 400 : index
    %swap3A_394 = tpu.vector_load %arg6[%swap3A_393] {strides = array<i32>} : memref<512xi32, #tpu.memory_space<vmem>>, vector<16xi32>,
    %swap3A_395 = vector.shape_cast %swap3A_394 : vector<16xi32> to vector<16xi32>
    %swap3A_396 = vector.shape_cast %get3A_392 : vector<16xi32> to vector<16xi32>
    tpu.vector_store %arg6[%swap3A_393], %swap3A_396 {strides = array<i32>} : memref<512xi32, #tpu.memory_space<vmem>>, vector<16xi32>,
    %get3A_397 = arith.constant 416 : index
    %get3A_398 = tpu.vector_load %arg8[%get3A_397] {strides = array<i32>} : memref<512xi32, #tpu.memory_space<vmem>>, vector<16xi32>,
    %get3A_399 = vector.shape_cast %get3A_398 : vector<16xi32> to vector<16xi32>
    %swap3A_400 = arith.constant 416 : index
    %swap3A_401 = tpu.vector_load %arg6[%swap3A_400] {strides = array<i32>} : memref<512xi32, #tpu.memory_space<vmem>>, vector<16xi32>,
    %swap3A_402 = vector.shape_cast %swap3A_401 : vector<16xi32> to vector<16xi32>
    %swap3A_403 = vector.shape_cast %get3A_399 : vector<16xi32> to vector<16xi32>
    tpu.vector_store %arg6[%swap3A_400], %swap3A_403 {strides = array<i32>} : memref<512xi32, #tpu.memory_space<vmem>>, vector<16xi32>,
    %get3A_404 = arith.constant 432 : index
    %get3A_405 = tpu.vector_load %arg8[%get3A_404] {strides = array<i32>} : memref<512xi32, #tpu.memory_space<vmem>>, vector<16xi32>,
    %get3A_406 = vector.shape_cast %get3A_405 : vector<16xi32> to vector<16xi32>
    %swap3A_407 = arith.constant 432 : index
    %swap3A_408 = tpu.vector_load %arg6[%swap3A_407] {strides = array<i32>} : memref<512xi32, #tpu.memory_space<vmem>>, vector<16xi32>,
    %swap3A_409 = vector.shape_cast %swap3A_408 : vector<16xi32> to vector<16xi32>
    %swap3A_410 = vector.shape_cast %get3A_406 : vector<16xi32> to vector<16xi32>
    tpu.vector_store %arg6[%swap3A_407], %swap3A_410 {strides = array<i32>} : memref<512xi32, #tpu.memory_space<vmem>>, vector<16xi32>,
    %get3A_411 = arith.constant 448 : index
    %get3A_412 = tpu.vector_load %arg8[%get3A_411] {strides = array<i32>} : memref<512xi32, #tpu.memory_space<vmem>>, vector<16xi32>,
    %get3A_413 = vector.shape_cast %get3A_412 : vector<16xi32> to vector<16xi32>
    %swap3A_414 = arith.constant 448 : index
    %swap3A_415 = tpu.vector_load %arg6[%swap3A_414] {strides = array<i32>} : memref<512xi32, #tpu.memory_space<vmem>>, vector<16xi32>,
    %swap3A_416 = vector.shape_cast %swap3A_415 : vector<16xi32> to vector<16xi32>
    %swap3A_417 = vector.shape_cast %get3A_413 : vector<16xi32> to vector<16xi32>
    tpu.vector_store %arg6[%swap3A_414], %swap3A_417 {strides = array<i32>} : memref<512xi32, #tpu.memory_space<vmem>>, vector<16xi32>,
    %get3A_418 = arith.constant 464 : index
    %get3A_419 = tpu.vector_load %arg8[%get3A_418] {strides = array<i32>} : memref<512xi32, #tpu.memory_space<vmem>>, vector<16xi32>,
    %get3A_420 = vector.shape_cast %get3A_419 : vector<16xi32> to vector<16xi32>
    %swap3A_421 = arith.constant 464 : index
    %swap3A_422 = tpu.vector_load %arg6[%swap3A_421] {strides = array<i32>} : memref<512xi32, #tpu.memory_space<vmem>>, vector<16xi32>,
    %swap3A_423 = vector.shape_cast %swap3A_422 : vector<16xi32> to vector<16xi32>
    %swap3A_424 = vector.shape_cast %get3A_420 : vector<16xi32> to vector<16xi32>
    tpu.vector_store %arg6[%swap3A_421], %swap3A_424 {strides = array<i32>} : memref<512xi32, #tpu.memory_space<vmem>>, vector<16xi32>,
    %get3A_425 = arith.constant 480 : index
    %get3A_426 = tpu.vector_load %arg8[%get3A_425] {strides = array<i32>} : memref<512xi32, #tpu.memory_space<vmem>>, vector<16xi32>,
    %get3A_427 = vector.shape_cast %get3A_426 : vector<16xi32> to vector<16xi32>
    %swap3A_428 = arith.constant 480 : index
    %swap3A_429 = tpu.vector_load %arg6[%swap3A_428] {strides = array<i32>} : memref<512xi32, #tpu.memory_space<vmem>>, vector<16xi32>,
    %swap3A_430 = vector.shape_cast %swap3A_429 : vector<16xi32> to vector<16xi32>
    %swap3A_431 = vector.shape_cast %get3A_427 : vector<16xi32> to vector<16xi32>
    tpu.vector_store %arg6[%swap3A_428], %swap3A_431 {strides = array<i32>} : memref<512xi32, #tpu.memory_space<vmem>>, vector<16xi32>,
    %get3A_432 = arith.constant 496 : index
    %get3A_433 = tpu.vector_load %arg8[%get3A_432] {strides = array<i32>} : memref<512xi32, #tpu.memory_space<vmem>>, vector<16xi32>,
    %get3A_434 = vector.shape_cast %get3A_433 : vector<16xi32> to vector<16xi32>
    %swap3A_435 = arith.constant 496 : index
    %swap3A_436 = tpu.vector_load %arg6[%swap3A_435] {strides = array<i32>} : memref<512xi32, #tpu.memory_space<vmem>>, vector<16xi32>,
    %swap3A_437 = vector.shape_cast %swap3A_436 : vector<16xi32> to vector<16xi32>
    %swap3A_438 = vector.shape_cast %get3A_434 : vector<16xi32> to vector<16xi32>
    tpu.vector_store %arg6[%swap3A_435], %swap3A_438 {strides = array<i32>} : memref<512xi32, #tpu.memory_space<vmem>>, vector<16xi32>,
    "tpu.region"() ({
      %run_scoped3A = tpu.sem_alloc : memref<!tpu.dma_semaphore, #tpu.memory_space<semaphore_mem>>
      %dma_start3A = arith.constant 0 : i32
      %dma_start3A_441 = tpu.memref_slice %arg10[%arg1, %dma_start3A] : memref<16x512xi32, #tpu.memory_space<vmem_shared>> -> memref<1x512xi32, #tpu.memory_space<vmem_shared>>
      %dma_start3A_442 = tpu.memref_squeeze %dma_start3A_441 : memref<1x512xi32, #tpu.memory_space<vmem_shared>> -> memref<512xi32, #tpu.memory_space<vmem_shared>>
      %dma_start3A_443 = arith.constant 0 : i32
      %dma_start3A_444 = tpu.memref_slice %arg10[%arg1, %dma_start3A_443] : memref<16x512xi32, #tpu.memory_space<vmem_shared>> -> memref<1x512xi32, #tpu.memory_space<vmem_shared>>
      %dma_start3A_445 = tpu.memref_squeeze %dma_start3A_444 : memref<1x512xi32, #tpu.memory_space<vmem_shared>> -> memref<512xi32, #tpu.memory_space<vmem_shared>>
      tpu.enqueue_dma source(%arg6 : memref<512xi32, #tpu.memory_space<vmem>>) target(%dma_start3A_445 : memref<512xi32, #tpu.memory_space<vmem_shared>>) target_semaphore(%run_scoped3A : memref<!tpu.dma_semaphore, #tpu.memory_space<semaphore_mem>>)
      %dma_wait3A = arith.constant 0 : i32
      %dma_wait3A_446 = tpu.memref_slice %arg10[%arg1, %dma_wait3A] : memref<16x512xi32, #tpu.memory_space<vmem_shared>> -> memref<1x512xi32, #tpu.memory_space<vmem_shared>>
      %dma_wait3A_447 = tpu.memref_squeeze %dma_wait3A_446 : memref<1x512xi32, #tpu.memory_space<vmem_shared>> -> memref<512xi32, #tpu.memory_space<vmem_shared>>
      %dma_wait3A_448 = arith.constant 0 : i32
      %dma_wait3A_449 = tpu.memref_slice %arg10[%arg1, %dma_wait3A_448] : memref<16x512xi32, #tpu.memory_space<vmem_shared>> -> memref<1x512xi32, #tpu.memory_space<vmem_shared>>
      %dma_wait3A_450 = tpu.memref_squeeze %dma_wait3A_449 : memref<1x512xi32, #tpu.memory_space<vmem_shared>> -> memref<512xi32, #tpu.memory_space<vmem_shared>>
      tpu.wait_dma2 semaphore(%run_scoped3A : memref<!tpu.dma_semaphore, #tpu.memory_space<semaphore_mem>>) src(%arg6 : memref<512xi32, #tpu.memory_space<vmem>>) dst(%dma_wait3A_450 : memref<512xi32, #tpu.memory_space<vmem_shared>>)
      tpu.yield
    }) : () -> ()
    %barrier3A = arith.constant 0 : index
    tpu.barrier barrier_id(%barrier3A)
    %lt3A = arith.constant 4 : i32
    %lt3A_439 = arith.cmpi slt, %arg1, %lt3A : i32
    %convert_element_type3A = arith.extui %lt3A_439 : i1 to i32
    %cond3A = arith.constant 0 : i32
    %cond3A_440 = arith.cmpi ne, %convert_element_type3A, %cond3A : i32
    scf.if %cond3A_440 {
      %add3A_441 = arith.constant 0 : i32
      %add3A_442 = arith.addi %arg1, %add3A_441 : i32
      %run_scoped3A = arith.constant 0 : i32
      "tpu.region"() ({
        %run_scoped3A_1321 = tpu.sem_alloc : memref<!tpu.dma_semaphore, #tpu.memory_space<semaphore_mem>>
        %dma_start3A = arith.constant 0 : i32
        %dma_start3A_1322 = tpu.memref_slice %arg9[%run_scoped3A, %dma_start3A] : memref<4x512xi32, #tpu.memory_space<vmem>> -> memref<1x512xi32, #tpu.memory_space<vmem>>
        %dma_start3A_1323 = tpu.memref_squeeze %dma_start3A_1322 : memref<1x512xi32, #tpu.memory_space<vmem>> -> memref<512xi32, #tpu.memory_space<vmem>>
        %dma_start3A_1324 = arith.constant 0 : i32
        %dma_start3A_1325 = tpu.memref_slice %arg10[%add3A_442, %dma_start3A_1324] : memref<16x512xi32, #tpu.memory_space<vmem_shared>> -> memref<1x512xi32, #tpu.memory_space<vmem_shared>>
        %dma_start3A_1326 = tpu.memref_squeeze %dma_start3A_1325 : memref<1x512xi32, #tpu.memory_space<vmem_shared>> -> memref<512xi32, #tpu.memory_space<vmem_shared>>
        %dma_start3A_1327 = arith.constant 0 : i32
        %dma_start3A_1328 = tpu.memref_slice %arg9[%run_scoped3A, %dma_start3A_1327] : memref<4x512xi32, #tpu.memory_space<vmem>> -> memref<1x512xi32, #tpu.memory_space<vmem>>
        %dma_start3A_1329 = tpu.memref_squeeze %dma_start3A_1328 : memref<1x512xi32, #tpu.memory_space<vmem>> -> memref<512xi32, #tpu.memory_space<vmem>>
        %dma_start3A_1330 = arith.constant 0 : i32
        %dma_start3A_1331 = tpu.memref_slice %arg10[%add3A_442, %dma_start3A_1330] : memref<16x512xi32, #tpu.memory_space<vmem_shared>> -> memref<1x512xi32, #tpu.memory_space<vmem_shared>>
        %dma_start3A_1332 = tpu.memref_squeeze %dma_start3A_1331 : memref<1x512xi32, #tpu.memory_space<vmem_shared>> -> memref<512xi32, #tpu.memory_space<vmem_shared>>
        tpu.enqueue_dma source(%dma_start3A_1332 : memref<512xi32, #tpu.memory_space<vmem_shared>>) target(%dma_start3A_1329 : memref<512xi32, #tpu.memory_space<vmem>>) target_semaphore(%run_scoped3A_1321 : memref<!tpu.dma_semaphore, #tpu.memory_space<semaphore_mem>>)
        %dma_wait3A = arith.constant 0 : i32
        %dma_wait3A_1333 = tpu.memref_slice %arg9[%run_scoped3A, %dma_wait3A] : memref<4x512xi32, #tpu.memory_space<vmem>> -> memref<1x512xi32, #tpu.memory_space<vmem>>
        %dma_wait3A_1334 = tpu.memref_squeeze %dma_wait3A_1333 : memref<1x512xi32, #tpu.memory_space<vmem>> -> memref<512xi32, #tpu.memory_space<vmem>>
        %dma_wait3A_1335 = arith.constant 0 : i32
        %dma_wait3A_1336 = tpu.memref_slice %arg10[%add3A_442, %dma_wait3A_1335] : memref<16x512xi32, #tpu.memory_space<vmem_shared>> -> memref<1x512xi32, #tpu.memory_space<vmem_shared>>
        %dma_wait3A_1337 = tpu.memref_squeeze %dma_wait3A_1336 : memref<1x512xi32, #tpu.memory_space<vmem_shared>> -> memref<512xi32, #tpu.memory_space<vmem_shared>>
        %dma_wait3A_1338 = arith.constant 0 : i32
        %dma_wait3A_1339 = tpu.memref_slice %arg9[%run_scoped3A, %dma_wait3A_1338] : memref<4x512xi32, #tpu.memory_space<vmem>> -> memref<1x512xi32, #tpu.memory_space<vmem>>
        %dma_wait3A_1340 = tpu.memref_squeeze %dma_wait3A_1339 : memref<1x512xi32, #tpu.memory_space<vmem>> -> memref<512xi32, #tpu.memory_space<vmem>>
        %dma_wait3A_1341 = arith.constant 0 : i32
        %dma_wait3A_1342 = tpu.memref_slice %arg10[%add3A_442, %dma_wait3A_1341] : memref<16x512xi32, #tpu.memory_space<vmem_shared>> -> memref<1x512xi32, #tpu.memory_space<vmem_shared>>
        %dma_wait3A_1343 = tpu.memref_squeeze %dma_wait3A_1342 : memref<1x512xi32, #tpu.memory_space<vmem_shared>> -> memref<512xi32, #tpu.memory_space<vmem_shared>>
        tpu.wait_dma2 semaphore(%run_scoped3A_1321 : memref<!tpu.dma_semaphore, #tpu.memory_space<semaphore_mem>>) src(%dma_wait3A_1343 : memref<512xi32, #tpu.memory_space<vmem_shared>>) dst(%dma_wait3A_1340 : memref<512xi32, #tpu.memory_space<vmem>>)
        tpu.yield
      }) : () -> ()
      %add3A_443 = arith.constant 4 : i32
      %add3A_444 = arith.addi %arg1, %add3A_443 : i32
      %run_scoped3A_445 = arith.constant 1 : i32
      "tpu.region"() ({
        %run_scoped3A_1321 = tpu.sem_alloc : memref<!tpu.dma_semaphore, #tpu.memory_space<semaphore_mem>>
        %dma_start3A = arith.constant 0 : i32
        %dma_start3A_1322 = tpu.memref_slice %arg9[%run_scoped3A_445, %dma_start3A] : memref<4x512xi32, #tpu.memory_space<vmem>> -> memref<1x512xi32, #tpu.memory_space<vmem>>
        %dma_start3A_1323 = tpu.memref_squeeze %dma_start3A_1322 : memref<1x512xi32, #tpu.memory_space<vmem>> -> memref<512xi32, #tpu.memory_space<vmem>>
        %dma_start3A_1324 = arith.constant 0 : i32
        %dma_start3A_1325 = tpu.memref_slice %arg10[%add3A_444, %dma_start3A_1324] : memref<16x512xi32, #tpu.memory_space<vmem_shared>> -> memref<1x512xi32, #tpu.memory_space<vmem_shared>>
        %dma_start3A_1326 = tpu.memref_squeeze %dma_start3A_1325 : memref<1x512xi32, #tpu.memory_space<vmem_shared>> -> memref<512xi32, #tpu.memory_space<vmem_shared>>
        %dma_start3A_1327 = arith.constant 0 : i32
        %dma_start3A_1328 = tpu.memref_slice %arg9[%run_scoped3A_445, %dma_start3A_1327] : memref<4x512xi32, #tpu.memory_space<vmem>> -> memref<1x512xi32, #tpu.memory_space<vmem>>
        %dma_start3A_1329 = tpu.memref_squeeze %dma_start3A_1328 : memref<1x512xi32, #tpu.memory_space<vmem>> -> memref<512xi32, #tpu.memory_space<vmem>>
        %dma_start3A_1330 = arith.constant 0 : i32
        %dma_start3A_1331 = tpu.memref_slice %arg10[%add3A_444, %dma_start3A_1330] : memref<16x512xi32, #tpu.memory_space<vmem_shared>> -> memref<1x512xi32, #tpu.memory_space<vmem_shared>>
        %dma_start3A_1332 = tpu.memref_squeeze %dma_start3A_1331 : memref<1x512xi32, #tpu.memory_space<vmem_shared>> -> memref<512xi32, #tpu.memory_space<vmem_shared>>
        tpu.enqueue_dma source(%dma_start3A_1332 : memref<512xi32, #tpu.memory_space<vmem_shared>>) target(%dma_start3A_1329 : memref<512xi32, #tpu.memory_space<vmem>>) target_semaphore(%run_scoped3A_1321 : memref<!tpu.dma_semaphore, #tpu.memory_space<semaphore_mem>>)
        %dma_wait3A = arith.constant 0 : i32
        %dma_wait3A_1333 = tpu.memref_slice %arg9[%run_scoped3A_445, %dma_wait3A] : memref<4x512xi32, #tpu.memory_space<vmem>> -> memref<1x512xi32, #tpu.memory_space<vmem>>
        %dma_wait3A_1334 = tpu.memref_squeeze %dma_wait3A_1333 : memref<1x512xi32, #tpu.memory_space<vmem>> -> memref<512xi32, #tpu.memory_space<vmem>>
        %dma_wait3A_1335 = arith.constant 0 : i32
        %dma_wait3A_1336 = tpu.memref_slice %arg10[%add3A_444, %dma_wait3A_1335] : memref<16x512xi32, #tpu.memory_space<vmem_shared>> -> memref<1x512xi32, #tpu.memory_space<vmem_shared>>
        %dma_wait3A_1337 = tpu.memref_squeeze %dma_wait3A_1336 : memref<1x512xi32, #tpu.memory_space<vmem_shared>> -> memref<512xi32, #tpu.memory_space<vmem_shared>>
        %dma_wait3A_1338 = arith.constant 0 : i32
        %dma_wait3A_1339 = tpu.memref_slice %arg9[%run_scoped3A_445, %dma_wait3A_1338] : memref<4x512xi32, #tpu.memory_space<vmem>> -> memref<1x512xi32, #tpu.memory_space<vmem>>
        %dma_wait3A_1340 = tpu.memref_squeeze %dma_wait3A_1339 : memref<1x512xi32, #tpu.memory_space<vmem>> -> memref<512xi32, #tpu.memory_space<vmem>>
        %dma_wait3A_1341 = arith.constant 0 : i32
        %dma_wait3A_1342 = tpu.memref_slice %arg10[%add3A_444, %dma_wait3A_1341] : memref<16x512xi32, #tpu.memory_space<vmem_shared>> -> memref<1x512xi32, #tpu.memory_space<vmem_shared>>
        %dma_wait3A_1343 = tpu.memref_squeeze %dma_wait3A_1342 : memref<1x512xi32, #tpu.memory_space<vmem_shared>> -> memref<512xi32, #tpu.memory_space<vmem_shared>>
        tpu.wait_dma2 semaphore(%run_scoped3A_1321 : memref<!tpu.dma_semaphore, #tpu.memory_space<semaphore_mem>>) src(%dma_wait3A_1343 : memref<512xi32, #tpu.memory_space<vmem_shared>>) dst(%dma_wait3A_1340 : memref<512xi32, #tpu.memory_space<vmem>>)
        tpu.yield
      }) : () -> ()
      %add3A_446 = arith.constant 8 : i32
      %add3A_447 = arith.addi %arg1, %add3A_446 : i32
      %run_scoped3A_448 = arith.constant 2 : i32
      "tpu.region"() ({
        %run_scoped3A_1321 = tpu.sem_alloc : memref<!tpu.dma_semaphore, #tpu.memory_space<semaphore_mem>>
        %dma_start3A = arith.constant 0 : i32
        %dma_start3A_1322 = tpu.memref_slice %arg9[%run_scoped3A_448, %dma_start3A] : memref<4x512xi32, #tpu.memory_space<vmem>> -> memref<1x512xi32, #tpu.memory_space<vmem>>
        %dma_start3A_1323 = tpu.memref_squeeze %dma_start3A_1322 : memref<1x512xi32, #tpu.memory_space<vmem>> -> memref<512xi32, #tpu.memory_space<vmem>>
        %dma_start3A_1324 = arith.constant 0 : i32
        %dma_start3A_1325 = tpu.memref_slice %arg10[%add3A_447, %dma_start3A_1324] : memref<16x512xi32, #tpu.memory_space<vmem_shared>> -> memref<1x512xi32, #tpu.memory_space<vmem_shared>>
        %dma_start3A_1326 = tpu.memref_squeeze %dma_start3A_1325 : memref<1x512xi32, #tpu.memory_space<vmem_shared>> -> memref<512xi32, #tpu.memory_space<vmem_shared>>
        %dma_start3A_1327 = arith.constant 0 : i32
        %dma_start3A_1328 = tpu.memref_slice %arg9[%run_scoped3A_448, %dma_start3A_1327] : memref<4x512xi32, #tpu.memory_space<vmem>> -> memref<1x512xi32, #tpu.memory_space<vmem>>
        %dma_start3A_1329 = tpu.memref_squeeze %dma_start3A_1328 : memref<1x512xi32, #tpu.memory_space<vmem>> -> memref<512xi32, #tpu.memory_space<vmem>>
        %dma_start3A_1330 = arith.constant 0 : i32
        %dma_start3A_1331 = tpu.memref_slice %arg10[%add3A_447, %dma_start3A_1330] : memref<16x512xi32, #tpu.memory_space<vmem_shared>> -> memref<1x512xi32, #tpu.memory_space<vmem_shared>>
        %dma_start3A_1332 = tpu.memref_squeeze %dma_start3A_1331 : memref<1x512xi32, #tpu.memory_space<vmem_shared>> -> memref<512xi32, #tpu.memory_space<vmem_shared>>
        tpu.enqueue_dma source(%dma_start3A_1332 : memref<512xi32, #tpu.memory_space<vmem_shared>>) target(%dma_start3A_1329 : memref<512xi32, #tpu.memory_space<vmem>>) target_semaphore(%run_scoped3A_1321 : memref<!tpu.dma_semaphore, #tpu.memory_space<semaphore_mem>>)
        %dma_wait3A = arith.constant 0 : i32
        %dma_wait3A_1333 = tpu.memref_slice %arg9[%run_scoped3A_448, %dma_wait3A] : memref<4x512xi32, #tpu.memory_space<vmem>> -> memref<1x512xi32, #tpu.memory_space<vmem>>
        %dma_wait3A_1334 = tpu.memref_squeeze %dma_wait3A_1333 : memref<1x512xi32, #tpu.memory_space<vmem>> -> memref<512xi32, #tpu.memory_space<vmem>>
        %dma_wait3A_1335 = arith.constant 0 : i32
        %dma_wait3A_1336 = tpu.memref_slice %arg10[%add3A_447, %dma_wait3A_1335] : memref<16x512xi32, #tpu.memory_space<vmem_shared>> -> memref<1x512xi32, #tpu.memory_space<vmem_shared>>
        %dma_wait3A_1337 = tpu.memref_squeeze %dma_wait3A_1336 : memref<1x512xi32, #tpu.memory_space<vmem_shared>> -> memref<512xi32, #tpu.memory_space<vmem_shared>>
        %dma_wait3A_1338 = arith.constant 0 : i32
        %dma_wait3A_1339 = tpu.memref_slice %arg9[%run_scoped3A_448, %dma_wait3A_1338] : memref<4x512xi32, #tpu.memory_space<vmem>> -> memref<1x512xi32, #tpu.memory_space<vmem>>
        %dma_wait3A_1340 = tpu.memref_squeeze %dma_wait3A_1339 : memref<1x512xi32, #tpu.memory_space<vmem>> -> memref<512xi32, #tpu.memory_space<vmem>>
        %dma_wait3A_1341 = arith.constant 0 : i32
        %dma_wait3A_1342 = tpu.memref_slice %arg10[%add3A_447, %dma_wait3A_1341] : memref<16x512xi32, #tpu.memory_space<vmem_shared>> -> memref<1x512xi32, #tpu.memory_space<vmem_shared>>
        %dma_wait3A_1343 = tpu.memref_squeeze %dma_wait3A_1342 : memref<1x512xi32, #tpu.memory_space<vmem_shared>> -> memref<512xi32, #tpu.memory_space<vmem_shared>>
        tpu.wait_dma2 semaphore(%run_scoped3A_1321 : memref<!tpu.dma_semaphore, #tpu.memory_space<semaphore_mem>>) src(%dma_wait3A_1343 : memref<512xi32, #tpu.memory_space<vmem_shared>>) dst(%dma_wait3A_1340 : memref<512xi32, #tpu.memory_space<vmem>>)
        tpu.yield
      }) : () -> ()
      %add3A_449 = arith.constant 12 : i32
      %add3A_450 = arith.addi %arg1, %add3A_449 : i32
      %run_scoped3A_451 = arith.constant 3 : i32
      "tpu.region"() ({
        %run_scoped3A_1321 = tpu.sem_alloc : memref<!tpu.dma_semaphore, #tpu.memory_space<semaphore_mem>>
        %dma_start3A = arith.constant 0 : i32
        %dma_start3A_1322 = tpu.memref_slice %arg9[%run_scoped3A_451, %dma_start3A] : memref<4x512xi32, #tpu.memory_space<vmem>> -> memref<1x512xi32, #tpu.memory_space<vmem>>
        %dma_start3A_1323 = tpu.memref_squeeze %dma_start3A_1322 : memref<1x512xi32, #tpu.memory_space<vmem>> -> memref<512xi32, #tpu.memory_space<vmem>>
        %dma_start3A_1324 = arith.constant 0 : i32
        %dma_start3A_1325 = tpu.memref_slice %arg10[%add3A_450, %dma_start3A_1324] : memref<16x512xi32, #tpu.memory_space<vmem_shared>> -> memref<1x512xi32, #tpu.memory_space<vmem_shared>>
        %dma_start3A_1326 = tpu.memref_squeeze %dma_start3A_1325 : memref<1x512xi32, #tpu.memory_space<vmem_shared>> -> memref<512xi32, #tpu.memory_space<vmem_shared>>
        %dma_start3A_1327 = arith.constant 0 : i32
        %dma_start3A_1328 = tpu.memref_slice %arg9[%run_scoped3A_451, %dma_start3A_1327] : memref<4x512xi32, #tpu.memory_space<vmem>> -> memref<1x512xi32, #tpu.memory_space<vmem>>
        %dma_start3A_1329 = tpu.memref_squeeze %dma_start3A_1328 : memref<1x512xi32, #tpu.memory_space<vmem>> -> memref<512xi32, #tpu.memory_space<vmem>>
        %dma_start3A_1330 = arith.constant 0 : i32
        %dma_start3A_1331 = tpu.memref_slice %arg10[%add3A_450, %dma_start3A_1330] : memref<16x512xi32, #tpu.memory_space<vmem_shared>> -> memref<1x512xi32, #tpu.memory_space<vmem_shared>>
        %dma_start3A_1332 = tpu.memref_squeeze %dma_start3A_1331 : memref<1x512xi32, #tpu.memory_space<vmem_shared>> -> memref<512xi32, #tpu.memory_space<vmem_shared>>
        tpu.enqueue_dma source(%dma_start3A_1332 : memref<512xi32, #tpu.memory_space<vmem_shared>>) target(%dma_start3A_1329 : memref<512xi32, #tpu.memory_space<vmem>>) target_semaphore(%run_scoped3A_1321 : memref<!tpu.dma_semaphore, #tpu.memory_space<semaphore_mem>>)
        %dma_wait3A = arith.constant 0 : i32
        %dma_wait3A_1333 = tpu.memref_slice %arg9[%run_scoped3A_451, %dma_wait3A] : memref<4x512xi32, #tpu.memory_space<vmem>> -> memref<1x512xi32, #tpu.memory_space<vmem>>
        %dma_wait3A_1334 = tpu.memref_squeeze %dma_wait3A_1333 : memref<1x512xi32, #tpu.memory_space<vmem>> -> memref<512xi32, #tpu.memory_space<vmem>>
        %dma_wait3A_1335 = arith.constant 0 : i32
        %dma_wait3A_1336 = tpu.memref_slice %arg10[%add3A_450, %dma_wait3A_1335] : memref<16x512xi32, #tpu.memory_space<vmem_shared>> -> memref<1x512xi32, #tpu.memory_space<vmem_shared>>
        %dma_wait3A_1337 = tpu.memref_squeeze %dma_wait3A_1336 : memref<1x512xi32, #tpu.memory_space<vmem_shared>> -> memref<512xi32, #tpu.memory_space<vmem_shared>>
        %dma_wait3A_1338 = arith.constant 0 : i32
        %dma_wait3A_1339 = tpu.memref_slice %arg9[%run_scoped3A_451, %dma_wait3A_1338] : memref<4x512xi32, #tpu.memory_space<vmem>> -> memref<1x512xi32, #tpu.memory_space<vmem>>
        %dma_wait3A_1340 = tpu.memref_squeeze %dma_wait3A_1339 : memref<1x512xi32, #tpu.memory_space<vmem>> -> memref<512xi32, #tpu.memory_space<vmem>>
        %dma_wait3A_1341 = arith.constant 0 : i32
        %dma_wait3A_1342 = tpu.memref_slice %arg10[%add3A_450, %dma_wait3A_1341] : memref<16x512xi32, #tpu.memory_space<vmem_shared>> -> memref<1x512xi32, #tpu.memory_space<vmem_shared>>
        %dma_wait3A_1343 = tpu.memref_squeeze %dma_wait3A_1342 : memref<1x512xi32, #tpu.memory_space<vmem_shared>> -> memref<512xi32, #tpu.memory_space<vmem_shared>>
        tpu.wait_dma2 semaphore(%run_scoped3A_1321 : memref<!tpu.dma_semaphore, #tpu.memory_space<semaphore_mem>>) src(%dma_wait3A_1343 : memref<512xi32, #tpu.memory_space<vmem_shared>>) dst(%dma_wait3A_1340 : memref<512xi32, #tpu.memory_space<vmem>>)
        tpu.yield
      }) : () -> ()
      %get3A_452 = arith.constant 0 : i32
      %get3A_453 = arith.index_cast %get3A_452 : i32 to index
      %get3A_454 = arith.constant 0 : index
      %get3A_455 = tpu.vector_load %arg9[%get3A_453, %get3A_454] {strides = array<i32>} : memref<4x512xi32, #tpu.memory_space<vmem>>, vector<1x16xi32>,
      %get3A_456 = vector.shape_cast %get3A_455 : vector<1x16xi32> to vector<16xi32>
      %get3A_457 = arith.constant 1 : i32
      %get3A_458 = arith.index_cast %get3A_457 : i32 to index
      %get3A_459 = arith.constant 0 : index
      %get3A_460 = tpu.vector_load %arg9[%get3A_458, %get3A_459] {strides = array<i32>} : memref<4x512xi32, #tpu.memory_space<vmem>>, vector<1x16xi32>,
      %get3A_461 = vector.shape_cast %get3A_460 : vector<1x16xi32> to vector<16xi32>
      %add3A_462 = arith.addi %get3A_456, %get3A_461 : vector<16xi32>
      %get3A_463 = arith.constant 2 : i32
      %get3A_464 = arith.index_cast %get3A_463 : i32 to index
      %get3A_465 = arith.constant 0 : index
      %get3A_466 = tpu.vector_load %arg9[%get3A_464, %get3A_465] {strides = array<i32>} : memref<4x512xi32, #tpu.memory_space<vmem>>, vector<1x16xi32>,
      %get3A_467 = vector.shape_cast %get3A_466 : vector<1x16xi32> to vector<16xi32>
      %add3A_468 = arith.addi %add3A_462, %get3A_467 : vector<16xi32>
      %get3A_469 = arith.constant 3 : i32
      %get3A_470 = arith.index_cast %get3A_469 : i32 to index
      %get3A_471 = arith.constant 0 : index
      %get3A_472 = tpu.vector_load %arg9[%get3A_470, %get3A_471] {strides = array<i32>} : memref<4x512xi32, #tpu.memory_space<vmem>>, vector<1x16xi32>,
      %get3A_473 = vector.shape_cast %get3A_472 : vector<1x16xi32> to vector<16xi32>
      %add3A_474 = arith.addi %add3A_468, %get3A_473 : vector<16xi32>
      %swap3A_475 = arith.constant 0 : index
      %swap3A_476 = tpu.vector_load %arg6[%swap3A_475] {strides = array<i32>} : memref<512xi32, #tpu.memory_space<vmem>>, vector<16xi32>,
      %swap3A_477 = vector.shape_cast %swap3A_476 : vector<16xi32> to vector<16xi32>
      %swap3A_478 = vector.shape_cast %add3A_474 : vector<16xi32> to vector<16xi32>
      tpu.vector_store %arg6[%swap3A_475], %swap3A_478 {strides = array<i32>} : memref<512xi32, #tpu.memory_space<vmem>>, vector<16xi32>,
      %get3A_479 = arith.constant 0 : i32
      %get3A_480 = arith.index_cast %get3A_479 : i32 to index
      %get3A_481 = arith.constant 16 : index
      %get3A_482 = tpu.vector_load %arg9[%get3A_480, %get3A_481] {strides = array<i32>} : memref<4x512xi32, #tpu.memory_space<vmem>>, vector<1x16xi32>,
      %get3A_483 = vector.shape_cast %get3A_482 : vector<1x16xi32> to vector<16xi32>
      %get3A_484 = arith.constant 1 : i32
      %get3A_485 = arith.index_cast %get3A_484 : i32 to index
      %get3A_486 = arith.constant 16 : index
      %get3A_487 = tpu.vector_load %arg9[%get3A_485, %get3A_486] {strides = array<i32>} : memref<4x512xi32, #tpu.memory_space<vmem>>, vector<1x16xi32>,
      %get3A_488 = vector.shape_cast %get3A_487 : vector<1x16xi32> to vector<16xi32>
      %add3A_489 = arith.addi %get3A_483, %get3A_488 : vector<16xi32>
      %get3A_490 = arith.constant 2 : i32
      %get3A_491 = arith.index_cast %get3A_490 : i32 to index
      %get3A_492 = arith.constant 16 : index
      %get3A_493 = tpu.vector_load %arg9[%get3A_491, %get3A_492] {strides = array<i32>} : memref<4x512xi32, #tpu.memory_space<vmem>>, vector<1x16xi32>,
      %get3A_494 = vector.shape_cast %get3A_493 : vector<1x16xi32> to vector<16xi32>
      %add3A_495 = arith.addi %add3A_489, %get3A_494 : vector<16xi32>
      %get3A_496 = arith.constant 3 : i32
      %get3A_497 = arith.index_cast %get3A_496 : i32 to index
      %get3A_498 = arith.constant 16 : index
      %get3A_499 = tpu.vector_load %arg9[%get3A_497, %get3A_498] {strides = array<i32>} : memref<4x512xi32, #tpu.memory_space<vmem>>, vector<1x16xi32>,
      %get3A_500 = vector.shape_cast %get3A_499 : vector<1x16xi32> to vector<16xi32>
      %add3A_501 = arith.addi %add3A_495, %get3A_500 : vector<16xi32>
      %swap3A_502 = arith.constant 16 : index
      %swap3A_503 = tpu.vector_load %arg6[%swap3A_502] {strides = array<i32>} : memref<512xi32, #tpu.memory_space<vmem>>, vector<16xi32>,
      %swap3A_504 = vector.shape_cast %swap3A_503 : vector<16xi32> to vector<16xi32>
      %swap3A_505 = vector.shape_cast %add3A_501 : vector<16xi32> to vector<16xi32>
      tpu.vector_store %arg6[%swap3A_502], %swap3A_505 {strides = array<i32>} : memref<512xi32, #tpu.memory_space<vmem>>, vector<16xi32>,
      %get3A_506 = arith.constant 0 : i32
      %get3A_507 = arith.index_cast %get3A_506 : i32 to index
      %get3A_508 = arith.constant 32 : index
      %get3A_509 = tpu.vector_load %arg9[%get3A_507, %get3A_508] {strides = array<i32>} : memref<4x512xi32, #tpu.memory_space<vmem>>, vector<1x16xi32>,
      %get3A_510 = vector.shape_cast %get3A_509 : vector<1x16xi32> to vector<16xi32>
      %get3A_511 = arith.constant 1 : i32
      %get3A_512 = arith.index_cast %get3A_511 : i32 to index
      %get3A_513 = arith.constant 32 : index
      %get3A_514 = tpu.vector_load %arg9[%get3A_512, %get3A_513] {strides = array<i32>} : memref<4x512xi32, #tpu.memory_space<vmem>>, vector<1x16xi32>,
      %get3A_515 = vector.shape_cast %get3A_514 : vector<1x16xi32> to vector<16xi32>
      %add3A_516 = arith.addi %get3A_510, %get3A_515 : vector<16xi32>
      %get3A_517 = arith.constant 2 : i32
      %get3A_518 = arith.index_cast %get3A_517 : i32 to index
      %get3A_519 = arith.constant 32 : index
      %get3A_520 = tpu.vector_load %arg9[%get3A_518, %get3A_519] {strides = array<i32>} : memref<4x512xi32, #tpu.memory_space<vmem>>, vector<1x16xi32>,
      %get3A_521 = vector.shape_cast %get3A_520 : vector<1x16xi32> to vector<16xi32>
      %add3A_522 = arith.addi %add3A_516, %get3A_521 : vector<16xi32>
      %get3A_523 = arith.constant 3 : i32
      %get3A_524 = arith.index_cast %get3A_523 : i32 to index
      %get3A_525 = arith.constant 32 : index
      %get3A_526 = tpu.vector_load %arg9[%get3A_524, %get3A_525] {strides = array<i32>} : memref<4x512xi32, #tpu.memory_space<vmem>>, vector<1x16xi32>,
      %get3A_527 = vector.shape_cast %get3A_526 : vector<1x16xi32> to vector<16xi32>
      %add3A_528 = arith.addi %add3A_522, %get3A_527 : vector<16xi32>
      %swap3A_529 = arith.constant 32 : index
      %swap3A_530 = tpu.vector_load %arg6[%swap3A_529] {strides = array<i32>} : memref<512xi32, #tpu.memory_space<vmem>>, vector<16xi32>,
      %swap3A_531 = vector.shape_cast %swap3A_530 : vector<16xi32> to vector<16xi32>
      %swap3A_532 = vector.shape_cast %add3A_528 : vector<16xi32> to vector<16xi32>
      tpu.vector_store %arg6[%swap3A_529], %swap3A_532 {strides = array<i32>} : memref<512xi32, #tpu.memory_space<vmem>>, vector<16xi32>,
      %get3A_533 = arith.constant 0 : i32
      %get3A_534 = arith.index_cast %get3A_533 : i32 to index
      %get3A_535 = arith.constant 48 : index
      %get3A_536 = tpu.vector_load %arg9[%get3A_534, %get3A_535] {strides = array<i32>} : memref<4x512xi32, #tpu.memory_space<vmem>>, vector<1x16xi32>,
      %get3A_537 = vector.shape_cast %get3A_536 : vector<1x16xi32> to vector<16xi32>
      %get3A_538 = arith.constant 1 : i32
      %get3A_539 = arith.index_cast %get3A_538 : i32 to index
      %get3A_540 = arith.constant 48 : index
      %get3A_541 = tpu.vector_load %arg9[%get3A_539, %get3A_540] {strides = array<i32>} : memref<4x512xi32, #tpu.memory_space<vmem>>, vector<1x16xi32>,
      %get3A_542 = vector.shape_cast %get3A_541 : vector<1x16xi32> to vector<16xi32>
      %add3A_543 = arith.addi %get3A_537, %get3A_542 : vector<16xi32>
      %get3A_544 = arith.constant 2 : i32
      %get3A_545 = arith.index_cast %get3A_544 : i32 to index
      %get3A_546 = arith.constant 48 : index
      %get3A_547 = tpu.vector_load %arg9[%get3A_545, %get3A_546] {strides = array<i32>} : memref<4x512xi32, #tpu.memory_space<vmem>>, vector<1x16xi32>,
      %get3A_548 = vector.shape_cast %get3A_547 : vector<1x16xi32> to vector<16xi32>
      %add3A_549 = arith.addi %add3A_543, %get3A_548 : vector<16xi32>
      %get3A_550 = arith.constant 3 : i32
      %get3A_551 = arith.index_cast %get3A_550 : i32 to index
      %get3A_552 = arith.constant 48 : index
      %get3A_553 = tpu.vector_load %arg9[%get3A_551, %get3A_552] {strides = array<i32>} : memref<4x512xi32, #tpu.memory_space<vmem>>, vector<1x16xi32>,
      %get3A_554 = vector.shape_cast %get3A_553 : vector<1x16xi32> to vector<16xi32>
      %add3A_555 = arith.addi %add3A_549, %get3A_554 : vector<16xi32>
      %swap3A_556 = arith.constant 48 : index
      %swap3A_557 = tpu.vector_load %arg6[%swap3A_556] {strides = array<i32>} : memref<512xi32, #tpu.memory_space<vmem>>, vector<16xi32>,
      %swap3A_558 = vector.shape_cast %swap3A_557 : vector<16xi32> to vector<16xi32>
      %swap3A_559 = vector.shape_cast %add3A_555 : vector<16xi32> to vector<16xi32>
      tpu.vector_store %arg6[%swap3A_556], %swap3A_559 {strides = array<i32>} : memref<512xi32, #tpu.memory_space<vmem>>, vector<16xi32>,
      %get3A_560 = arith.constant 0 : i32
      %get3A_561 = arith.index_cast %get3A_560 : i32 to index
      %get3A_562 = arith.constant 64 : index
      %get3A_563 = tpu.vector_load %arg9[%get3A_561, %get3A_562] {strides = array<i32>} : memref<4x512xi32, #tpu.memory_space<vmem>>, vector<1x16xi32>,
      %get3A_564 = vector.shape_cast %get3A_563 : vector<1x16xi32> to vector<16xi32>
      %get3A_565 = arith.constant 1 : i32
      %get3A_566 = arith.index_cast %get3A_565 : i32 to index
      %get3A_567 = arith.constant 64 : index
      %get3A_568 = tpu.vector_load %arg9[%get3A_566, %get3A_567] {strides = array<i32>} : memref<4x512xi32, #tpu.memory_space<vmem>>, vector<1x16xi32>,
      %get3A_569 = vector.shape_cast %get3A_568 : vector<1x16xi32> to vector<16xi32>
      %add3A_570 = arith.addi %get3A_564, %get3A_569 : vector<16xi32>
      %get3A_571 = arith.constant 2 : i32
      %get3A_572 = arith.index_cast %get3A_571 : i32 to index
      %get3A_573 = arith.constant 64 : index
      %get3A_574 = tpu.vector_load %arg9[%get3A_572, %get3A_573] {strides = array<i32>} : memref<4x512xi32, #tpu.memory_space<vmem>>, vector<1x16xi32>,
      %get3A_575 = vector.shape_cast %get3A_574 : vector<1x16xi32> to vector<16xi32>
      %add3A_576 = arith.addi %add3A_570, %get3A_575 : vector<16xi32>
      %get3A_577 = arith.constant 3 : i32
      %get3A_578 = arith.index_cast %get3A_577 : i32 to index
      %get3A_579 = arith.constant 64 : index
      %get3A_580 = tpu.vector_load %arg9[%get3A_578, %get3A_579] {strides = array<i32>} : memref<4x512xi32, #tpu.memory_space<vmem>>, vector<1x16xi32>,
      %get3A_581 = vector.shape_cast %get3A_580 : vector<1x16xi32> to vector<16xi32>
      %add3A_582 = arith.addi %add3A_576, %get3A_581 : vector<16xi32>
      %swap3A_583 = arith.constant 64 : index
      %swap3A_584 = tpu.vector_load %arg6[%swap3A_583] {strides = array<i32>} : memref<512xi32, #tpu.memory_space<vmem>>, vector<16xi32>,
      %swap3A_585 = vector.shape_cast %swap3A_584 : vector<16xi32> to vector<16xi32>
      %swap3A_586 = vector.shape_cast %add3A_582 : vector<16xi32> to vector<16xi32>
      tpu.vector_store %arg6[%swap3A_583], %swap3A_586 {strides = array<i32>} : memref<512xi32, #tpu.memory_space<vmem>>, vector<16xi32>,
      %get3A_587 = arith.constant 0 : i32
      %get3A_588 = arith.index_cast %get3A_587 : i32 to index
      %get3A_589 = arith.constant 80 : index
      %get3A_590 = tpu.vector_load %arg9[%get3A_588, %get3A_589] {strides = array<i32>} : memref<4x512xi32, #tpu.memory_space<vmem>>, vector<1x16xi32>,
      %get3A_591 = vector.shape_cast %get3A_590 : vector<1x16xi32> to vector<16xi32>
      %get3A_592 = arith.constant 1 : i32
      %get3A_593 = arith.index_cast %get3A_592 : i32 to index
      %get3A_594 = arith.constant 80 : index
      %get3A_595 = tpu.vector_load %arg9[%get3A_593, %get3A_594] {strides = array<i32>} : memref<4x512xi32, #tpu.memory_space<vmem>>, vector<1x16xi32>,
      %get3A_596 = vector.shape_cast %get3A_595 : vector<1x16xi32> to vector<16xi32>
      %add3A_597 = arith.addi %get3A_591, %get3A_596 : vector<16xi32>
      %get3A_598 = arith.constant 2 : i32
      %get3A_599 = arith.index_cast %get3A_598 : i32 to index
      %get3A_600 = arith.constant 80 : index
      %get3A_601 = tpu.vector_load %arg9[%get3A_599, %get3A_600] {strides = array<i32>} : memref<4x512xi32, #tpu.memory_space<vmem>>, vector<1x16xi32>,
      %get3A_602 = vector.shape_cast %get3A_601 : vector<1x16xi32> to vector<16xi32>
      %add3A_603 = arith.addi %add3A_597, %get3A_602 : vector<16xi32>
      %get3A_604 = arith.constant 3 : i32
      %get3A_605 = arith.index_cast %get3A_604 : i32 to index
      %get3A_606 = arith.constant 80 : index
      %get3A_607 = tpu.vector_load %arg9[%get3A_605, %get3A_606] {strides = array<i32>} : memref<4x512xi32, #tpu.memory_space<vmem>>, vector<1x16xi32>,
      %get3A_608 = vector.shape_cast %get3A_607 : vector<1x16xi32> to vector<16xi32>
      %add3A_609 = arith.addi %add3A_603, %get3A_608 : vector<16xi32>
      %swap3A_610 = arith.constant 80 : index
      %swap3A_611 = tpu.vector_load %arg6[%swap3A_610] {strides = array<i32>} : memref<512xi32, #tpu.memory_space<vmem>>, vector<16xi32>,
      %swap3A_612 = vector.shape_cast %swap3A_611 : vector<16xi32> to vector<16xi32>
      %swap3A_613 = vector.shape_cast %add3A_609 : vector<16xi32> to vector<16xi32>
      tpu.vector_store %arg6[%swap3A_610], %swap3A_613 {strides = array<i32>} : memref<512xi32, #tpu.memory_space<vmem>>, vector<16xi32>,
      %get3A_614 = arith.constant 0 : i32
      %get3A_615 = arith.index_cast %get3A_614 : i32 to index
      %get3A_616 = arith.constant 96 : index
      %get3A_617 = tpu.vector_load %arg9[%get3A_615, %get3A_616] {strides = array<i32>} : memref<4x512xi32, #tpu.memory_space<vmem>>, vector<1x16xi32>,
      %get3A_618 = vector.shape_cast %get3A_617 : vector<1x16xi32> to vector<16xi32>
      %get3A_619 = arith.constant 1 : i32
      %get3A_620 = arith.index_cast %get3A_619 : i32 to index
      %get3A_621 = arith.constant 96 : index
      %get3A_622 = tpu.vector_load %arg9[%get3A_620, %get3A_621] {strides = array<i32>} : memref<4x512xi32, #tpu.memory_space<vmem>>, vector<1x16xi32>,
      %get3A_623 = vector.shape_cast %get3A_622 : vector<1x16xi32> to vector<16xi32>
      %add3A_624 = arith.addi %get3A_618, %get3A_623 : vector<16xi32>
      %get3A_625 = arith.constant 2 : i32
      %get3A_626 = arith.index_cast %get3A_625 : i32 to index
      %get3A_627 = arith.constant 96 : index
      %get3A_628 = tpu.vector_load %arg9[%get3A_626, %get3A_627] {strides = array<i32>} : memref<4x512xi32, #tpu.memory_space<vmem>>, vector<1x16xi32>,
      %get3A_629 = vector.shape_cast %get3A_628 : vector<1x16xi32> to vector<16xi32>
      %add3A_630 = arith.addi %add3A_624, %get3A_629 : vector<16xi32>
      %get3A_631 = arith.constant 3 : i32
      %get3A_632 = arith.index_cast %get3A_631 : i32 to index
      %get3A_633 = arith.constant 96 : index
      %get3A_634 = tpu.vector_load %arg9[%get3A_632, %get3A_633] {strides = array<i32>} : memref<4x512xi32, #tpu.memory_space<vmem>>, vector<1x16xi32>,
      %get3A_635 = vector.shape_cast %get3A_634 : vector<1x16xi32> to vector<16xi32>
      %add3A_636 = arith.addi %add3A_630, %get3A_635 : vector<16xi32>
      %swap3A_637 = arith.constant 96 : index
      %swap3A_638 = tpu.vector_load %arg6[%swap3A_637] {strides = array<i32>} : memref<512xi32, #tpu.memory_space<vmem>>, vector<16xi32>,
      %swap3A_639 = vector.shape_cast %swap3A_638 : vector<16xi32> to vector<16xi32>
      %swap3A_640 = vector.shape_cast %add3A_636 : vector<16xi32> to vector<16xi32>
      tpu.vector_store %arg6[%swap3A_637], %swap3A_640 {strides = array<i32>} : memref<512xi32, #tpu.memory_space<vmem>>, vector<16xi32>,
      %get3A_641 = arith.constant 0 : i32
      %get3A_642 = arith.index_cast %get3A_641 : i32 to index
      %get3A_643 = arith.constant 112 : index
      %get3A_644 = tpu.vector_load %arg9[%get3A_642, %get3A_643] {strides = array<i32>} : memref<4x512xi32, #tpu.memory_space<vmem>>, vector<1x16xi32>,
      %get3A_645 = vector.shape_cast %get3A_644 : vector<1x16xi32> to vector<16xi32>
      %get3A_646 = arith.constant 1 : i32
      %get3A_647 = arith.index_cast %get3A_646 : i32 to index
      %get3A_648 = arith.constant 112 : index
      %get3A_649 = tpu.vector_load %arg9[%get3A_647, %get3A_648] {strides = array<i32>} : memref<4x512xi32, #tpu.memory_space<vmem>>, vector<1x16xi32>,
      %get3A_650 = vector.shape_cast %get3A_649 : vector<1x16xi32> to vector<16xi32>
      %add3A_651 = arith.addi %get3A_645, %get3A_650 : vector<16xi32>
      %get3A_652 = arith.constant 2 : i32
      %get3A_653 = arith.index_cast %get3A_652 : i32 to index
      %get3A_654 = arith.constant 112 : index
      %get3A_655 = tpu.vector_load %arg9[%get3A_653, %get3A_654] {strides = array<i32>} : memref<4x512xi32, #tpu.memory_space<vmem>>, vector<1x16xi32>,
      %get3A_656 = vector.shape_cast %get3A_655 : vector<1x16xi32> to vector<16xi32>
      %add3A_657 = arith.addi %add3A_651, %get3A_656 : vector<16xi32>
      %get3A_658 = arith.constant 3 : i32
      %get3A_659 = arith.index_cast %get3A_658 : i32 to index
      %get3A_660 = arith.constant 112 : index
      %get3A_661 = tpu.vector_load %arg9[%get3A_659, %get3A_660] {strides = array<i32>} : memref<4x512xi32, #tpu.memory_space<vmem>>, vector<1x16xi32>,
      %get3A_662 = vector.shape_cast %get3A_661 : vector<1x16xi32> to vector<16xi32>
      %add3A_663 = arith.addi %add3A_657, %get3A_662 : vector<16xi32>
      %swap3A_664 = arith.constant 112 : index
      %swap3A_665 = tpu.vector_load %arg6[%swap3A_664] {strides = array<i32>} : memref<512xi32, #tpu.memory_space<vmem>>, vector<16xi32>,
      %swap3A_666 = vector.shape_cast %swap3A_665 : vector<16xi32> to vector<16xi32>
      %swap3A_667 = vector.shape_cast %add3A_663 : vector<16xi32> to vector<16xi32>
      tpu.vector_store %arg6[%swap3A_664], %swap3A_667 {strides = array<i32>} : memref<512xi32, #tpu.memory_space<vmem>>, vector<16xi32>,
      %get3A_668 = arith.constant 0 : i32
      %get3A_669 = arith.index_cast %get3A_668 : i32 to index
      %get3A_670 = arith.constant 128 : index
      %get3A_671 = tpu.vector_load %arg9[%get3A_669, %get3A_670] {strides = array<i32>} : memref<4x512xi32, #tpu.memory_space<vmem>>, vector<1x16xi32>,
      %get3A_672 = vector.shape_cast %get3A_671 : vector<1x16xi32> to vector<16xi32>
      %get3A_673 = arith.constant 1 : i32
      %get3A_674 = arith.index_cast %get3A_673 : i32 to index
      %get3A_675 = arith.constant 128 : index
      %get3A_676 = tpu.vector_load %arg9[%get3A_674, %get3A_675] {strides = array<i32>} : memref<4x512xi32, #tpu.memory_space<vmem>>, vector<1x16xi32>,
      %get3A_677 = vector.shape_cast %get3A_676 : vector<1x16xi32> to vector<16xi32>
      %add3A_678 = arith.addi %get3A_672, %get3A_677 : vector<16xi32>
      %get3A_679 = arith.constant 2 : i32
      %get3A_680 = arith.index_cast %get3A_679 : i32 to index
      %get3A_681 = arith.constant 128 : index
      %get3A_682 = tpu.vector_load %arg9[%get3A_680, %get3A_681] {strides = array<i32>} : memref<4x512xi32, #tpu.memory_space<vmem>>, vector<1x16xi32>,
      %get3A_683 = vector.shape_cast %get3A_682 : vector<1x16xi32> to vector<16xi32>
      %add3A_684 = arith.addi %add3A_678, %get3A_683 : vector<16xi32>
      %get3A_685 = arith.constant 3 : i32
      %get3A_686 = arith.index_cast %get3A_685 : i32 to index
      %get3A_687 = arith.constant 128 : index
      %get3A_688 = tpu.vector_load %arg9[%get3A_686, %get3A_687] {strides = array<i32>} : memref<4x512xi32, #tpu.memory_space<vmem>>, vector<1x16xi32>,
      %get3A_689 = vector.shape_cast %get3A_688 : vector<1x16xi32> to vector<16xi32>
      %add3A_690 = arith.addi %add3A_684, %get3A_689 : vector<16xi32>
      %swap3A_691 = arith.constant 128 : index
      %swap3A_692 = tpu.vector_load %arg6[%swap3A_691] {strides = array<i32>} : memref<512xi32, #tpu.memory_space<vmem>>, vector<16xi32>,
      %swap3A_693 = vector.shape_cast %swap3A_692 : vector<16xi32> to vector<16xi32>
      %swap3A_694 = vector.shape_cast %add3A_690 : vector<16xi32> to vector<16xi32>
      tpu.vector_store %arg6[%swap3A_691], %swap3A_694 {strides = array<i32>} : memref<512xi32, #tpu.memory_space<vmem>>, vector<16xi32>,
      %get3A_695 = arith.constant 0 : i32
      %get3A_696 = arith.index_cast %get3A_695 : i32 to index
      %get3A_697 = arith.constant 144 : index
      %get3A_698 = tpu.vector_load %arg9[%get3A_696, %get3A_697] {strides = array<i32>} : memref<4x512xi32, #tpu.memory_space<vmem>>, vector<1x16xi32>,
      %get3A_699 = vector.shape_cast %get3A_698 : vector<1x16xi32> to vector<16xi32>
      %get3A_700 = arith.constant 1 : i32
      %get3A_701 = arith.index_cast %get3A_700 : i32 to index
      %get3A_702 = arith.constant 144 : index
      %get3A_703 = tpu.vector_load %arg9[%get3A_701, %get3A_702] {strides = array<i32>} : memref<4x512xi32, #tpu.memory_space<vmem>>, vector<1x16xi32>,
      %get3A_704 = vector.shape_cast %get3A_703 : vector<1x16xi32> to vector<16xi32>
      %add3A_705 = arith.addi %get3A_699, %get3A_704 : vector<16xi32>
      %get3A_706 = arith.constant 2 : i32
      %get3A_707 = arith.index_cast %get3A_706 : i32 to index
      %get3A_708 = arith.constant 144 : index
      %get3A_709 = tpu.vector_load %arg9[%get3A_707, %get3A_708] {strides = array<i32>} : memref<4x512xi32, #tpu.memory_space<vmem>>, vector<1x16xi32>,
      %get3A_710 = vector.shape_cast %get3A_709 : vector<1x16xi32> to vector<16xi32>
      %add3A_711 = arith.addi %add3A_705, %get3A_710 : vector<16xi32>
      %get3A_712 = arith.constant 3 : i32
      %get3A_713 = arith.index_cast %get3A_712 : i32 to index
      %get3A_714 = arith.constant 144 : index
      %get3A_715 = tpu.vector_load %arg9[%get3A_713, %get3A_714] {strides = array<i32>} : memref<4x512xi32, #tpu.memory_space<vmem>>, vector<1x16xi32>,
      %get3A_716 = vector.shape_cast %get3A_715 : vector<1x16xi32> to vector<16xi32>
      %add3A_717 = arith.addi %add3A_711, %get3A_716 : vector<16xi32>
      %swap3A_718 = arith.constant 144 : index
      %swap3A_719 = tpu.vector_load %arg6[%swap3A_718] {strides = array<i32>} : memref<512xi32, #tpu.memory_space<vmem>>, vector<16xi32>,
      %swap3A_720 = vector.shape_cast %swap3A_719 : vector<16xi32> to vector<16xi32>
      %swap3A_721 = vector.shape_cast %add3A_717 : vector<16xi32> to vector<16xi32>
      tpu.vector_store %arg6[%swap3A_718], %swap3A_721 {strides = array<i32>} : memref<512xi32, #tpu.memory_space<vmem>>, vector<16xi32>,
      %get3A_722 = arith.constant 0 : i32
      %get3A_723 = arith.index_cast %get3A_722 : i32 to index
      %get3A_724 = arith.constant 160 : index
      %get3A_725 = tpu.vector_load %arg9[%get3A_723, %get3A_724] {strides = array<i32>} : memref<4x512xi32, #tpu.memory_space<vmem>>, vector<1x16xi32>,
      %get3A_726 = vector.shape_cast %get3A_725 : vector<1x16xi32> to vector<16xi32>
      %get3A_727 = arith.constant 1 : i32
      %get3A_728 = arith.index_cast %get3A_727 : i32 to index
      %get3A_729 = arith.constant 160 : index
      %get3A_730 = tpu.vector_load %arg9[%get3A_728, %get3A_729] {strides = array<i32>} : memref<4x512xi32, #tpu.memory_space<vmem>>, vector<1x16xi32>,
      %get3A_731 = vector.shape_cast %get3A_730 : vector<1x16xi32> to vector<16xi32>
      %add3A_732 = arith.addi %get3A_726, %get3A_731 : vector<16xi32>
      %get3A_733 = arith.constant 2 : i32
      %get3A_734 = arith.index_cast %get3A_733 : i32 to index
      %get3A_735 = arith.constant 160 : index
      %get3A_736 = tpu.vector_load %arg9[%get3A_734, %get3A_735] {strides = array<i32>} : memref<4x512xi32, #tpu.memory_space<vmem>>, vector<1x16xi32>,
      %get3A_737 = vector.shape_cast %get3A_736 : vector<1x16xi32> to vector<16xi32>
      %add3A_738 = arith.addi %add3A_732, %get3A_737 : vector<16xi32>
      %get3A_739 = arith.constant 3 : i32
      %get3A_740 = arith.index_cast %get3A_739 : i32 to index
      %get3A_741 = arith.constant 160 : index
      %get3A_742 = tpu.vector_load %arg9[%get3A_740, %get3A_741] {strides = array<i32>} : memref<4x512xi32, #tpu.memory_space<vmem>>, vector<1x16xi32>,
      %get3A_743 = vector.shape_cast %get3A_742 : vector<1x16xi32> to vector<16xi32>
      %add3A_744 = arith.addi %add3A_738, %get3A_743 : vector<16xi32>
      %swap3A_745 = arith.constant 160 : index
      %swap3A_746 = tpu.vector_load %arg6[%swap3A_745] {strides = array<i32>} : memref<512xi32, #tpu.memory_space<vmem>>, vector<16xi32>,
      %swap3A_747 = vector.shape_cast %swap3A_746 : vector<16xi32> to vector<16xi32>
      %swap3A_748 = vector.shape_cast %add3A_744 : vector<16xi32> to vector<16xi32>
      tpu.vector_store %arg6[%swap3A_745], %swap3A_748 {strides = array<i32>} : memref<512xi32, #tpu.memory_space<vmem>>, vector<16xi32>,
      %get3A_749 = arith.constant 0 : i32
      %get3A_750 = arith.index_cast %get3A_749 : i32 to index
      %get3A_751 = arith.constant 176 : index
      %get3A_752 = tpu.vector_load %arg9[%get3A_750, %get3A_751] {strides = array<i32>} : memref<4x512xi32, #tpu.memory_space<vmem>>, vector<1x16xi32>,
      %get3A_753 = vector.shape_cast %get3A_752 : vector<1x16xi32> to vector<16xi32>
      %get3A_754 = arith.constant 1 : i32
      %get3A_755 = arith.index_cast %get3A_754 : i32 to index
      %get3A_756 = arith.constant 176 : index
      %get3A_757 = tpu.vector_load %arg9[%get3A_755, %get3A_756] {strides = array<i32>} : memref<4x512xi32, #tpu.memory_space<vmem>>, vector<1x16xi32>,
      %get3A_758 = vector.shape_cast %get3A_757 : vector<1x16xi32> to vector<16xi32>
      %add3A_759 = arith.addi %get3A_753, %get3A_758 : vector<16xi32>
      %get3A_760 = arith.constant 2 : i32
      %get3A_761 = arith.index_cast %get3A_760 : i32 to index
      %get3A_762 = arith.constant 176 : index
      %get3A_763 = tpu.vector_load %arg9[%get3A_761, %get3A_762] {strides = array<i32>} : memref<4x512xi32, #tpu.memory_space<vmem>>, vector<1x16xi32>,
      %get3A_764 = vector.shape_cast %get3A_763 : vector<1x16xi32> to vector<16xi32>
      %add3A_765 = arith.addi %add3A_759, %get3A_764 : vector<16xi32>
      %get3A_766 = arith.constant 3 : i32
      %get3A_767 = arith.index_cast %get3A_766 : i32 to index
      %get3A_768 = arith.constant 176 : index
      %get3A_769 = tpu.vector_load %arg9[%get3A_767, %get3A_768] {strides = array<i32>} : memref<4x512xi32, #tpu.memory_space<vmem>>, vector<1x16xi32>,
      %get3A_770 = vector.shape_cast %get3A_769 : vector<1x16xi32> to vector<16xi32>
      %add3A_771 = arith.addi %add3A_765, %get3A_770 : vector<16xi32>
      %swap3A_772 = arith.constant 176 : index
      %swap3A_773 = tpu.vector_load %arg6[%swap3A_772] {strides = array<i32>} : memref<512xi32, #tpu.memory_space<vmem>>, vector<16xi32>,
      %swap3A_774 = vector.shape_cast %swap3A_773 : vector<16xi32> to vector<16xi32>
      %swap3A_775 = vector.shape_cast %add3A_771 : vector<16xi32> to vector<16xi32>
      tpu.vector_store %arg6[%swap3A_772], %swap3A_775 {strides = array<i32>} : memref<512xi32, #tpu.memory_space<vmem>>, vector<16xi32>,
      %get3A_776 = arith.constant 0 : i32
      %get3A_777 = arith.index_cast %get3A_776 : i32 to index
      %get3A_778 = arith.constant 192 : index
      %get3A_779 = tpu.vector_load %arg9[%get3A_777, %get3A_778] {strides = array<i32>} : memref<4x512xi32, #tpu.memory_space<vmem>>, vector<1x16xi32>,
      %get3A_780 = vector.shape_cast %get3A_779 : vector<1x16xi32> to vector<16xi32>
      %get3A_781 = arith.constant 1 : i32
      %get3A_782 = arith.index_cast %get3A_781 : i32 to index
      %get3A_783 = arith.constant 192 : index
      %get3A_784 = tpu.vector_load %arg9[%get3A_782, %get3A_783] {strides = array<i32>} : memref<4x512xi32, #tpu.memory_space<vmem>>, vector<1x16xi32>,
      %get3A_785 = vector.shape_cast %get3A_784 : vector<1x16xi32> to vector<16xi32>
      %add3A_786 = arith.addi %get3A_780, %get3A_785 : vector<16xi32>
      %get3A_787 = arith.constant 2 : i32
      %get3A_788 = arith.index_cast %get3A_787 : i32 to index
      %get3A_789 = arith.constant 192 : index
      %get3A_790 = tpu.vector_load %arg9[%get3A_788, %get3A_789] {strides = array<i32>} : memref<4x512xi32, #tpu.memory_space<vmem>>, vector<1x16xi32>,
      %get3A_791 = vector.shape_cast %get3A_790 : vector<1x16xi32> to vector<16xi32>
      %add3A_792 = arith.addi %add3A_786, %get3A_791 : vector<16xi32>
      %get3A_793 = arith.constant 3 : i32
      %get3A_794 = arith.index_cast %get3A_793 : i32 to index
      %get3A_795 = arith.constant 192 : index
      %get3A_796 = tpu.vector_load %arg9[%get3A_794, %get3A_795] {strides = array<i32>} : memref<4x512xi32, #tpu.memory_space<vmem>>, vector<1x16xi32>,
      %get3A_797 = vector.shape_cast %get3A_796 : vector<1x16xi32> to vector<16xi32>
      %add3A_798 = arith.addi %add3A_792, %get3A_797 : vector<16xi32>
      %swap3A_799 = arith.constant 192 : index
      %swap3A_800 = tpu.vector_load %arg6[%swap3A_799] {strides = array<i32>} : memref<512xi32, #tpu.memory_space<vmem>>, vector<16xi32>,
      %swap3A_801 = vector.shape_cast %swap3A_800 : vector<16xi32> to vector<16xi32>
      %swap3A_802 = vector.shape_cast %add3A_798 : vector<16xi32> to vector<16xi32>
      tpu.vector_store %arg6[%swap3A_799], %swap3A_802 {strides = array<i32>} : memref<512xi32, #tpu.memory_space<vmem>>, vector<16xi32>,
      %get3A_803 = arith.constant 0 : i32
      %get3A_804 = arith.index_cast %get3A_803 : i32 to index
      %get3A_805 = arith.constant 208 : index
      %get3A_806 = tpu.vector_load %arg9[%get3A_804, %get3A_805] {strides = array<i32>} : memref<4x512xi32, #tpu.memory_space<vmem>>, vector<1x16xi32>,
      %get3A_807 = vector.shape_cast %get3A_806 : vector<1x16xi32> to vector<16xi32>
      %get3A_808 = arith.constant 1 : i32
      %get3A_809 = arith.index_cast %get3A_808 : i32 to index
      %get3A_810 = arith.constant 208 : index
      %get3A_811 = tpu.vector_load %arg9[%get3A_809, %get3A_810] {strides = array<i32>} : memref<4x512xi32, #tpu.memory_space<vmem>>, vector<1x16xi32>,
      %get3A_812 = vector.shape_cast %get3A_811 : vector<1x16xi32> to vector<16xi32>
      %add3A_813 = arith.addi %get3A_807, %get3A_812 : vector<16xi32>
      %get3A_814 = arith.constant 2 : i32
      %get3A_815 = arith.index_cast %get3A_814 : i32 to index
      %get3A_816 = arith.constant 208 : index
      %get3A_817 = tpu.vector_load %arg9[%get3A_815, %get3A_816] {strides = array<i32>} : memref<4x512xi32, #tpu.memory_space<vmem>>, vector<1x16xi32>,
      %get3A_818 = vector.shape_cast %get3A_817 : vector<1x16xi32> to vector<16xi32>
      %add3A_819 = arith.addi %add3A_813, %get3A_818 : vector<16xi32>
      %get3A_820 = arith.constant 3 : i32
      %get3A_821 = arith.index_cast %get3A_820 : i32 to index
      %get3A_822 = arith.constant 208 : index
      %get3A_823 = tpu.vector_load %arg9[%get3A_821, %get3A_822] {strides = array<i32>} : memref<4x512xi32, #tpu.memory_space<vmem>>, vector<1x16xi32>,
      %get3A_824 = vector.shape_cast %get3A_823 : vector<1x16xi32> to vector<16xi32>
      %add3A_825 = arith.addi %add3A_819, %get3A_824 : vector<16xi32>
      %swap3A_826 = arith.constant 208 : index
      %swap3A_827 = tpu.vector_load %arg6[%swap3A_826] {strides = array<i32>} : memref<512xi32, #tpu.memory_space<vmem>>, vector<16xi32>,
      %swap3A_828 = vector.shape_cast %swap3A_827 : vector<16xi32> to vector<16xi32>
      %swap3A_829 = vector.shape_cast %add3A_825 : vector<16xi32> to vector<16xi32>
      tpu.vector_store %arg6[%swap3A_826], %swap3A_829 {strides = array<i32>} : memref<512xi32, #tpu.memory_space<vmem>>, vector<16xi32>,
      %get3A_830 = arith.constant 0 : i32
      %get3A_831 = arith.index_cast %get3A_830 : i32 to index
      %get3A_832 = arith.constant 224 : index
      %get3A_833 = tpu.vector_load %arg9[%get3A_831, %get3A_832] {strides = array<i32>} : memref<4x512xi32, #tpu.memory_space<vmem>>, vector<1x16xi32>,
      %get3A_834 = vector.shape_cast %get3A_833 : vector<1x16xi32> to vector<16xi32>
      %get3A_835 = arith.constant 1 : i32
      %get3A_836 = arith.index_cast %get3A_835 : i32 to index
      %get3A_837 = arith.constant 224 : index
      %get3A_838 = tpu.vector_load %arg9[%get3A_836, %get3A_837] {strides = array<i32>} : memref<4x512xi32, #tpu.memory_space<vmem>>, vector<1x16xi32>,
      %get3A_839 = vector.shape_cast %get3A_838 : vector<1x16xi32> to vector<16xi32>
      %add3A_840 = arith.addi %get3A_834, %get3A_839 : vector<16xi32>
      %get3A_841 = arith.constant 2 : i32
      %get3A_842 = arith.index_cast %get3A_841 : i32 to index
      %get3A_843 = arith.constant 224 : index
      %get3A_844 = tpu.vector_load %arg9[%get3A_842, %get3A_843] {strides = array<i32>} : memref<4x512xi32, #tpu.memory_space<vmem>>, vector<1x16xi32>,
      %get3A_845 = vector.shape_cast %get3A_844 : vector<1x16xi32> to vector<16xi32>
      %add3A_846 = arith.addi %add3A_840, %get3A_845 : vector<16xi32>
      %get3A_847 = arith.constant 3 : i32
      %get3A_848 = arith.index_cast %get3A_847 : i32 to index
      %get3A_849 = arith.constant 224 : index
      %get3A_850 = tpu.vector_load %arg9[%get3A_848, %get3A_849] {strides = array<i32>} : memref<4x512xi32, #tpu.memory_space<vmem>>, vector<1x16xi32>,
      %get3A_851 = vector.shape_cast %get3A_850 : vector<1x16xi32> to vector<16xi32>
      %add3A_852 = arith.addi %add3A_846, %get3A_851 : vector<16xi32>
      %swap3A_853 = arith.constant 224 : index
      %swap3A_854 = tpu.vector_load %arg6[%swap3A_853] {strides = array<i32>} : memref<512xi32, #tpu.memory_space<vmem>>, vector<16xi32>,
      %swap3A_855 = vector.shape_cast %swap3A_854 : vector<16xi32> to vector<16xi32>
      %swap3A_856 = vector.shape_cast %add3A_852 : vector<16xi32> to vector<16xi32>
      tpu.vector_store %arg6[%swap3A_853], %swap3A_856 {strides = array<i32>} : memref<512xi32, #tpu.memory_space<vmem>>, vector<16xi32>,
      %get3A_857 = arith.constant 0 : i32
      %get3A_858 = arith.index_cast %get3A_857 : i32 to index
      %get3A_859 = arith.constant 240 : index
      %get3A_860 = tpu.vector_load %arg9[%get3A_858, %get3A_859] {strides = array<i32>} : memref<4x512xi32, #tpu.memory_space<vmem>>, vector<1x16xi32>,
      %get3A_861 = vector.shape_cast %get3A_860 : vector<1x16xi32> to vector<16xi32>
      %get3A_862 = arith.constant 1 : i32
      %get3A_863 = arith.index_cast %get3A_862 : i32 to index
      %get3A_864 = arith.constant 240 : index
      %get3A_865 = tpu.vector_load %arg9[%get3A_863, %get3A_864] {strides = array<i32>} : memref<4x512xi32, #tpu.memory_space<vmem>>, vector<1x16xi32>,
      %get3A_866 = vector.shape_cast %get3A_865 : vector<1x16xi32> to vector<16xi32>
      %add3A_867 = arith.addi %get3A_861, %get3A_866 : vector<16xi32>
      %get3A_868 = arith.constant 2 : i32
      %get3A_869 = arith.index_cast %get3A_868 : i32 to index
      %get3A_870 = arith.constant 240 : index
      %get3A_871 = tpu.vector_load %arg9[%get3A_869, %get3A_870] {strides = array<i32>} : memref<4x512xi32, #tpu.memory_space<vmem>>, vector<1x16xi32>,
      %get3A_872 = vector.shape_cast %get3A_871 : vector<1x16xi32> to vector<16xi32>
      %add3A_873 = arith.addi %add3A_867, %get3A_872 : vector<16xi32>
      %get3A_874 = arith.constant 3 : i32
      %get3A_875 = arith.index_cast %get3A_874 : i32 to index
      %get3A_876 = arith.constant 240 : index
      %get3A_877 = tpu.vector_load %arg9[%get3A_875, %get3A_876] {strides = array<i32>} : memref<4x512xi32, #tpu.memory_space<vmem>>, vector<1x16xi32>,
      %get3A_878 = vector.shape_cast %get3A_877 : vector<1x16xi32> to vector<16xi32>
      %add3A_879 = arith.addi %add3A_873, %get3A_878 : vector<16xi32>
      %swap3A_880 = arith.constant 240 : index
      %swap3A_881 = tpu.vector_load %arg6[%swap3A_880] {strides = array<i32>} : memref<512xi32, #tpu.memory_space<vmem>>, vector<16xi32>,
      %swap3A_882 = vector.shape_cast %swap3A_881 : vector<16xi32> to vector<16xi32>
      %swap3A_883 = vector.shape_cast %add3A_879 : vector<16xi32> to vector<16xi32>
      tpu.vector_store %arg6[%swap3A_880], %swap3A_883 {strides = array<i32>} : memref<512xi32, #tpu.memory_space<vmem>>, vector<16xi32>,
      %get3A_884 = arith.constant 0 : i32
      %get3A_885 = arith.index_cast %get3A_884 : i32 to index
      %get3A_886 = arith.constant 256 : index
      %get3A_887 = tpu.vector_load %arg9[%get3A_885, %get3A_886] {strides = array<i32>} : memref<4x512xi32, #tpu.memory_space<vmem>>, vector<1x16xi32>,
      %get3A_888 = vector.shape_cast %get3A_887 : vector<1x16xi32> to vector<16xi32>
      %get3A_889 = arith.constant 1 : i32
      %get3A_890 = arith.index_cast %get3A_889 : i32 to index
      %get3A_891 = arith.constant 256 : index
      %get3A_892 = tpu.vector_load %arg9[%get3A_890, %get3A_891] {strides = array<i32>} : memref<4x512xi32, #tpu.memory_space<vmem>>, vector<1x16xi32>,
      %get3A_893 = vector.shape_cast %get3A_892 : vector<1x16xi32> to vector<16xi32>
      %add3A_894 = arith.addi %get3A_888, %get3A_893 : vector<16xi32>
      %get3A_895 = arith.constant 2 : i32
      %get3A_896 = arith.index_cast %get3A_895 : i32 to index
      %get3A_897 = arith.constant 256 : index
      %get3A_898 = tpu.vector_load %arg9[%get3A_896, %get3A_897] {strides = array<i32>} : memref<4x512xi32, #tpu.memory_space<vmem>>, vector<1x16xi32>,
      %get3A_899 = vector.shape_cast %get3A_898 : vector<1x16xi32> to vector<16xi32>
      %add3A_900 = arith.addi %add3A_894, %get3A_899 : vector<16xi32>
      %get3A_901 = arith.constant 3 : i32
      %get3A_902 = arith.index_cast %get3A_901 : i32 to index
      %get3A_903 = arith.constant 256 : index
      %get3A_904 = tpu.vector_load %arg9[%get3A_902, %get3A_903] {strides = array<i32>} : memref<4x512xi32, #tpu.memory_space<vmem>>, vector<1x16xi32>,
      %get3A_905 = vector.shape_cast %get3A_904 : vector<1x16xi32> to vector<16xi32>
      %add3A_906 = arith.addi %add3A_900, %get3A_905 : vector<16xi32>
      %swap3A_907 = arith.constant 256 : index
      %swap3A_908 = tpu.vector_load %arg6[%swap3A_907] {strides = array<i32>} : memref<512xi32, #tpu.memory_space<vmem>>, vector<16xi32>,
      %swap3A_909 = vector.shape_cast %swap3A_908 : vector<16xi32> to vector<16xi32>
      %swap3A_910 = vector.shape_cast %add3A_906 : vector<16xi32> to vector<16xi32>
      tpu.vector_store %arg6[%swap3A_907], %swap3A_910 {strides = array<i32>} : memref<512xi32, #tpu.memory_space<vmem>>, vector<16xi32>,
      %get3A_911 = arith.constant 0 : i32
      %get3A_912 = arith.index_cast %get3A_911 : i32 to index
      %get3A_913 = arith.constant 272 : index
      %get3A_914 = tpu.vector_load %arg9[%get3A_912, %get3A_913] {strides = array<i32>} : memref<4x512xi32, #tpu.memory_space<vmem>>, vector<1x16xi32>,
      %get3A_915 = vector.shape_cast %get3A_914 : vector<1x16xi32> to vector<16xi32>
      %get3A_916 = arith.constant 1 : i32
      %get3A_917 = arith.index_cast %get3A_916 : i32 to index
      %get3A_918 = arith.constant 272 : index
      %get3A_919 = tpu.vector_load %arg9[%get3A_917, %get3A_918] {strides = array<i32>} : memref<4x512xi32, #tpu.memory_space<vmem>>, vector<1x16xi32>,
      %get3A_920 = vector.shape_cast %get3A_919 : vector<1x16xi32> to vector<16xi32>
      %add3A_921 = arith.addi %get3A_915, %get3A_920 : vector<16xi32>
      %get3A_922 = arith.constant 2 : i32
      %get3A_923 = arith.index_cast %get3A_922 : i32 to index
      %get3A_924 = arith.constant 272 : index
      %get3A_925 = tpu.vector_load %arg9[%get3A_923, %get3A_924] {strides = array<i32>} : memref<4x512xi32, #tpu.memory_space<vmem>>, vector<1x16xi32>,
      %get3A_926 = vector.shape_cast %get3A_925 : vector<1x16xi32> to vector<16xi32>
      %add3A_927 = arith.addi %add3A_921, %get3A_926 : vector<16xi32>
      %get3A_928 = arith.constant 3 : i32
      %get3A_929 = arith.index_cast %get3A_928 : i32 to index
      %get3A_930 = arith.constant 272 : index
      %get3A_931 = tpu.vector_load %arg9[%get3A_929, %get3A_930] {strides = array<i32>} : memref<4x512xi32, #tpu.memory_space<vmem>>, vector<1x16xi32>,
      %get3A_932 = vector.shape_cast %get3A_931 : vector<1x16xi32> to vector<16xi32>
      %add3A_933 = arith.addi %add3A_927, %get3A_932 : vector<16xi32>
      %swap3A_934 = arith.constant 272 : index
      %swap3A_935 = tpu.vector_load %arg6[%swap3A_934] {strides = array<i32>} : memref<512xi32, #tpu.memory_space<vmem>>, vector<16xi32>,
      %swap3A_936 = vector.shape_cast %swap3A_935 : vector<16xi32> to vector<16xi32>
      %swap3A_937 = vector.shape_cast %add3A_933 : vector<16xi32> to vector<16xi32>
      tpu.vector_store %arg6[%swap3A_934], %swap3A_937 {strides = array<i32>} : memref<512xi32, #tpu.memory_space<vmem>>, vector<16xi32>,
      %get3A_938 = arith.constant 0 : i32
      %get3A_939 = arith.index_cast %get3A_938 : i32 to index
      %get3A_940 = arith.constant 288 : index
      %get3A_941 = tpu.vector_load %arg9[%get3A_939, %get3A_940] {strides = array<i32>} : memref<4x512xi32, #tpu.memory_space<vmem>>, vector<1x16xi32>,
      %get3A_942 = vector.shape_cast %get3A_941 : vector<1x16xi32> to vector<16xi32>
      %get3A_943 = arith.constant 1 : i32
      %get3A_944 = arith.index_cast %get3A_943 : i32 to index
      %get3A_945 = arith.constant 288 : index
      %get3A_946 = tpu.vector_load %arg9[%get3A_944, %get3A_945] {strides = array<i32>} : memref<4x512xi32, #tpu.memory_space<vmem>>, vector<1x16xi32>,
      %get3A_947 = vector.shape_cast %get3A_946 : vector<1x16xi32> to vector<16xi32>
      %add3A_948 = arith.addi %get3A_942, %get3A_947 : vector<16xi32>
      %get3A_949 = arith.constant 2 : i32
      %get3A_950 = arith.index_cast %get3A_949 : i32 to index
      %get3A_951 = arith.constant 288 : index
      %get3A_952 = tpu.vector_load %arg9[%get3A_950, %get3A_951] {strides = array<i32>} : memref<4x512xi32, #tpu.memory_space<vmem>>, vector<1x16xi32>,
      %get3A_953 = vector.shape_cast %get3A_952 : vector<1x16xi32> to vector<16xi32>
      %add3A_954 = arith.addi %add3A_948, %get3A_953 : vector<16xi32>
      %get3A_955 = arith.constant 3 : i32
      %get3A_956 = arith.index_cast %get3A_955 : i32 to index
      %get3A_957 = arith.constant 288 : index
      %get3A_958 = tpu.vector_load %arg9[%get3A_956, %get3A_957] {strides = array<i32>} : memref<4x512xi32, #tpu.memory_space<vmem>>, vector<1x16xi32>,
      %get3A_959 = vector.shape_cast %get3A_958 : vector<1x16xi32> to vector<16xi32>
      %add3A_960 = arith.addi %add3A_954, %get3A_959 : vector<16xi32>
      %swap3A_961 = arith.constant 288 : index
      %swap3A_962 = tpu.vector_load %arg6[%swap3A_961] {strides = array<i32>} : memref<512xi32, #tpu.memory_space<vmem>>, vector<16xi32>,
      %swap3A_963 = vector.shape_cast %swap3A_962 : vector<16xi32> to vector<16xi32>
      %swap3A_964 = vector.shape_cast %add3A_960 : vector<16xi32> to vector<16xi32>
      tpu.vector_store %arg6[%swap3A_961], %swap3A_964 {strides = array<i32>} : memref<512xi32, #tpu.memory_space<vmem>>, vector<16xi32>,
      %get3A_965 = arith.constant 0 : i32
      %get3A_966 = arith.index_cast %get3A_965 : i32 to index
      %get3A_967 = arith.constant 304 : index
      %get3A_968 = tpu.vector_load %arg9[%get3A_966, %get3A_967] {strides = array<i32>} : memref<4x512xi32, #tpu.memory_space<vmem>>, vector<1x16xi32>,
      %get3A_969 = vector.shape_cast %get3A_968 : vector<1x16xi32> to vector<16xi32>
      %get3A_970 = arith.constant 1 : i32
      %get3A_971 = arith.index_cast %get3A_970 : i32 to index
      %get3A_972 = arith.constant 304 : index
      %get3A_973 = tpu.vector_load %arg9[%get3A_971, %get3A_972] {strides = array<i32>} : memref<4x512xi32, #tpu.memory_space<vmem>>, vector<1x16xi32>,
      %get3A_974 = vector.shape_cast %get3A_973 : vector<1x16xi32> to vector<16xi32>
      %add3A_975 = arith.addi %get3A_969, %get3A_974 : vector<16xi32>
      %get3A_976 = arith.constant 2 : i32
      %get3A_977 = arith.index_cast %get3A_976 : i32 to index
      %get3A_978 = arith.constant 304 : index
      %get3A_979 = tpu.vector_load %arg9[%get3A_977, %get3A_978] {strides = array<i32>} : memref<4x512xi32, #tpu.memory_space<vmem>>, vector<1x16xi32>,
      %get3A_980 = vector.shape_cast %get3A_979 : vector<1x16xi32> to vector<16xi32>
      %add3A_981 = arith.addi %add3A_975, %get3A_980 : vector<16xi32>
      %get3A_982 = arith.constant 3 : i32
      %get3A_983 = arith.index_cast %get3A_982 : i32 to index
      %get3A_984 = arith.constant 304 : index
      %get3A_985 = tpu.vector_load %arg9[%get3A_983, %get3A_984] {strides = array<i32>} : memref<4x512xi32, #tpu.memory_space<vmem>>, vector<1x16xi32>,
      %get3A_986 = vector.shape_cast %get3A_985 : vector<1x16xi32> to vector<16xi32>
      %add3A_987 = arith.addi %add3A_981, %get3A_986 : vector<16xi32>
      %swap3A_988 = arith.constant 304 : index
      %swap3A_989 = tpu.vector_load %arg6[%swap3A_988] {strides = array<i32>} : memref<512xi32, #tpu.memory_space<vmem>>, vector<16xi32>,
      %swap3A_990 = vector.shape_cast %swap3A_989 : vector<16xi32> to vector<16xi32>
      %swap3A_991 = vector.shape_cast %add3A_987 : vector<16xi32> to vector<16xi32>
      tpu.vector_store %arg6[%swap3A_988], %swap3A_991 {strides = array<i32>} : memref<512xi32, #tpu.memory_space<vmem>>, vector<16xi32>,
      %get3A_992 = arith.constant 0 : i32
      %get3A_993 = arith.index_cast %get3A_992 : i32 to index
      %get3A_994 = arith.constant 320 : index
      %get3A_995 = tpu.vector_load %arg9[%get3A_993, %get3A_994] {strides = array<i32>} : memref<4x512xi32, #tpu.memory_space<vmem>>, vector<1x16xi32>,
      %get3A_996 = vector.shape_cast %get3A_995 : vector<1x16xi32> to vector<16xi32>
      %get3A_997 = arith.constant 1 : i32
      %get3A_998 = arith.index_cast %get3A_997 : i32 to index
      %get3A_999 = arith.constant 320 : index
      %get3A_1000 = tpu.vector_load %arg9[%get3A_998, %get3A_999] {strides = array<i32>} : memref<4x512xi32, #tpu.memory_space<vmem>>, vector<1x16xi32>,
      %get3A_1001 = vector.shape_cast %get3A_1000 : vector<1x16xi32> to vector<16xi32>
      %add3A_1002 = arith.addi %get3A_996, %get3A_1001 : vector<16xi32>
      %get3A_1003 = arith.constant 2 : i32
      %get3A_1004 = arith.index_cast %get3A_1003 : i32 to index
      %get3A_1005 = arith.constant 320 : index
      %get3A_1006 = tpu.vector_load %arg9[%get3A_1004, %get3A_1005] {strides = array<i32>} : memref<4x512xi32, #tpu.memory_space<vmem>>, vector<1x16xi32>,
      %get3A_1007 = vector.shape_cast %get3A_1006 : vector<1x16xi32> to vector<16xi32>
      %add3A_1008 = arith.addi %add3A_1002, %get3A_1007 : vector<16xi32>
      %get3A_1009 = arith.constant 3 : i32
      %get3A_1010 = arith.index_cast %get3A_1009 : i32 to index
      %get3A_1011 = arith.constant 320 : index
      %get3A_1012 = tpu.vector_load %arg9[%get3A_1010, %get3A_1011] {strides = array<i32>} : memref<4x512xi32, #tpu.memory_space<vmem>>, vector<1x16xi32>,
      %get3A_1013 = vector.shape_cast %get3A_1012 : vector<1x16xi32> to vector<16xi32>
      %add3A_1014 = arith.addi %add3A_1008, %get3A_1013 : vector<16xi32>
      %swap3A_1015 = arith.constant 320 : index
      %swap3A_1016 = tpu.vector_load %arg6[%swap3A_1015] {strides = array<i32>} : memref<512xi32, #tpu.memory_space<vmem>>, vector<16xi32>,
      %swap3A_1017 = vector.shape_cast %swap3A_1016 : vector<16xi32> to vector<16xi32>
      %swap3A_1018 = vector.shape_cast %add3A_1014 : vector<16xi32> to vector<16xi32>
      tpu.vector_store %arg6[%swap3A_1015], %swap3A_1018 {strides = array<i32>} : memref<512xi32, #tpu.memory_space<vmem>>, vector<16xi32>,
      %get3A_1019 = arith.constant 0 : i32
      %get3A_1020 = arith.index_cast %get3A_1019 : i32 to index
      %get3A_1021 = arith.constant 336 : index
      %get3A_1022 = tpu.vector_load %arg9[%get3A_1020, %get3A_1021] {strides = array<i32>} : memref<4x512xi32, #tpu.memory_space<vmem>>, vector<1x16xi32>,
      %get3A_1023 = vector.shape_cast %get3A_1022 : vector<1x16xi32> to vector<16xi32>
      %get3A_1024 = arith.constant 1 : i32
      %get3A_1025 = arith.index_cast %get3A_1024 : i32 to index
      %get3A_1026 = arith.constant 336 : index
      %get3A_1027 = tpu.vector_load %arg9[%get3A_1025, %get3A_1026] {strides = array<i32>} : memref<4x512xi32, #tpu.memory_space<vmem>>, vector<1x16xi32>,
      %get3A_1028 = vector.shape_cast %get3A_1027 : vector<1x16xi32> to vector<16xi32>
      %add3A_1029 = arith.addi %get3A_1023, %get3A_1028 : vector<16xi32>
      %get3A_1030 = arith.constant 2 : i32
      %get3A_1031 = arith.index_cast %get3A_1030 : i32 to index
      %get3A_1032 = arith.constant 336 : index
      %get3A_1033 = tpu.vector_load %arg9[%get3A_1031, %get3A_1032] {strides = array<i32>} : memref<4x512xi32, #tpu.memory_space<vmem>>, vector<1x16xi32>,
      %get3A_1034 = vector.shape_cast %get3A_1033 : vector<1x16xi32> to vector<16xi32>
      %add3A_1035 = arith.addi %add3A_1029, %get3A_1034 : vector<16xi32>
      %get3A_1036 = arith.constant 3 : i32
      %get3A_1037 = arith.index_cast %get3A_1036 : i32 to index
      %get3A_1038 = arith.constant 336 : index
      %get3A_1039 = tpu.vector_load %arg9[%get3A_1037, %get3A_1038] {strides = array<i32>} : memref<4x512xi32, #tpu.memory_space<vmem>>, vector<1x16xi32>,
      %get3A_1040 = vector.shape_cast %get3A_1039 : vector<1x16xi32> to vector<16xi32>
      %add3A_1041 = arith.addi %add3A_1035, %get3A_1040 : vector<16xi32>
      %swap3A_1042 = arith.constant 336 : index
      %swap3A_1043 = tpu.vector_load %arg6[%swap3A_1042] {strides = array<i32>} : memref<512xi32, #tpu.memory_space<vmem>>, vector<16xi32>,
      %swap3A_1044 = vector.shape_cast %swap3A_1043 : vector<16xi32> to vector<16xi32>
      %swap3A_1045 = vector.shape_cast %add3A_1041 : vector<16xi32> to vector<16xi32>
      tpu.vector_store %arg6[%swap3A_1042], %swap3A_1045 {strides = array<i32>} : memref<512xi32, #tpu.memory_space<vmem>>, vector<16xi32>,
      %get3A_1046 = arith.constant 0 : i32
      %get3A_1047 = arith.index_cast %get3A_1046 : i32 to index
      %get3A_1048 = arith.constant 352 : index
      %get3A_1049 = tpu.vector_load %arg9[%get3A_1047, %get3A_1048] {strides = array<i32>} : memref<4x512xi32, #tpu.memory_space<vmem>>, vector<1x16xi32>,
      %get3A_1050 = vector.shape_cast %get3A_1049 : vector<1x16xi32> to vector<16xi32>
      %get3A_1051 = arith.constant 1 : i32
      %get3A_1052 = arith.index_cast %get3A_1051 : i32 to index
      %get3A_1053 = arith.constant 352 : index
      %get3A_1054 = tpu.vector_load %arg9[%get3A_1052, %get3A_1053] {strides = array<i32>} : memref<4x512xi32, #tpu.memory_space<vmem>>, vector<1x16xi32>,
      %get3A_1055 = vector.shape_cast %get3A_1054 : vector<1x16xi32> to vector<16xi32>
      %add3A_1056 = arith.addi %get3A_1050, %get3A_1055 : vector<16xi32>
      %get3A_1057 = arith.constant 2 : i32
      %get3A_1058 = arith.index_cast %get3A_1057 : i32 to index
      %get3A_1059 = arith.constant 352 : index
      %get3A_1060 = tpu.vector_load %arg9[%get3A_1058, %get3A_1059] {strides = array<i32>} : memref<4x512xi32, #tpu.memory_space<vmem>>, vector<1x16xi32>,
      %get3A_1061 = vector.shape_cast %get3A_1060 : vector<1x16xi32> to vector<16xi32>
      %add3A_1062 = arith.addi %add3A_1056, %get3A_1061 : vector<16xi32>
      %get3A_1063 = arith.constant 3 : i32
      %get3A_1064 = arith.index_cast %get3A_1063 : i32 to index
      %get3A_1065 = arith.constant 352 : index
      %get3A_1066 = tpu.vector_load %arg9[%get3A_1064, %get3A_1065] {strides = array<i32>} : memref<4x512xi32, #tpu.memory_space<vmem>>, vector<1x16xi32>,
      %get3A_1067 = vector.shape_cast %get3A_1066 : vector<1x16xi32> to vector<16xi32>
      %add3A_1068 = arith.addi %add3A_1062, %get3A_1067 : vector<16xi32>
      %swap3A_1069 = arith.constant 352 : index
      %swap3A_1070 = tpu.vector_load %arg6[%swap3A_1069] {strides = array<i32>} : memref<512xi32, #tpu.memory_space<vmem>>, vector<16xi32>,
      %swap3A_1071 = vector.shape_cast %swap3A_1070 : vector<16xi32> to vector<16xi32>
      %swap3A_1072 = vector.shape_cast %add3A_1068 : vector<16xi32> to vector<16xi32>
      tpu.vector_store %arg6[%swap3A_1069], %swap3A_1072 {strides = array<i32>} : memref<512xi32, #tpu.memory_space<vmem>>, vector<16xi32>,
      %get3A_1073 = arith.constant 0 : i32
      %get3A_1074 = arith.index_cast %get3A_1073 : i32 to index
      %get3A_1075 = arith.constant 368 : index
      %get3A_1076 = tpu.vector_load %arg9[%get3A_1074, %get3A_1075] {strides = array<i32>} : memref<4x512xi32, #tpu.memory_space<vmem>>, vector<1x16xi32>,
      %get3A_1077 = vector.shape_cast %get3A_1076 : vector<1x16xi32> to vector<16xi32>
      %get3A_1078 = arith.constant 1 : i32
      %get3A_1079 = arith.index_cast %get3A_1078 : i32 to index
      %get3A_1080 = arith.constant 368 : index
      %get3A_1081 = tpu.vector_load %arg9[%get3A_1079, %get3A_1080] {strides = array<i32>} : memref<4x512xi32, #tpu.memory_space<vmem>>, vector<1x16xi32>,
      %get3A_1082 = vector.shape_cast %get3A_1081 : vector<1x16xi32> to vector<16xi32>
      %add3A_1083 = arith.addi %get3A_1077, %get3A_1082 : vector<16xi32>
      %get3A_1084 = arith.constant 2 : i32
      %get3A_1085 = arith.index_cast %get3A_1084 : i32 to index
      %get3A_1086 = arith.constant 368 : index
      %get3A_1087 = tpu.vector_load %arg9[%get3A_1085, %get3A_1086] {strides = array<i32>} : memref<4x512xi32, #tpu.memory_space<vmem>>, vector<1x16xi32>,
      %get3A_1088 = vector.shape_cast %get3A_1087 : vector<1x16xi32> to vector<16xi32>
      %add3A_1089 = arith.addi %add3A_1083, %get3A_1088 : vector<16xi32>
      %get3A_1090 = arith.constant 3 : i32
      %get3A_1091 = arith.index_cast %get3A_1090 : i32 to index
      %get3A_1092 = arith.constant 368 : index
      %get3A_1093 = tpu.vector_load %arg9[%get3A_1091, %get3A_1092] {strides = array<i32>} : memref<4x512xi32, #tpu.memory_space<vmem>>, vector<1x16xi32>,
      %get3A_1094 = vector.shape_cast %get3A_1093 : vector<1x16xi32> to vector<16xi32>
      %add3A_1095 = arith.addi %add3A_1089, %get3A_1094 : vector<16xi32>
      %swap3A_1096 = arith.constant 368 : index
      %swap3A_1097 = tpu.vector_load %arg6[%swap3A_1096] {strides = array<i32>} : memref<512xi32, #tpu.memory_space<vmem>>, vector<16xi32>,
      %swap3A_1098 = vector.shape_cast %swap3A_1097 : vector<16xi32> to vector<16xi32>
      %swap3A_1099 = vector.shape_cast %add3A_1095 : vector<16xi32> to vector<16xi32>
      tpu.vector_store %arg6[%swap3A_1096], %swap3A_1099 {strides = array<i32>} : memref<512xi32, #tpu.memory_space<vmem>>, vector<16xi32>,
      %get3A_1100 = arith.constant 0 : i32
      %get3A_1101 = arith.index_cast %get3A_1100 : i32 to index
      %get3A_1102 = arith.constant 384 : index
      %get3A_1103 = tpu.vector_load %arg9[%get3A_1101, %get3A_1102] {strides = array<i32>} : memref<4x512xi32, #tpu.memory_space<vmem>>, vector<1x16xi32>,
      %get3A_1104 = vector.shape_cast %get3A_1103 : vector<1x16xi32> to vector<16xi32>
      %get3A_1105 = arith.constant 1 : i32
      %get3A_1106 = arith.index_cast %get3A_1105 : i32 to index
      %get3A_1107 = arith.constant 384 : index
      %get3A_1108 = tpu.vector_load %arg9[%get3A_1106, %get3A_1107] {strides = array<i32>} : memref<4x512xi32, #tpu.memory_space<vmem>>, vector<1x16xi32>,
      %get3A_1109 = vector.shape_cast %get3A_1108 : vector<1x16xi32> to vector<16xi32>
      %add3A_1110 = arith.addi %get3A_1104, %get3A_1109 : vector<16xi32>
      %get3A_1111 = arith.constant 2 : i32
      %get3A_1112 = arith.index_cast %get3A_1111 : i32 to index
      %get3A_1113 = arith.constant 384 : index
      %get3A_1114 = tpu.vector_load %arg9[%get3A_1112, %get3A_1113] {strides = array<i32>} : memref<4x512xi32, #tpu.memory_space<vmem>>, vector<1x16xi32>,
      %get3A_1115 = vector.shape_cast %get3A_1114 : vector<1x16xi32> to vector<16xi32>
      %add3A_1116 = arith.addi %add3A_1110, %get3A_1115 : vector<16xi32>
      %get3A_1117 = arith.constant 3 : i32
      %get3A_1118 = arith.index_cast %get3A_1117 : i32 to index
      %get3A_1119 = arith.constant 384 : index
      %get3A_1120 = tpu.vector_load %arg9[%get3A_1118, %get3A_1119] {strides = array<i32>} : memref<4x512xi32, #tpu.memory_space<vmem>>, vector<1x16xi32>,
      %get3A_1121 = vector.shape_cast %get3A_1120 : vector<1x16xi32> to vector<16xi32>
      %add3A_1122 = arith.addi %add3A_1116, %get3A_1121 : vector<16xi32>
      %swap3A_1123 = arith.constant 384 : index
      %swap3A_1124 = tpu.vector_load %arg6[%swap3A_1123] {strides = array<i32>} : memref<512xi32, #tpu.memory_space<vmem>>, vector<16xi32>,
      %swap3A_1125 = vector.shape_cast %swap3A_1124 : vector<16xi32> to vector<16xi32>
      %swap3A_1126 = vector.shape_cast %add3A_1122 : vector<16xi32> to vector<16xi32>
      tpu.vector_store %arg6[%swap3A_1123], %swap3A_1126 {strides = array<i32>} : memref<512xi32, #tpu.memory_space<vmem>>, vector<16xi32>,
      %get3A_1127 = arith.constant 0 : i32
      %get3A_1128 = arith.index_cast %get3A_1127 : i32 to index
      %get3A_1129 = arith.constant 400 : index
      %get3A_1130 = tpu.vector_load %arg9[%get3A_1128, %get3A_1129] {strides = array<i32>} : memref<4x512xi32, #tpu.memory_space<vmem>>, vector<1x16xi32>,
      %get3A_1131 = vector.shape_cast %get3A_1130 : vector<1x16xi32> to vector<16xi32>
      %get3A_1132 = arith.constant 1 : i32
      %get3A_1133 = arith.index_cast %get3A_1132 : i32 to index
      %get3A_1134 = arith.constant 400 : index
      %get3A_1135 = tpu.vector_load %arg9[%get3A_1133, %get3A_1134] {strides = array<i32>} : memref<4x512xi32, #tpu.memory_space<vmem>>, vector<1x16xi32>,
      %get3A_1136 = vector.shape_cast %get3A_1135 : vector<1x16xi32> to vector<16xi32>
      %add3A_1137 = arith.addi %get3A_1131, %get3A_1136 : vector<16xi32>
      %get3A_1138 = arith.constant 2 : i32
      %get3A_1139 = arith.index_cast %get3A_1138 : i32 to index
      %get3A_1140 = arith.constant 400 : index
      %get3A_1141 = tpu.vector_load %arg9[%get3A_1139, %get3A_1140] {strides = array<i32>} : memref<4x512xi32, #tpu.memory_space<vmem>>, vector<1x16xi32>,
      %get3A_1142 = vector.shape_cast %get3A_1141 : vector<1x16xi32> to vector<16xi32>
      %add3A_1143 = arith.addi %add3A_1137, %get3A_1142 : vector<16xi32>
      %get3A_1144 = arith.constant 3 : i32
      %get3A_1145 = arith.index_cast %get3A_1144 : i32 to index
      %get3A_1146 = arith.constant 400 : index
      %get3A_1147 = tpu.vector_load %arg9[%get3A_1145, %get3A_1146] {strides = array<i32>} : memref<4x512xi32, #tpu.memory_space<vmem>>, vector<1x16xi32>,
      %get3A_1148 = vector.shape_cast %get3A_1147 : vector<1x16xi32> to vector<16xi32>
      %add3A_1149 = arith.addi %add3A_1143, %get3A_1148 : vector<16xi32>
      %swap3A_1150 = arith.constant 400 : index
      %swap3A_1151 = tpu.vector_load %arg6[%swap3A_1150] {strides = array<i32>} : memref<512xi32, #tpu.memory_space<vmem>>, vector<16xi32>,
      %swap3A_1152 = vector.shape_cast %swap3A_1151 : vector<16xi32> to vector<16xi32>
      %swap3A_1153 = vector.shape_cast %add3A_1149 : vector<16xi32> to vector<16xi32>
      tpu.vector_store %arg6[%swap3A_1150], %swap3A_1153 {strides = array<i32>} : memref<512xi32, #tpu.memory_space<vmem>>, vector<16xi32>,
      %get3A_1154 = arith.constant 0 : i32
      %get3A_1155 = arith.index_cast %get3A_1154 : i32 to index
      %get3A_1156 = arith.constant 416 : index
      %get3A_1157 = tpu.vector_load %arg9[%get3A_1155, %get3A_1156] {strides = array<i32>} : memref<4x512xi32, #tpu.memory_space<vmem>>, vector<1x16xi32>,
      %get3A_1158 = vector.shape_cast %get3A_1157 : vector<1x16xi32> to vector<16xi32>
      %get3A_1159 = arith.constant 1 : i32
      %get3A_1160 = arith.index_cast %get3A_1159 : i32 to index
      %get3A_1161 = arith.constant 416 : index
      %get3A_1162 = tpu.vector_load %arg9[%get3A_1160, %get3A_1161] {strides = array<i32>} : memref<4x512xi32, #tpu.memory_space<vmem>>, vector<1x16xi32>,
      %get3A_1163 = vector.shape_cast %get3A_1162 : vector<1x16xi32> to vector<16xi32>
      %add3A_1164 = arith.addi %get3A_1158, %get3A_1163 : vector<16xi32>
      %get3A_1165 = arith.constant 2 : i32
      %get3A_1166 = arith.index_cast %get3A_1165 : i32 to index
      %get3A_1167 = arith.constant 416 : index
      %get3A_1168 = tpu.vector_load %arg9[%get3A_1166, %get3A_1167] {strides = array<i32>} : memref<4x512xi32, #tpu.memory_space<vmem>>, vector<1x16xi32>,
      %get3A_1169 = vector.shape_cast %get3A_1168 : vector<1x16xi32> to vector<16xi32>
      %add3A_1170 = arith.addi %add3A_1164, %get3A_1169 : vector<16xi32>
      %get3A_1171 = arith.constant 3 : i32
      %get3A_1172 = arith.index_cast %get3A_1171 : i32 to index
      %get3A_1173 = arith.constant 416 : index
      %get3A_1174 = tpu.vector_load %arg9[%get3A_1172, %get3A_1173] {strides = array<i32>} : memref<4x512xi32, #tpu.memory_space<vmem>>, vector<1x16xi32>,
      %get3A_1175 = vector.shape_cast %get3A_1174 : vector<1x16xi32> to vector<16xi32>
      %add3A_1176 = arith.addi %add3A_1170, %get3A_1175 : vector<16xi32>
      %swap3A_1177 = arith.constant 416 : index
      %swap3A_1178 = tpu.vector_load %arg6[%swap3A_1177] {strides = array<i32>} : memref<512xi32, #tpu.memory_space<vmem>>, vector<16xi32>,
      %swap3A_1179 = vector.shape_cast %swap3A_1178 : vector<16xi32> to vector<16xi32>
      %swap3A_1180 = vector.shape_cast %add3A_1176 : vector<16xi32> to vector<16xi32>
      tpu.vector_store %arg6[%swap3A_1177], %swap3A_1180 {strides = array<i32>} : memref<512xi32, #tpu.memory_space<vmem>>, vector<16xi32>,
      %get3A_1181 = arith.constant 0 : i32
      %get3A_1182 = arith.index_cast %get3A_1181 : i32 to index
      %get3A_1183 = arith.constant 432 : index
      %get3A_1184 = tpu.vector_load %arg9[%get3A_1182, %get3A_1183] {strides = array<i32>} : memref<4x512xi32, #tpu.memory_space<vmem>>, vector<1x16xi32>,
      %get3A_1185 = vector.shape_cast %get3A_1184 : vector<1x16xi32> to vector<16xi32>
      %get3A_1186 = arith.constant 1 : i32
      %get3A_1187 = arith.index_cast %get3A_1186 : i32 to index
      %get3A_1188 = arith.constant 432 : index
      %get3A_1189 = tpu.vector_load %arg9[%get3A_1187, %get3A_1188] {strides = array<i32>} : memref<4x512xi32, #tpu.memory_space<vmem>>, vector<1x16xi32>,
      %get3A_1190 = vector.shape_cast %get3A_1189 : vector<1x16xi32> to vector<16xi32>
      %add3A_1191 = arith.addi %get3A_1185, %get3A_1190 : vector<16xi32>
      %get3A_1192 = arith.constant 2 : i32
      %get3A_1193 = arith.index_cast %get3A_1192 : i32 to index
      %get3A_1194 = arith.constant 432 : index
      %get3A_1195 = tpu.vector_load %arg9[%get3A_1193, %get3A_1194] {strides = array<i32>} : memref<4x512xi32, #tpu.memory_space<vmem>>, vector<1x16xi32>,
      %get3A_1196 = vector.shape_cast %get3A_1195 : vector<1x16xi32> to vector<16xi32>
      %add3A_1197 = arith.addi %add3A_1191, %get3A_1196 : vector<16xi32>
      %get3A_1198 = arith.constant 3 : i32
      %get3A_1199 = arith.index_cast %get3A_1198 : i32 to index
      %get3A_1200 = arith.constant 432 : index
      %get3A_1201 = tpu.vector_load %arg9[%get3A_1199, %get3A_1200] {strides = array<i32>} : memref<4x512xi32, #tpu.memory_space<vmem>>, vector<1x16xi32>,
      %get3A_1202 = vector.shape_cast %get3A_1201 : vector<1x16xi32> to vector<16xi32>
      %add3A_1203 = arith.addi %add3A_1197, %get3A_1202 : vector<16xi32>
      %swap3A_1204 = arith.constant 432 : index
      %swap3A_1205 = tpu.vector_load %arg6[%swap3A_1204] {strides = array<i32>} : memref<512xi32, #tpu.memory_space<vmem>>, vector<16xi32>,
      %swap3A_1206 = vector.shape_cast %swap3A_1205 : vector<16xi32> to vector<16xi32>
      %swap3A_1207 = vector.shape_cast %add3A_1203 : vector<16xi32> to vector<16xi32>
      tpu.vector_store %arg6[%swap3A_1204], %swap3A_1207 {strides = array<i32>} : memref<512xi32, #tpu.memory_space<vmem>>, vector<16xi32>,
      %get3A_1208 = arith.constant 0 : i32
      %get3A_1209 = arith.index_cast %get3A_1208 : i32 to index
      %get3A_1210 = arith.constant 448 : index
      %get3A_1211 = tpu.vector_load %arg9[%get3A_1209, %get3A_1210] {strides = array<i32>} : memref<4x512xi32, #tpu.memory_space<vmem>>, vector<1x16xi32>,
      %get3A_1212 = vector.shape_cast %get3A_1211 : vector<1x16xi32> to vector<16xi32>
      %get3A_1213 = arith.constant 1 : i32
      %get3A_1214 = arith.index_cast %get3A_1213 : i32 to index
      %get3A_1215 = arith.constant 448 : index
      %get3A_1216 = tpu.vector_load %arg9[%get3A_1214, %get3A_1215] {strides = array<i32>} : memref<4x512xi32, #tpu.memory_space<vmem>>, vector<1x16xi32>,
      %get3A_1217 = vector.shape_cast %get3A_1216 : vector<1x16xi32> to vector<16xi32>
      %add3A_1218 = arith.addi %get3A_1212, %get3A_1217 : vector<16xi32>
      %get3A_1219 = arith.constant 2 : i32
      %get3A_1220 = arith.index_cast %get3A_1219 : i32 to index
      %get3A_1221 = arith.constant 448 : index
      %get3A_1222 = tpu.vector_load %arg9[%get3A_1220, %get3A_1221] {strides = array<i32>} : memref<4x512xi32, #tpu.memory_space<vmem>>, vector<1x16xi32>,
      %get3A_1223 = vector.shape_cast %get3A_1222 : vector<1x16xi32> to vector<16xi32>
      %add3A_1224 = arith.addi %add3A_1218, %get3A_1223 : vector<16xi32>
      %get3A_1225 = arith.constant 3 : i32
      %get3A_1226 = arith.index_cast %get3A_1225 : i32 to index
      %get3A_1227 = arith.constant 448 : index
      %get3A_1228 = tpu.vector_load %arg9[%get3A_1226, %get3A_1227] {strides = array<i32>} : memref<4x512xi32, #tpu.memory_space<vmem>>, vector<1x16xi32>,
      %get3A_1229 = vector.shape_cast %get3A_1228 : vector<1x16xi32> to vector<16xi32>
      %add3A_1230 = arith.addi %add3A_1224, %get3A_1229 : vector<16xi32>
      %swap3A_1231 = arith.constant 448 : index
      %swap3A_1232 = tpu.vector_load %arg6[%swap3A_1231] {strides = array<i32>} : memref<512xi32, #tpu.memory_space<vmem>>, vector<16xi32>,
      %swap3A_1233 = vector.shape_cast %swap3A_1232 : vector<16xi32> to vector<16xi32>
      %swap3A_1234 = vector.shape_cast %add3A_1230 : vector<16xi32> to vector<16xi32>
      tpu.vector_store %arg6[%swap3A_1231], %swap3A_1234 {strides = array<i32>} : memref<512xi32, #tpu.memory_space<vmem>>, vector<16xi32>,
      %get3A_1235 = arith.constant 0 : i32
      %get3A_1236 = arith.index_cast %get3A_1235 : i32 to index
      %get3A_1237 = arith.constant 464 : index
      %get3A_1238 = tpu.vector_load %arg9[%get3A_1236, %get3A_1237] {strides = array<i32>} : memref<4x512xi32, #tpu.memory_space<vmem>>, vector<1x16xi32>,
      %get3A_1239 = vector.shape_cast %get3A_1238 : vector<1x16xi32> to vector<16xi32>
      %get3A_1240 = arith.constant 1 : i32
      %get3A_1241 = arith.index_cast %get3A_1240 : i32 to index
      %get3A_1242 = arith.constant 464 : index
      %get3A_1243 = tpu.vector_load %arg9[%get3A_1241, %get3A_1242] {strides = array<i32>} : memref<4x512xi32, #tpu.memory_space<vmem>>, vector<1x16xi32>,
      %get3A_1244 = vector.shape_cast %get3A_1243 : vector<1x16xi32> to vector<16xi32>
      %add3A_1245 = arith.addi %get3A_1239, %get3A_1244 : vector<16xi32>
      %get3A_1246 = arith.constant 2 : i32
      %get3A_1247 = arith.index_cast %get3A_1246 : i32 to index
      %get3A_1248 = arith.constant 464 : index
      %get3A_1249 = tpu.vector_load %arg9[%get3A_1247, %get3A_1248] {strides = array<i32>} : memref<4x512xi32, #tpu.memory_space<vmem>>, vector<1x16xi32>,
      %get3A_1250 = vector.shape_cast %get3A_1249 : vector<1x16xi32> to vector<16xi32>
      %add3A_1251 = arith.addi %add3A_1245, %get3A_1250 : vector<16xi32>
      %get3A_1252 = arith.constant 3 : i32
      %get3A_1253 = arith.index_cast %get3A_1252 : i32 to index
      %get3A_1254 = arith.constant 464 : index
      %get3A_1255 = tpu.vector_load %arg9[%get3A_1253, %get3A_1254] {strides = array<i32>} : memref<4x512xi32, #tpu.memory_space<vmem>>, vector<1x16xi32>,
      %get3A_1256 = vector.shape_cast %get3A_1255 : vector<1x16xi32> to vector<16xi32>
      %add3A_1257 = arith.addi %add3A_1251, %get3A_1256 : vector<16xi32>
      %swap3A_1258 = arith.constant 464 : index
      %swap3A_1259 = tpu.vector_load %arg6[%swap3A_1258] {strides = array<i32>} : memref<512xi32, #tpu.memory_space<vmem>>, vector<16xi32>,
      %swap3A_1260 = vector.shape_cast %swap3A_1259 : vector<16xi32> to vector<16xi32>
      %swap3A_1261 = vector.shape_cast %add3A_1257 : vector<16xi32> to vector<16xi32>
      tpu.vector_store %arg6[%swap3A_1258], %swap3A_1261 {strides = array<i32>} : memref<512xi32, #tpu.memory_space<vmem>>, vector<16xi32>,
      %get3A_1262 = arith.constant 0 : i32
      %get3A_1263 = arith.index_cast %get3A_1262 : i32 to index
      %get3A_1264 = arith.constant 480 : index
      %get3A_1265 = tpu.vector_load %arg9[%get3A_1263, %get3A_1264] {strides = array<i32>} : memref<4x512xi32, #tpu.memory_space<vmem>>, vector<1x16xi32>,
      %get3A_1266 = vector.shape_cast %get3A_1265 : vector<1x16xi32> to vector<16xi32>
      %get3A_1267 = arith.constant 1 : i32
      %get3A_1268 = arith.index_cast %get3A_1267 : i32 to index
      %get3A_1269 = arith.constant 480 : index
      %get3A_1270 = tpu.vector_load %arg9[%get3A_1268, %get3A_1269] {strides = array<i32>} : memref<4x512xi32, #tpu.memory_space<vmem>>, vector<1x16xi32>,
      %get3A_1271 = vector.shape_cast %get3A_1270 : vector<1x16xi32> to vector<16xi32>
      %add3A_1272 = arith.addi %get3A_1266, %get3A_1271 : vector<16xi32>
      %get3A_1273 = arith.constant 2 : i32
      %get3A_1274 = arith.index_cast %get3A_1273 : i32 to index
      %get3A_1275 = arith.constant 480 : index
      %get3A_1276 = tpu.vector_load %arg9[%get3A_1274, %get3A_1275] {strides = array<i32>} : memref<4x512xi32, #tpu.memory_space<vmem>>, vector<1x16xi32>,
      %get3A_1277 = vector.shape_cast %get3A_1276 : vector<1x16xi32> to vector<16xi32>
      %add3A_1278 = arith.addi %add3A_1272, %get3A_1277 : vector<16xi32>
      %get3A_1279 = arith.constant 3 : i32
      %get3A_1280 = arith.index_cast %get3A_1279 : i32 to index
      %get3A_1281 = arith.constant 480 : index
      %get3A_1282 = tpu.vector_load %arg9[%get3A_1280, %get3A_1281] {strides = array<i32>} : memref<4x512xi32, #tpu.memory_space<vmem>>, vector<1x16xi32>,
      %get3A_1283 = vector.shape_cast %get3A_1282 : vector<1x16xi32> to vector<16xi32>
      %add3A_1284 = arith.addi %add3A_1278, %get3A_1283 : vector<16xi32>
      %swap3A_1285 = arith.constant 480 : index
      %swap3A_1286 = tpu.vector_load %arg6[%swap3A_1285] {strides = array<i32>} : memref<512xi32, #tpu.memory_space<vmem>>, vector<16xi32>,
      %swap3A_1287 = vector.shape_cast %swap3A_1286 : vector<16xi32> to vector<16xi32>
      %swap3A_1288 = vector.shape_cast %add3A_1284 : vector<16xi32> to vector<16xi32>
      tpu.vector_store %arg6[%swap3A_1285], %swap3A_1288 {strides = array<i32>} : memref<512xi32, #tpu.memory_space<vmem>>, vector<16xi32>,
      %get3A_1289 = arith.constant 0 : i32
      %get3A_1290 = arith.index_cast %get3A_1289 : i32 to index
      %get3A_1291 = arith.constant 496 : index
      %get3A_1292 = tpu.vector_load %arg9[%get3A_1290, %get3A_1291] {strides = array<i32>} : memref<4x512xi32, #tpu.memory_space<vmem>>, vector<1x16xi32>,
      %get3A_1293 = vector.shape_cast %get3A_1292 : vector<1x16xi32> to vector<16xi32>
      %get3A_1294 = arith.constant 1 : i32
      %get3A_1295 = arith.index_cast %get3A_1294 : i32 to index
      %get3A_1296 = arith.constant 496 : index
      %get3A_1297 = tpu.vector_load %arg9[%get3A_1295, %get3A_1296] {strides = array<i32>} : memref<4x512xi32, #tpu.memory_space<vmem>>, vector<1x16xi32>,
      %get3A_1298 = vector.shape_cast %get3A_1297 : vector<1x16xi32> to vector<16xi32>
      %add3A_1299 = arith.addi %get3A_1293, %get3A_1298 : vector<16xi32>
      %get3A_1300 = arith.constant 2 : i32
      %get3A_1301 = arith.index_cast %get3A_1300 : i32 to index
      %get3A_1302 = arith.constant 496 : index
      %get3A_1303 = tpu.vector_load %arg9[%get3A_1301, %get3A_1302] {strides = array<i32>} : memref<4x512xi32, #tpu.memory_space<vmem>>, vector<1x16xi32>,
      %get3A_1304 = vector.shape_cast %get3A_1303 : vector<1x16xi32> to vector<16xi32>
      %add3A_1305 = arith.addi %add3A_1299, %get3A_1304 : vector<16xi32>
      %get3A_1306 = arith.constant 3 : i32
      %get3A_1307 = arith.index_cast %get3A_1306 : i32 to index
      %get3A_1308 = arith.constant 496 : index
      %get3A_1309 = tpu.vector_load %arg9[%get3A_1307, %get3A_1308] {strides = array<i32>} : memref<4x512xi32, #tpu.memory_space<vmem>>, vector<1x16xi32>,
      %get3A_1310 = vector.shape_cast %get3A_1309 : vector<1x16xi32> to vector<16xi32>
      %add3A_1311 = arith.addi %add3A_1305, %get3A_1310 : vector<16xi32>
      %swap3A_1312 = arith.constant 496 : index
      %swap3A_1313 = tpu.vector_load %arg6[%swap3A_1312] {strides = array<i32>} : memref<512xi32, #tpu.memory_space<vmem>>, vector<16xi32>,
      %swap3A_1314 = vector.shape_cast %swap3A_1313 : vector<16xi32> to vector<16xi32>
      %swap3A_1315 = vector.shape_cast %add3A_1311 : vector<16xi32> to vector<16xi32>
      tpu.vector_store %arg6[%swap3A_1312], %swap3A_1315 {strides = array<i32>} : memref<512xi32, #tpu.memory_space<vmem>>, vector<16xi32>,
      %mul3A_1316 = arith.constant 2048 : i32
      %mul3A_1317 = arith.muli %arg0, %mul3A_1316 : i32
      %mul3A_1318 = arith.constant 512 : i32
      %mul3A_1319 = arith.muli %rem3A_0, %mul3A_1318 : i32
      %add3A_1320 = arith.addi %mul3A_1317, %mul3A_1319 : i32
      "tpu.region"() ({
        %run_scoped3A_1321 = tpu.sem_alloc : memref<!tpu.dma_semaphore, #tpu.memory_space<semaphore_mem>>
        %dma_start3A = tpu.memref_slice %arg4[%add3A_1320] : memref<4096xi32, #tpu.memory_space<hbm>> -> memref<512xi32, #tpu.memory_space<hbm>>
        %dma_start3A_1322 = tpu.memref_slice %arg4[%add3A_1320] : memref<4096xi32, #tpu.memory_space<hbm>> -> memref<512xi32, #tpu.memory_space<hbm>>
        tpu.enqueue_dma source(%arg6 : memref<512xi32, #tpu.memory_space<vmem>>) target(%dma_start3A_1322 : memref<512xi32, #tpu.memory_space<hbm>>) target_semaphore(%run_scoped3A_1321 : memref<!tpu.dma_semaphore, #tpu.memory_space<semaphore_mem>>)
        %dma_wait3A = tpu.memref_slice %arg4[%add3A_1320] : memref<4096xi32, #tpu.memory_space<hbm>> -> memref<512xi32, #tpu.memory_space<hbm>>
        %dma_wait3A_1323 = tpu.memref_slice %arg4[%add3A_1320] : memref<4096xi32, #tpu.memory_space<hbm>> -> memref<512xi32, #tpu.memory_space<hbm>>
        tpu.wait_dma2 semaphore(%run_scoped3A_1321 : memref<!tpu.dma_semaphore, #tpu.memory_space<semaphore_mem>>) src(%arg6 : memref<512xi32, #tpu.memory_space<vmem>>) dst(%dma_wait3A_1323 : memref<512xi32, #tpu.memory_space<hbm>>)
        tpu.yield
      }) : () -> ()
    } else {
    }
    return
  }
}

</mosaic_0001>

<sc_bundles>
// kernel: kernel.3.cloned.1.call-start
scs
__scs_entry_jumppad:
0x0: {  	(pc) =	sbr.rel $0x88, $3  }
0x1: {  	(tag) =	ssettag $0x0;
	lr =	simm.s32 $0x1  }
0x2: {  	[smem:$0x3FA0] =	sst lr;
	_ =	strace $0xD0000000  }
0x3: {  	_ = 	snop  }
0x4: {  	_ = 	snop  }
0x5: {  	_ = 	snop  }
0x6: {  	_ = 	snop  }
0x7: {  	_ = 	snop  }
__scs_overlays_trampoline_lowered:
0x8: {  	[smem:$0x3FAF] =	sst s0  }
0x9: {  	[smem:$0x3FB0] =	sst s1  }
0xa: {  	[smem:$0x3FB1] =	sst s2  }
0xb: {  	[smem:$0x3FB2] =	sst s3  }
0xc: {  	[smem:$0x3FB3] =	sst s4  }
0xd: {  	[smem:$0x3FB4] =	sst s5  }
0xe: {  	[smem:$0x3FB5] =	sst s6  }
0xf: {  	[smem:$0x3FB6] =	sst s7  }
0x10: {  	[smem:$0x3FB7] =	sst s8  }
0x11: {  	[smem:$0x3FB8] =	sst s9;
	s0 =	simm.s32 @!p0 $0x0  }
0x12: {  	s1 =	sld [smem:$0x3F9E];
	s0 =	simm.s32 @p0 $0x1  }
0x13: {  	[smem:$0x3FB9] =	sst s0;
	s0 =	simm.s32 @!p1 $0x0  }
0x14: {  	s2 =	sld [smem:$0x3F9D];
	s0 =	simm.s32 @p1 $0x1  }
0x15: {  	[smem:$0x3FBA] =	sst s0;
	s0 =	simm.s32 @!p2 $0x0  }
0x16: {  	s3 =	sld [smem:$0x3FDB];
	s0 =	simm.s32 @p2 $0x1  }
0x17: {  	s4 =	simm.s32 $0x1BF5;
	[smem:$0x3FBC] =	sst s0  }
0x18: {  	s0 =	sld [smem:$0x3F9F];
	_ =	swait.ge [sflag:s4], $0x0  }
0x19: {  	s7 =	sld [smem:$0x3FA0]  }
0x1a: {  	s8 =	sadd.s32 $0xFFFFE003, lr  }
0x1b: {  	s9 =	sadd.s32 $0xFFFFFEF7, lr;
	s5 =	simm.s32 $0xFFFFFFFF;
	p2 =	slt.u32 s8, $0xFFFFF086  }
0x1c: {  	p1 =	slt.u32 s9, $0xF7A;
	s5 =	simm.s32 @!p2 $0x0  }
0x1d: {  	s5 =	simm.s32 @p1 $0x1;
	p0 =	seq.s32 s7, s2  }
0x1e: {  	s7 =	smul.u32 @!p0 $0xF7A, s2;
	p2 =	seq.s32 @!p0 s5, $0x0  }
0x1f: {  	s9 =	smul.u32 $0xF7A, s1;
	s8 =	simm.s32 @!p0 $0x1BF5;
	p2 =	por !p2, p0  }
0x20: {  	[sflag:s8] =	ssyncset.s32 @!p0 $0xFFFFF086;
	s6 =	sadd.s32 @!p0 s3, s7;
	s7 =	simm.s32 @!p0 $0x108  }
0x21: {  	s3 =	sadd.s32 s3, s9;
	s6 =	sadd.s32 @!p0 $0x88, s6;
	s7 =	simm.s32 @p2 $0x1082  }
0x22: {  	[simem:s7], [sflag:s8] =	dma.local @!p0 [hbm:s6], $0xF7A  }
0x23: {  	s9 =	sor.u32 $0xD0000000, s2;
	s6 =	simm.s32 $0x108;
	_ =	swait.ge @!p0 [sflag:s8], $0x0  }
0x24: {  	s3 =	sadd.s32 $0x88, s3;
	s6 =	simm.s32 @!p1 $0x1082;
	[sflag:s4] =	ssyncset.s32 $0xFFFFF086  }
0x25: {  	[simem:s6], [sflag:s4] =	dma.local [hbm:s3], $0xF7A  }
0x26: {  	[smem:$0x3FA0] =	sst s1;
	(tag) =	ssettag s2;
	_ =	strace s9  }
0x27: {  	s1 =	sld [smem:$0x3FB0]  }
0x28: {  	s2 =	sld [smem:$0x3FB1]  }
0x29: {  	s4 =	sld [smem:$0x3FB3]  }
0x2a: {  	p0 =	seq.s32 s5, $0x0;
	s5 =	sld [smem:$0x3FB4]  }
0x2b: {  	s6 =	sld [smem:$0x3FB5]  }
0x2c: {  	s7 =	sld [smem:$0x3FB6]  }
0x2d: {  	s3 =	simm.s32 $0x108;
	s8 =	sld [smem:$0x3FB7]  }
0x2e: {  	s3 =	simm.s32 @!p0 $0x1082;
	s9 =	sld [smem:$0x3FB8]  }
0x2f: {  	lr =	sadd.s32 s0, s3;
	s0 =	sld [smem:$0x3FAF]  }
0x30: {  	s3 =	sld [smem:$0x3FB2]  }
0x31: {  	[smem:$0x3FBB] =	sst s10  }
0x32: {  	s10 =	sld [smem:$0x3FB9];
	_ =	sdelay $0x3  }
0x33: {  	p0 =	seq.s32 s10, $0x1;
	s10 =	sld [smem:$0x3FBB];
	_ =	sdelay $0x3  }
0x34: {  	[smem:$0x3FBB] =	sst s10  }
0x35: {  	s10 =	sld [smem:$0x3FBA];
	_ =	sdelay $0x3  }
0x36: {  	p1 =	seq.s32 s10, $0x1;
	s10 =	sld [smem:$0x3FBB];
	_ =	sdelay $0x3  }
0x37: {  	[smem:$0x3FBB] =	sst s10  }
0x38: {  	s10 =	sld [smem:$0x3FBC]  }
0x39: {  	_ = 	snop;
	(pc) =	sbr.ind lr, $3  }
0x3a: {  	_ = 	snop  }
0x3b: {  	_ = 	snop  }
0x3c: {  	p2 =	seq.s32 s10, $0x1;
	s10 =	sld [smem:$0x3FBB]  }
0x3d: {  	_ =	shalt  }
0x3e: {  	_ =	shalt  }
0x3f: {  	_ =	shalt  }
0x40: {  	_ =	shalt  }
0x41: {  	_ =	shalt  }
0x42: {  	_ =	shalt  }
0x43: {  	_ =	shalt  }
0x44: {  	_ =	shalt  }
0x45: {  	_ =	shalt  }
0x46: {  	_ =	shalt  }
0x47: {  	_ =	shalt  }
0x48: {  	_ =	shalt  }
0x49: {  	_ =	shalt  }
0x4a: {  	_ =	shalt  }
0x4b: {  	_ =	shalt  }
0x4c: {  	_ =	shalt  }
0x4d: {  	_ =	shalt  }
0x4e: {  	_ =	shalt  }
0x4f: {  	_ =	shalt  }
0x50: {  	_ =	shalt  }
0x51: {  	_ =	shalt  }
0x52: {  	_ =	shalt  }
0x53: {  	_ =	shalt  }
0x54: {  	_ =	shalt  }
0x55: {  	_ =	shalt  }
0x56: {  	_ =	shalt  }
0x57: {  	_ =	shalt  }
0x58: {  	_ =	shalt  }
0x59: {  	_ =	shalt  }
0x5a: {  	_ =	shalt  }
0x5b: {  	_ =	shalt  }
0x5c: {  	_ =	shalt  }
0x5d: {  	_ =	shalt  }
0x5e: {  	_ =	shalt  }
0x5f: {  	_ =	shalt  }
0x60: {  	_ =	shalt  }
0x61: {  	_ =	shalt  }
0x62: {  	_ =	shalt  }
0x63: {  	_ =	shalt  }
0x64: {  	_ =	shalt  }
0x65: {  	_ =	shalt  }
0x66: {  	_ =	shalt  }
0x67: {  	_ =	shalt  }
0x68: {  	_ =	shalt  }
0x69: {  	_ =	shalt  }
0x6a: {  	_ =	shalt  }
0x6b: {  	_ =	shalt  }
0x6c: {  	_ =	shalt  }
0x6d: {  	_ =	shalt  }
0x6e: {  	_ =	shalt  }
0x6f: {  	_ =	shalt  }
0x70: {  	_ =	shalt  }
0x71: {  	_ =	shalt  }
0x72: {  	_ =	shalt  }
0x73: {  	_ =	shalt  }
0x74: {  	_ =	shalt  }
0x75: {  	_ =	shalt  }
0x76: {  	_ =	shalt  }
0x77: {  	_ =	shalt  }
0x78: {  	_ =	shalt  }
0x79: {  	_ =	shalt  }
0x7a: {  	_ =	shalt  }
0x7b: {  	_ =	shalt  }
0x7c: {  	_ =	shalt  }
0x7d: {  	_ =	shalt  }
0x7e: {  	_ =	shalt  }
0x7f: {  	_ =	shalt  }
0x80: {  	_ =	shalt  }
0x81: {  	_ =	shalt  }
0x82: {  	_ =	shalt  }
0x83: {  	_ =	shalt  }
0x84: {  	_ =	shalt  }
0x85: {  	_ =	shalt  }
0x86: {  	_ =	shalt  }
0x87: {  	_ =	shalt  }
.Lfunc_end0:
.L_simem_size_0:
called_computation_lowered:
.L_overlay_start_0:
0x88: {  	s2 =	sld [smem:$0x3FD9]  }
0x89: {  	s3 =	sld [smem:$0x3FFE];
	_ =	sdelay $0x1  }
0x8a: {  	s1 =	srdreg.scid  }
0x8b: {  	s0 =	sand.u32 $0x1, s1  }
0x8c: {  	s15 =	sshll.u32 s0, $0xA;
	s2 =	sadd.s32 s3, s2  }
0x8d: {  	s2 =	sadd.s32 s2, s15  }
0x8e: {  	[smem:$0x3FC7] =	sst s2  }
0x8f: {  	_ = 	snop  }
0x90: {  	s2 =	sld [smem:$0x3FD0];
	_ =	sdelay $0x2  }
0x91: {  	s4 =	simm.s32 $0xA;
	s5 =	simm.s32 $0x10;
	s16 =	sld [smem:$0x3FC9]  }
0x92: {  	[smem:s5], [sflag:s4] =	dma.local [hbm:s2], $0x1  }
0x93: {  	_ =	swait.eq [sflag:s4], $0x1  }
0x94: {  	[sflag:s4] =	ssyncset.done $0x0  }
0x95: {  	s17 =	sld [smem:$0x10];
	[sflag:s4] =	ssyncadd.s32 $0xFFFFFFFF  }
0x96: {  	s18 =	sld [smem:$0x11];
	(tm) =	ssettm $0x1  }
0x97: {  	s19 =	sld [smem:$0x3FFB];
	_ =	sdelay $0x3  }
0x98: {  	_ =	strace s19  }
0x99: {  	s5 =	sld [smem:$0x3FFC];
	_ =	sdelay $0x3  }
0x9a: {  	_ =	strace s5  }
0x9b: {  	s5 =	sld [smem:$0x3FFD];
	_ =	sdelay $0x3  }
0x9c: {  	_ =	strace s5  }
0x9d: {  	_ =	strace $0x8FFFFFFF  }
0x9e: {  	s20 =	sld [smem:$0x3FDB];
	_ =	sdelay $0x1  }
0x9f: {  	s6 =	simm.s32 $_scs_section_size  }
0xa0: {  	s7 =	simm.s32 $_size__tile_overlayer_lowered;
	s8 =	simm.s32 $_tile_overlayer_lowered  }
0xa1: {  	s23 =	simm.s32 $0x1BFF;
	s22 =	sshll.u32 s8, $0x1;
	s5 =	sadd.s32 s6, s20  }
0xa2: {  	s9 =	simm.s32 $0x0;
	s21 =	sshll.u32 s7, $0x1;
	s7 =	sadd.s32 s22, s5  }
0xa3: {  	[timem:s9], [sflag:s23] =	dma.local [hbm:s7], s21  }
0xa4: {  	_ =	swait.ge [sflag:s23], s21  }
0xa5: {  	s6 =	ssub.s32 $0x0, s21;
	[sflag:s23] =	ssyncset.done $0x0  }
0xa6: {  	[sflag:s23] =	ssyncadd.s32 s6;
	_ =	sdelay $0x1  }
0xa7: {  	s24 =	simm.s32 $0x1B8B  }
0xa8: {  	_ =	swait.ge [sflag:s24], $0x1  }
0xa9: {  	[sflag:s24] =	ssyncset.done $0x0  }
0xaa: {  	s25 =	simm.s32 $0x1B8E;
	[sflag:s24] =	ssyncadd.s32 $0xFFFFFFFF  }
0xab: {  	s26 =	simm.s32 $execute0_lowered;
	[smem:$0x3FD2] =	sst s25  }
0xac: {  	s6 =	sshll.u32 s26, $0x1;
	_ =	strace $0x80000046;
	[dreg:$0x1] =	wrdreg $0xFFFFFFFF  }
0xad: {  	s28 =	simm.s32 $_size_execute0_lowered;
	s5 =	sadd.s32 s5, s6;
	[dreg:$0x0] =	wrdreg $0x0  }
0xae: {  	s6 =	sshll.u32 s28, $0x1;
	[dreg:$0x2] =	wrdreg s5  }
0xaf: {  	[dreg:$0x3] =	wrdreg s6  }
0xb0: {  	[dreg:$0x4] =	wrdreg $0xC0  }
0xb1: {  	_ =	task [dreg:s9], $0x5FFFF  }
0xb2: {  	[dreg:$0x1] =	wrdreg $0xFFFFFFFF  }
0xb3: {  	[dreg:$0x0] =	wrdreg $0x60  }
0xb4: {  	[dreg:$0x2] =	wrdreg s16  }
0xb5: {  	[dreg:$0x3] =	wrdreg s17  }
0xb6: {  	[dreg:$0x4] =	wrdreg s18  }
0xb7: {  	[dreg:$0x5] =	wrdreg $0x8E000  }
0xb8: {  	[dreg:$0x6] =	wrdreg $0x9  }
0xb9: {  	_ =	task.clear_ibuf [dreg:s9], $0x7FFFF;
	_ =	strace $0x90000046  }
0xba: {  	s29 =	simm.s32 $0x9;
	_ =	strace $0x80000048  }
0xbb: {  	_ =	swait.ge [sflag:s29], $0x1  }
0xbc: {  	[sflag:s29] =	ssyncadd.s32 $0xFFFFFFFF  }
0xbd: {  	_ =	strace $0x90000048  }
0xbe: {  	_ =	sfence  }
0xbf: {  	s30 =	sld [smem:$0x0];
	_ =	sdelay $0x2  }
0xc0: {  	s31 =	sshll.u32 s1, $0xD;
	s1 =	sshrl.u32 s1, $0x2  }
0xc1: {  	s3 =	sand.u32 $0x4000, s31;
	s1 =	sadd.s32 s1, s30  }
0xc2: {  	s0 =	sor.u32 s3, s0;
	s1 =	sshll.u32 s1, $0x11  }
0xc3: {  	s0 =	sor.u32 s1, s0  }
0xc4: {  	s0 =	sadd.s32 $0x8F2B, s0  }
0xc5: {  	[sflag:s0] =	ssyncadd.remote.s32 $0x1  }
0xc6: {  	_ =	sfence.sel $0xFFFF  }
0xc7: {  	[dreg:$0x0] =	wrdreg $0xFFFFFFFF;
	(pc) =	sbr.abs _section_cstart, $3  }
0xc8: {  	[dreg:$0x1] =	wrdreg $0xFFFFFFFF  }
0xc9: {  	_ =	task.clear_ibuf [dreg:s9], $0x2FFFF;
	_ =	strace $0x9FFFFFFF  }
0xca: {  	(tm) =	ssettm $0x7FFFFFFF  }
0xcb: {  	_ =	shalt  }
tec
execute0_lowered:
.L_overlay_start_1:
0x0: {  	(tag) =	ssettag $0x1  }
0x1: {  	s1 =	rddreg [dreg:$0x0]  }
0x2: {  	s2 =	rddreg [dreg:$0x1]  }
0x3: {  	s0 =	rddreg [dreg:$0x2]  }
0x4: {  	s3 =	rddreg [dreg:$0x3]  }
0x5: {  	s5 =	srdreg.scid;
	s4 =	simm.s32 $0x0;
	s26 =	stileid.u32  }
0x6: {  	s28 =	simm.s32 $0x1;
	s5 =	sand.u32 $0x1, s5;
	[smem:$0x7FF] =	sst s4  }
0x7: {  	s8 =	sshll.u32 s26, $0x9;
	s24 =	sshll.u32 s26, $0xD;
	s25 =	sshll.u32 s26, $0x7  }
0x8: {  	p0 =	sgt.u32 s26, $0x3;
	s26 =	simm.s32 $0x8000;
	s6 =	ssub.s32 $0x2, s5  }
0x9: {  	_ =	strace $0x80000047;
	s5 =	sshll.u32 s5, $0xB;
	s23 =	sand.u32 $0x600, s8  }
0xa: {  	s10 =	sshrl.u32 s8, $0x2;
	s8 =	sand.u32 $0x1000, s8;
	s7 =	sshrl.u32 s6, $0x1  }
0xb: {  	s5 =	sor.u32 s5, s23;
	s9 =	ssub.s32 s6, s7;
	s6 =	sand.u32 $0x18000, s24  }
0xc: {  	s7 =	sand.u32 $0x380, s25;
	s30 =	sshrl.u32 s5, $0x3;
	s25 =	simm.s32 $0x1000  }
0xd: {  	s21 =	sadd.s32 s7, s3;
	s3 =	sadd.s32 s10, s3;
	s11 =	sadd.s32 s0, s30  }
0xe: {  	s12 =	smax.u32 s9, $0x1;
	s0 =	simm.s32 $0x0;
	s7 =	sadd.s32 s8, s21  }
0xf: {  	s29 =	sadd.s32 $0x200, s3;
	s31 =	sadd.s32 $0x1000, s21;
	s10 =	sadd.s32 $0x1200, s3  }
.Ltmp0:
0x10: {  	s16 =	sadd.s32 $0x600, s3;
	s17 =	sadd.s32 $0xA00, s3;
	(pc) =	sbr.rel .LBB2_1-.Ltmp0, $4  }
0x11: {  	s18 =	sadd.s32 $0xE00, s3;
	s19 =	sadd.s32 $0x1400, s21;
	s20 =	sadd.s32 $0x1800, s21  }
0x12: {  	s21 =	sadd.s32 $0x1C00, s21;
	s22 =	sadd.s32 $0x1600, s3;
	[dreg:$0x5] =	wrdreg s29  }
0x13: {  	s23 =	sadd.s32 $0x1A00, s3;
	s24 =	sadd.s32 $0x1E00, s3;
	[dreg:$0x6] =	wrdreg s31  }
0x14: {  	v0 =	vimm.s32 $0x0;
	s13 =	sadd.s32 $0x400, s7;
	s14 =	sadd.s32 $0x800, s7;
	s15 =	sadd.s32 $0xC00, s7  }
.LBB2_7:
0x15: {  	s0 =	sadd.s32 $0x1, s0  }
0x16: {  	p1 =	sne.s32 s0, s12  }
.Ltmp1:
0x17: {  	_ = 	snop;
	(pc) =	sbr.rel @!p1 .LBB2_8-.Ltmp1, $1  }
0x18: {  	_ =	sdelay $0x3  }
.LBB2_1:
0x19: {  	[tilespmem:$0x8400] =	vst v0  }
0x1a: {  	[tilespmem:$0x8410] =	vst v0  }
0x1b: {  	[tilespmem:$0x8420] =	vst v0  }
0x1c: {  	[tilespmem:$0x8430] =	vst v0  }
0x1d: {  	[tilespmem:$0x8440] =	vst v0  }
0x1e: {  	[tilespmem:$0x8450] =	vst v0  }
0x1f: {  	[tilespmem:$0x8460] =	vst v0  }
0x20: {  	[tilespmem:$0x8470] =	vst v0  }
0x21: {  	[tilespmem:$0x8480] =	vst v0  }
0x22: {  	[tilespmem:$0x8490] =	vst v0  }
0x23: {  	[tilespmem:$0x84A0] =	vst v0  }
0x24: {  	[tilespmem:$0x84B0] =	vst v0  }
0x25: {  	[tilespmem:$0x84C0] =	vst v0  }
0x26: {  	[tilespmem:$0x84D0] =	vst v0  }
0x27: {  	[tilespmem:$0x84E0] =	vst v0  }
0x28: {  	[tilespmem:$0x84F0] =	vst v0  }
0x29: {  	[tilespmem:$0x8500] =	vst v0  }
0x2a: {  	[tilespmem:$0x8510] =	vst v0  }
0x2b: {  	[tilespmem:$0x8520] =	vst v0  }
0x2c: {  	[tilespmem:$0x8530] =	vst v0  }
0x2d: {  	[tilespmem:$0x8540] =	vst v0  }
0x2e: {  	[tilespmem:$0x8550] =	vst v0  }
0x2f: {  	[tilespmem:$0x8560] =	vst v0  }
0x30: {  	[tilespmem:$0x8570] =	vst v0  }
0x31: {  	[tilespmem:$0x8580] =	vst v0  }
0x32: {  	[tilespmem:$0x8590] =	vst v0  }
0x33: {  	[tilespmem:$0x85A0] =	vst v0  }
0x34: {  	[tilespmem:$0x85B0] =	vst v0  }
0x35: {  	[tilespmem:$0x85C0] =	vst v0  }
0x36: {  	[tilespmem:$0x85D0] =	vst v0  }
0x37: {  	[tilespmem:$0x85E0] =	vst v0  }
0x38: {  	[tilespmem:$0x85F0] =	vst v0;
	s3 =	simm.s32 $0x0  }
.LBB2_2:
0x39: {  	s8 =	sshll.u32 s3, $0x11  }
0x3a: {  	s8 =	sor.u32 s8, s6  }
0x3b: {  	s31 =	sor.u32 s5, s8  }
0x3c: {  	s9 =	simm.s32 $0x0;
	s8 =	sadd.s32 s1, s31  }
0x3d: {  	[tilespmem:s9], [sflag:$0x1] =	stream.strided.gather [hbm4b:s8+s25], $0x8000, s26, s25, $0x38;
	[tilespmem:$0x9000] =	vst v63  }
0x3e: {  	_ =	swait.ge [sflag:s28], $0x8000  }
0x3f: {  	[sflag:s28] =	ssyncset.done $0x0  }
0x40: {  	v32 =	vimm.f32 $0.0e+00;
	[sflag:s28] =	ssyncadd.s32 $0xFFFF8000  }
0x41: {  	[tilespmem:$0x8200] =	vst v32  }
0x42: {  	[tilespmem:$0x8210] =	vst v32  }
0x43: {  	[tilespmem:$0x8220] =	vst v32  }
0x44: {  	[tilespmem:$0x8230] =	vst v32  }
0x45: {  	[tilespmem:$0x8240] =	vst v32  }
0x46: {  	[tilespmem:$0x8250] =	vst v32  }
0x47: {  	[tilespmem:$0x8260] =	vst v32  }
0x48: {  	[tilespmem:$0x8270] =	vst v32  }
0x49: {  	[tilespmem:$0x8280] =	vst v32  }
0x4a: {  	[tilespmem:$0x8290] =	vst v32  }
0x4b: {  	[tilespmem:$0x82A0] =	vst v32  }
0x4c: {  	[tilespmem:$0x82B0] =	vst v32  }
0x4d: {  	[tilespmem:$0x82C0] =	vst v32  }
0x4e: {  	[tilespmem:$0x82D0] =	vst v32  }
0x4f: {  	[tilespmem:$0x82E0] =	vst v32  }
0x50: {  	[tilespmem:$0x82F0] =	vst v32  }
0x51: {  	[tilespmem:$0x8300] =	vst v32  }
0x52: {  	[tilespmem:$0x8310] =	vst v32  }
0x53: {  	[tilespmem:$0x8320] =	vst v32  }
0x54: {  	[tilespmem:$0x8330] =	vst v32  }
0x55: {  	[tilespmem:$0x8340] =	vst v32  }
0x56: {  	[tilespmem:$0x8350] =	vst v32  }
0x57: {  	[tilespmem:$0x8360] =	vst v32  }
0x58: {  	[tilespmem:$0x8370] =	vst v32  }
0x59: {  	[tilespmem:$0x8380] =	vst v32  }
0x5a: {  	[tilespmem:$0x8390] =	vst v32  }
0x5b: {  	[tilespmem:$0x83A0] =	vst v32  }
0x5c: {  	[tilespmem:$0x83B0] =	vst v32  }
0x5d: {  	[tilespmem:$0x83C0] =	vst v32  }
0x5e: {  	[tilespmem:$0x83D0] =	vst v32  }
0x5f: {  	s8 =	sand.u32 $0x7000, s9;
	s9 =	sand.u32 $0x380, s9;
	[tilespmem:$0x83E0] =	vst v32  }
0x60: {  	s8 =	sor.u32 s9, s8;
	[tilespmem:$0x83F0] =	vst v32  }
0x61: {  	v1 =	vld [tilespmem:s8+$0x0];
	_ =	sdelay $0x4  }
0x62: {  	v1 =	vadd.f32 v1, v32;
	_ =	sdelay $0x1  }
0x63: {  	[tilespmem:$0x8200] =	vst v1  }
0x64: {  	v2 =	vld [tilespmem:s8+$0x10];
	_ =	sdelay $0x4  }
0x65: {  	v2 =	vadd.f32 v2, v32;
	_ =	sdelay $0x1  }
0x66: {  	[tilespmem:$0x8210] =	vst v2  }
0x67: {  	v3 =	vld [tilespmem:s8+$0x20];
	_ =	sdelay $0x4  }
0x68: {  	v3 =	vadd.f32 v3, v32;
	_ =	sdelay $0x1  }
0x69: {  	[tilespmem:$0x8220] =	vst v3  }
0x6a: {  	v4 =	vld [tilespmem:s8+$0x30];
	_ =	sdelay $0x4  }
0x6b: {  	v4 =	vadd.f32 v4, v32;
	_ =	sdelay $0x1  }
0x6c: {  	[tilespmem:$0x8230] =	vst v4  }
0x6d: {  	v5 =	vld [tilespmem:s8+$0x40];
	_ =	sdelay $0x4  }
0x6e: {  	v5 =	vadd.f32 v5, v32;
	_ =	sdelay $0x1  }
0x6f: {  	[tilespmem:$0x8240] =	vst v5  }
0x70: {  	v6 =	vld [tilespmem:s8+$0x50];
	_ =	sdelay $0x4  }
0x71: {  	v6 =	vadd.f32 v6, v32;
	_ =	sdelay $0x1  }
0x72: {  	[tilespmem:$0x8250] =	vst v6  }
0x73: {  	v7 =	vld [tilespmem:s8+$0x60];
	_ =	sdelay $0x4  }
0x74: {  	v7 =	vadd.f32 v7, v32;
	_ =	sdelay $0x1  }
0x75: {  	[tilespmem:$0x8260] =	vst v7  }
0x76: {  	v8 =	vld [tilespmem:s8+$0x70];
	_ =	sdelay $0x4  }
0x77: {  	v8 =	vadd.f32 v8, v32;
	_ =	sdelay $0x1  }
0x78: {  	[tilespmem:$0x8270] =	vst v8  }
0x79: {  	v9 =	vld [tilespmem:s8+$0x400];
	_ =	sdelay $0x4  }
0x7a: {  	v9 =	vadd.f32 v9, v32;
	_ =	sdelay $0x1  }
0x7b: {  	[tilespmem:$0x8280] =	vst v9  }
0x7c: {  	v10 =	vld [tilespmem:s8+$0x410];
	_ =	sdelay $0x4  }
0x7d: {  	v10 =	vadd.f32 v10, v32;
	_ =	sdelay $0x1  }
0x7e: {  	[tilespmem:$0x8290] =	vst v10  }
0x7f: {  	v11 =	vld [tilespmem:s8+$0x420];
	_ =	sdelay $0x4  }
0x80: {  	v11 =	vadd.f32 v11, v32;
	_ =	sdelay $0x1  }
0x81: {  	[tilespmem:$0x82A0] =	vst v11  }
0x82: {  	v12 =	vld [tilespmem:s8+$0x430];
	_ =	sdelay $0x4  }
0x83: {  	v12 =	vadd.f32 v12, v32;
	_ =	sdelay $0x1  }
0x84: {  	[tilespmem:$0x82B0] =	vst v12  }
0x85: {  	v13 =	vld [tilespmem:s8+$0x440];
	_ =	sdelay $0x4  }
0x86: {  	v13 =	vadd.f32 v13, v32;
	_ =	sdelay $0x1  }
0x87: {  	[tilespmem:$0x82C0] =	vst v13  }
0x88: {  	v14 =	vld [tilespmem:s8+$0x450];
	_ =	sdelay $0x4  }
0x89: {  	v14 =	vadd.f32 v14, v32;
	_ =	sdelay $0x1  }
0x8a: {  	[tilespmem:$0x82D0] =	vst v14  }
0x8b: {  	v15 =	vld [tilespmem:s8+$0x460];
	_ =	sdelay $0x4  }
0x8c: {  	v15 =	vadd.f32 v15, v32;
	_ =	sdelay $0x1  }
0x8d: {  	[tilespmem:$0x82E0] =	vst v15  }
0x8e: {  	v16 =	vld [tilespmem:s8+$0x470];
	_ =	sdelay $0x4  }
0x8f: {  	v16 =	vadd.f32 v16, v32;
	_ =	sdelay $0x1  }
0x90: {  	[tilespmem:$0x82F0] =	vst v16  }
0x91: {  	v17 =	vld [tilespmem:s8+$0x800];
	_ =	sdelay $0x4  }
0x92: {  	v17 =	vadd.f32 v17, v32;
	_ =	sdelay $0x1  }
0x93: {  	[tilespmem:$0x8300] =	vst v17  }
0x94: {  	v18 =	vld [tilespmem:s8+$0x810];
	_ =	sdelay $0x4  }
0x95: {  	v18 =	vadd.f32 v18, v32;
	_ =	sdelay $0x1  }
0x96: {  	[tilespmem:$0x8310] =	vst v18  }
0x97: {  	v19 =	vld [tilespmem:s8+$0x820];
	_ =	sdelay $0x4  }
0x98: {  	v19 =	vadd.f32 v19, v32;
	_ =	sdelay $0x1  }
0x99: {  	[tilespmem:$0x8320] =	vst v19  }
0x9a: {  	v20 =	vld [tilespmem:s8+$0x830];
	_ =	sdelay $0x4  }
0x9b: {  	v20 =	vadd.f32 v20, v32;
	_ =	sdelay $0x1  }
0x9c: {  	[tilespmem:$0x8330] =	vst v20  }
0x9d: {  	v21 =	vld [tilespmem:s8+$0x840];
	_ =	sdelay $0x4  }
0x9e: {  	v21 =	vadd.f32 v21, v32;
	_ =	sdelay $0x1  }
0x9f: {  	[tilespmem:$0x8340] =	vst v21  }
0xa0: {  	v22 =	vld [tilespmem:s8+$0x850];
	_ =	sdelay $0x4  }
0xa1: {  	v22 =	vadd.f32 v22, v32;
	_ =	sdelay $0x1  }
0xa2: {  	[tilespmem:$0x8350] =	vst v22  }
0xa3: {  	v23 =	vld [tilespmem:s8+$0x860];
	_ =	sdelay $0x4  }
0xa4: {  	v23 =	vadd.f32 v23, v32;
	_ =	sdelay $0x1  }
0xa5: {  	[tilespmem:$0x8360] =	vst v23  }
0xa6: {  	v24 =	vld [tilespmem:s8+$0x870];
	_ =	sdelay $0x4  }
0xa7: {  	v24 =	vadd.f32 v24, v32;
	_ =	sdelay $0x1  }
0xa8: {  	[tilespmem:$0x8370] =	vst v24  }
0xa9: {  	v25 =	vld [tilespmem:s8+$0xC00];
	_ =	sdelay $0x4  }
0xaa: {  	v25 =	vadd.f32 v25, v32;
	_ =	sdelay $0x1  }
0xab: {  	[tilespmem:$0x8380] =	vst v25  }
0xac: {  	v26 =	vld [tilespmem:s8+$0xC10];
	_ =	sdelay $0x4  }
0xad: {  	v26 =	vadd.f32 v26, v32;
	_ =	sdelay $0x1  }
0xae: {  	[tilespmem:$0x8390] =	vst v26  }
0xaf: {  	v27 =	vld [tilespmem:s8+$0xC20];
	_ =	sdelay $0x4  }
0xb0: {  	v27 =	vadd.f32 v27, v32;
	_ =	sdelay $0x1  }
0xb1: {  	[tilespmem:$0x83A0] =	vst v27  }
0xb2: {  	v28 =	vld [tilespmem:s8+$0xC30];
	_ =	sdelay $0x4  }
0xb3: {  	v28 =	vadd.f32 v28, v32;
	_ =	sdelay $0x1  }
0xb4: {  	[tilespmem:$0x83B0] =	vst v28  }
0xb5: {  	v29 =	vld [tilespmem:s8+$0xC40];
	_ =	sdelay $0x4  }
0xb6: {  	v29 =	vadd.f32 v29, v32;
	_ =	sdelay $0x1  }
0xb7: {  	[tilespmem:$0x83C0] =	vst v29  }
0xb8: {  	v30 =	vld [tilespmem:s8+$0xC50];
	_ =	sdelay $0x4  }
0xb9: {  	v30 =	vadd.f32 v30, v32;
	_ =	sdelay $0x1  }
0xba: {  	[tilespmem:$0x83D0] =	vst v30  }
0xbb: {  	v31 =	vld [tilespmem:s8+$0xC60];
	_ =	sdelay $0x4  }
0xbc: {  	v31 =	vadd.f32 v31, v32;
	_ =	sdelay $0x1  }
0xbd: {  	[tilespmem:$0x83E0] =	vst v31  }
0xbe: {  	v33 =	vld [tilespmem:s8+$0xC70];
	_ =	sdelay $0x4  }
0xbf: {  	s29 =	simm.s32 $0x80;
	s9 =	simm.s32 $0x200;
	v32 =	vadd.f32 v33, v32  }
0xc0: {  	s30 =	simm.s32 $0x400;
	s8 =	sand.u32 $0x7000, s9;
	s9 =	sand.u32 $0x380, s29  }
.LBB2_3:
0xc1: {  	p1 =	sne.s32 s30, $0x7E00;
	s8 =	sor.u32 s9, s8;
	[tilespmem:$0x83F0] =	vst v32  }
0xc2: {  	v33 =	vld [tilespmem:s8+$0x0];
	_ =	sdelay $0x4  }
0xc3: {  	v1 =	vadd.f32 v33, v1;
	_ =	sdelay $0x1  }
0xc4: {  	[tilespmem:$0x8200] =	vst v1  }
0xc5: {  	v33 =	vld [tilespmem:s8+$0x10];
	_ =	sdelay $0x4  }
0xc6: {  	v2 =	vadd.f32 v33, v2;
	_ =	sdelay $0x1  }
0xc7: {  	[tilespmem:$0x8210] =	vst v2  }
0xc8: {  	v33 =	vld [tilespmem:s8+$0x20];
	_ =	sdelay $0x4  }
0xc9: {  	v3 =	vadd.f32 v33, v3;
	_ =	sdelay $0x1  }
0xca: {  	[tilespmem:$0x8220] =	vst v3  }
0xcb: {  	v33 =	vld [tilespmem:s8+$0x30];
	_ =	sdelay $0x4  }
0xcc: {  	v4 =	vadd.f32 v33, v4;
	_ =	sdelay $0x1  }
0xcd: {  	[tilespmem:$0x8230] =	vst v4  }
0xce: {  	v33 =	vld [tilespmem:s8+$0x40];
	_ =	sdelay $0x4  }
0xcf: {  	v5 =	vadd.f32 v33, v5;
	_ =	sdelay $0x1  }
0xd0: {  	[tilespmem:$0x8240] =	vst v5  }
0xd1: {  	v33 =	vld [tilespmem:s8+$0x50];
	_ =	sdelay $0x4  }
0xd2: {  	v6 =	vadd.f32 v33, v6;
	_ =	sdelay $0x1  }
0xd3: {  	[tilespmem:$0x8250] =	vst v6  }
0xd4: {  	v33 =	vld [tilespmem:s8+$0x60];
	_ =	sdelay $0x4  }
0xd5: {  	v7 =	vadd.f32 v33, v7;
	_ =	sdelay $0x1  }
0xd6: {  	[tilespmem:$0x8260] =	vst v7  }
0xd7: {  	v33 =	vld [tilespmem:s8+$0x70];
	_ =	sdelay $0x4  }
0xd8: {  	v8 =	vadd.f32 v33, v8;
	_ =	sdelay $0x1  }
0xd9: {  	[tilespmem:$0x8270] =	vst v8  }
0xda: {  	v33 =	vld [tilespmem:s8+$0x400];
	_ =	sdelay $0x4  }
0xdb: {  	v9 =	vadd.f32 v33, v9;
	_ =	sdelay $0x1  }
0xdc: {  	[tilespmem:$0x8280] =	vst v9  }
0xdd: {  	v33 =	vld [tilespmem:s8+$0x410];
	_ =	sdelay $0x4  }
0xde: {  	v10 =	vadd.f32 v33, v10;
	_ =	sdelay $0x1  }
0xdf: {  	[tilespmem:$0x8290] =	vst v10  }
0xe0: {  	v33 =	vld [tilespmem:s8+$0x420];
	_ =	sdelay $0x4  }
0xe1: {  	v11 =	vadd.f32 v33, v11;
	_ =	sdelay $0x1  }
0xe2: {  	[tilespmem:$0x82A0] =	vst v11  }
0xe3: {  	v33 =	vld [tilespmem:s8+$0x430];
	_ =	sdelay $0x4  }
0xe4: {  	v12 =	vadd.f32 v33, v12;
	_ =	sdelay $0x1  }
0xe5: {  	[tilespmem:$0x82B0] =	vst v12  }
0xe6: {  	v33 =	vld [tilespmem:s8+$0x440];
	_ =	sdelay $0x4  }
0xe7: {  	v13 =	vadd.f32 v33, v13;
	_ =	sdelay $0x1  }
0xe8: {  	[tilespmem:$0x82C0] =	vst v13  }
0xe9: {  	v33 =	vld [tilespmem:s8+$0x450];
	_ =	sdelay $0x4  }
0xea: {  	v14 =	vadd.f32 v33, v14;
	_ =	sdelay $0x1  }
0xeb: {  	[tilespmem:$0x82D0] =	vst v14  }
0xec: {  	v33 =	vld [tilespmem:s8+$0x460];
	_ =	sdelay $0x4  }
0xed: {  	v15 =	vadd.f32 v33, v15;
	_ =	sdelay $0x1  }
0xee: {  	[tilespmem:$0x82E0] =	vst v15  }
0xef: {  	v33 =	vld [tilespmem:s8+$0x470];
	_ =	sdelay $0x4  }
0xf0: {  	v16 =	vadd.f32 v33, v16;
	_ =	sdelay $0x1  }
0xf1: {  	[tilespmem:$0x82F0] =	vst v16  }
0xf2: {  	v33 =	vld [tilespmem:s8+$0x800];
	_ =	sdelay $0x4  }
0xf3: {  	v17 =	vadd.f32 v33, v17;
	_ =	sdelay $0x1  }
0xf4: {  	[tilespmem:$0x8300] =	vst v17  }
0xf5: {  	v33 =	vld [tilespmem:s8+$0x810];
	_ =	sdelay $0x4  }
0xf6: {  	v18 =	vadd.f32 v33, v18;
	_ =	sdelay $0x1  }
0xf7: {  	[tilespmem:$0x8310] =	vst v18  }
0xf8: {  	v33 =	vld [tilespmem:s8+$0x820];
	_ =	sdelay $0x4  }
0xf9: {  	v19 =	vadd.f32 v33, v19;
	_ =	sdelay $0x1  }
0xfa: {  	[tilespmem:$0x8320] =	vst v19  }
0xfb: {  	v33 =	vld [tilespmem:s8+$0x830];
	_ =	sdelay $0x4  }
0xfc: {  	v20 =	vadd.f32 v33, v20;
	_ =	sdelay $0x1  }
0xfd: {  	[tilespmem:$0x8330] =	vst v20  }
0xfe: {  	v33 =	vld [tilespmem:s8+$0x840];
	_ =	sdelay $0x4  }
0xff: {  	v21 =	vadd.f32 v33, v21;
	_ =	sdelay $0x1  }
0x100: {  	[tilespmem:$0x8340] =	vst v21  }
0x101: {  	v33 =	vld [tilespmem:s8+$0x850];
	_ =	sdelay $0x4  }
0x102: {  	v22 =	vadd.f32 v33, v22;
	_ =	sdelay $0x1  }
0x103: {  	[tilespmem:$0x8350] =	vst v22  }
0x104: {  	v33 =	vld [tilespmem:s8+$0x860];
	_ =	sdelay $0x4  }
0x105: {  	v23 =	vadd.f32 v33, v23;
	_ =	sdelay $0x1  }
0x106: {  	[tilespmem:$0x8360] =	vst v23  }
0x107: {  	v33 =	vld [tilespmem:s8+$0x870];
	_ =	sdelay $0x4  }
0x108: {  	v24 =	vadd.f32 v33, v24;
	_ =	sdelay $0x1  }
0x109: {  	[tilespmem:$0x8370] =	vst v24  }
0x10a: {  	v33 =	vld [tilespmem:s8+$0xC00];
	_ =	sdelay $0x4  }
0x10b: {  	v25 =	vadd.f32 v33, v25;
	_ =	sdelay $0x1  }
0x10c: {  	[tilespmem:$0x8380] =	vst v25  }
0x10d: {  	v33 =	vld [tilespmem:s8+$0xC10];
	_ =	sdelay $0x4  }
0x10e: {  	v26 =	vadd.f32 v33, v26;
	_ =	sdelay $0x1  }
0x10f: {  	[tilespmem:$0x8390] =	vst v26  }
0x110: {  	v33 =	vld [tilespmem:s8+$0xC20];
	_ =	sdelay $0x4  }
0x111: {  	v27 =	vadd.f32 v33, v27;
	_ =	sdelay $0x1  }
0x112: {  	[tilespmem:$0x83A0] =	vst v27  }
0x113: {  	v33 =	vld [tilespmem:s8+$0xC30];
	_ =	sdelay $0x4  }
0x114: {  	v28 =	vadd.f32 v33, v28;
	_ =	sdelay $0x1  }
0x115: {  	[tilespmem:$0x83B0] =	vst v28  }
0x116: {  	v33 =	vld [tilespmem:s8+$0xC40];
	_ =	sdelay $0x4  }
0x117: {  	v29 =	vadd.f32 v33, v29;
	_ =	sdelay $0x1  }
0x118: {  	[tilespmem:$0x83C0] =	vst v29  }
0x119: {  	v33 =	vld [tilespmem:s8+$0xC50];
	_ =	sdelay $0x4  }
0x11a: {  	v30 =	vadd.f32 v33, v30;
	_ =	sdelay $0x1  }
0x11b: {  	[tilespmem:$0x83D0] =	vst v30  }
0x11c: {  	v33 =	vld [tilespmem:s8+$0xC60];
	_ =	sdelay $0x4  }
0x11d: {  	v31 =	vadd.f32 v33, v31;
	_ =	sdelay $0x1  }
0x11e: {  	[tilespmem:$0x83E0] =	vst v31  }
0x11f: {  	v33 =	vld [tilespmem:s8+$0xC70];
	_ =	sdelay $0x1  }
.Ltmp2:
0x120: {  	(pc) =	sbr.rel @p1 .LBB2_3-.Ltmp2, $3  }
0x121: {  	_ =	sdelay $0x1  }
0x122: {  	s29 =	sadd.s32 $0x80, s29;
	v32 =	vadd.f32 v33, v32  }
0x123: {  	s9 =	sand.u32 $0x380, s29;
	s8 =	sand.u32 $0x7000, s30;
	s30 =	sadd.s32 $0x200, s30  }
0x124: {  	s8 =	sor.u32 s9, s8;
	[tilespmem:$0x83F0] =	vst v32  }
0x125: {  	v33 =	vld [tilespmem:s8+$0x0];
	_ =	sdelay $0x4  }
0x126: {  	v1 =	vadd.f32 v33, v1;
	_ =	sdelay $0x1  }
0x127: {  	[tilespmem:$0x8200] =	vst v1  }
0x128: {  	v1 =	vld [tilespmem:s8+$0x10];
	_ =	sdelay $0x4  }
0x129: {  	v1 =	vadd.f32 v1, v2;
	_ =	sdelay $0x1  }
0x12a: {  	[tilespmem:$0x8210] =	vst v1  }
0x12b: {  	v1 =	vld [tilespmem:s8+$0x20];
	_ =	sdelay $0x4  }
0x12c: {  	v1 =	vadd.f32 v1, v3;
	_ =	sdelay $0x1  }
0x12d: {  	[tilespmem:$0x8220] =	vst v1  }
0x12e: {  	v1 =	vld [tilespmem:s8+$0x30];
	_ =	sdelay $0x4  }
0x12f: {  	v1 =	vadd.f32 v1, v4;
	_ =	sdelay $0x1  }
0x130: {  	[tilespmem:$0x8230] =	vst v1  }
0x131: {  	v1 =	vld [tilespmem:s8+$0x40];
	_ =	sdelay $0x4  }
0x132: {  	v1 =	vadd.f32 v1, v5;
	_ =	sdelay $0x1  }
0x133: {  	[tilespmem:$0x8240] =	vst v1  }
0x134: {  	v1 =	vld [tilespmem:s8+$0x50];
	_ =	sdelay $0x4  }
0x135: {  	v1 =	vadd.f32 v1, v6;
	_ =	sdelay $0x1  }
0x136: {  	[tilespmem:$0x8250] =	vst v1  }
0x137: {  	v1 =	vld [tilespmem:s8+$0x60];
	_ =	sdelay $0x4  }
0x138: {  	v1 =	vadd.f32 v1, v7;
	_ =	sdelay $0x1  }
0x139: {  	[tilespmem:$0x8260] =	vst v1  }
0x13a: {  	v1 =	vld [tilespmem:s8+$0x70];
	_ =	sdelay $0x4  }
0x13b: {  	v1 =	vadd.f32 v1, v8;
	_ =	sdelay $0x1  }
0x13c: {  	[tilespmem:$0x8270] =	vst v1  }
0x13d: {  	v1 =	vld [tilespmem:s8+$0x400];
	_ =	sdelay $0x4  }
0x13e: {  	v1 =	vadd.f32 v1, v9;
	_ =	sdelay $0x1  }
0x13f: {  	[tilespmem:$0x8280] =	vst v1  }
0x140: {  	v1 =	vld [tilespmem:s8+$0x410];
	_ =	sdelay $0x4  }
0x141: {  	v1 =	vadd.f32 v1, v10;
	_ =	sdelay $0x1  }
0x142: {  	[tilespmem:$0x8290] =	vst v1  }
0x143: {  	v1 =	vld [tilespmem:s8+$0x420];
	_ =	sdelay $0x4  }
0x144: {  	v1 =	vadd.f32 v1, v11;
	_ =	sdelay $0x1  }
0x145: {  	[tilespmem:$0x82A0] =	vst v1  }
0x146: {  	v1 =	vld [tilespmem:s8+$0x430];
	_ =	sdelay $0x4  }
0x147: {  	v1 =	vadd.f32 v1, v12;
	_ =	sdelay $0x1  }
0x148: {  	[tilespmem:$0x82B0] =	vst v1  }
0x149: {  	v1 =	vld [tilespmem:s8+$0x440];
	_ =	sdelay $0x4  }
0x14a: {  	v1 =	vadd.f32 v1, v13;
	_ =	sdelay $0x1  }
0x14b: {  	[tilespmem:$0x82C0] =	vst v1  }
0x14c: {  	v1 =	vld [tilespmem:s8+$0x450];
	_ =	sdelay $0x4  }
0x14d: {  	v1 =	vadd.f32 v1, v14;
	_ =	sdelay $0x1  }
0x14e: {  	[tilespmem:$0x82D0] =	vst v1  }
0x14f: {  	v1 =	vld [tilespmem:s8+$0x460];
	_ =	sdelay $0x4  }
0x150: {  	v1 =	vadd.f32 v1, v15;
	_ =	sdelay $0x1  }
0x151: {  	[tilespmem:$0x82E0] =	vst v1  }
0x152: {  	v1 =	vld [tilespmem:s8+$0x470];
	_ =	sdelay $0x4  }
0x153: {  	v1 =	vadd.f32 v1, v16;
	_ =	sdelay $0x1  }
0x154: {  	[tilespmem:$0x82F0] =	vst v1  }
0x155: {  	v1 =	vld [tilespmem:s8+$0x800];
	_ =	sdelay $0x4  }
0x156: {  	v1 =	vadd.f32 v1, v17;
	_ =	sdelay $0x1  }
0x157: {  	[tilespmem:$0x8300] =	vst v1  }
0x158: {  	v1 =	vld [tilespmem:s8+$0x810];
	_ =	sdelay $0x4  }
0x159: {  	v1 =	vadd.f32 v1, v18;
	_ =	sdelay $0x1  }
0x15a: {  	[tilespmem:$0x8310] =	vst v1  }
0x15b: {  	v1 =	vld [tilespmem:s8+$0x820];
	_ =	sdelay $0x4  }
0x15c: {  	v1 =	vadd.f32 v1, v19;
	_ =	sdelay $0x1  }
0x15d: {  	[tilespmem:$0x8320] =	vst v1  }
0x15e: {  	v1 =	vld [tilespmem:s8+$0x830];
	_ =	sdelay $0x4  }
0x15f: {  	v1 =	vadd.f32 v1, v20;
	_ =	sdelay $0x1  }
0x160: {  	[tilespmem:$0x8330] =	vst v1  }
0x161: {  	v1 =	vld [tilespmem:s8+$0x840];
	_ =	sdelay $0x4  }
0x162: {  	v1 =	vadd.f32 v1, v21;
	_ =	sdelay $0x1  }
0x163: {  	[tilespmem:$0x8340] =	vst v1  }
0x164: {  	v1 =	vld [tilespmem:s8+$0x850];
	_ =	sdelay $0x4  }
0x165: {  	v1 =	vadd.f32 v1, v22;
	_ =	sdelay $0x1  }
0x166: {  	[tilespmem:$0x8350] =	vst v1  }
0x167: {  	v1 =	vld [tilespmem:s8+$0x860];
	_ =	sdelay $0x4  }
0x168: {  	v1 =	vadd.f32 v1, v23;
	_ =	sdelay $0x1  }
0x169: {  	[tilespmem:$0x8360] =	vst v1  }
0x16a: {  	v1 =	vld [tilespmem:s8+$0x870];
	_ =	sdelay $0x4  }
0x16b: {  	v1 =	vadd.f32 v1, v24;
	_ =	sdelay $0x1  }
0x16c: {  	[tilespmem:$0x8370] =	vst v1  }
0x16d: {  	v1 =	vld [tilespmem:s8+$0xC00];
	_ =	sdelay $0x4  }
0x16e: {  	v1 =	vadd.f32 v1, v25;
	_ =	sdelay $0x1  }
0x16f: {  	[tilespmem:$0x8380] =	vst v1  }
0x170: {  	v1 =	vld [tilespmem:s8+$0xC10];
	_ =	sdelay $0x4  }
0x171: {  	v1 =	vadd.f32 v1, v26;
	_ =	sdelay $0x1  }
0x172: {  	[tilespmem:$0x8390] =	vst v1  }
0x173: {  	v1 =	vld [tilespmem:s8+$0xC20];
	_ =	sdelay $0x4  }
0x174: {  	v1 =	vadd.f32 v1, v27;
	_ =	sdelay $0x1  }
0x175: {  	[tilespmem:$0x83A0] =	vst v1  }
0x176: {  	v1 =	vld [tilespmem:s8+$0xC30];
	_ =	sdelay $0x4  }
0x177: {  	v1 =	vadd.f32 v1, v28;
	_ =	sdelay $0x1  }
0x178: {  	[tilespmem:$0x83B0] =	vst v1  }
0x179: {  	v1 =	vld [tilespmem:s8+$0xC40];
	_ =	sdelay $0x4  }
0x17a: {  	v1 =	vadd.f32 v1, v29;
	_ =	sdelay $0x1  }
0x17b: {  	[tilespmem:$0x83C0] =	vst v1  }
0x17c: {  	v1 =	vld [tilespmem:s8+$0xC50];
	_ =	sdelay $0x4  }
0x17d: {  	v1 =	vadd.f32 v1, v30;
	_ =	sdelay $0x1  }
0x17e: {  	[tilespmem:$0x83D0] =	vst v1  }
0x17f: {  	v1 =	vld [tilespmem:s8+$0xC60];
	_ =	sdelay $0x4  }
0x180: {  	v1 =	vadd.f32 v1, v31;
	_ =	sdelay $0x1  }
0x181: {  	[tilespmem:$0x83E0] =	vst v1  }
0x182: {  	v1 =	vld [tilespmem:s8+$0xC70];
	_ =	sdelay $0x4  }
0x183: {  	v1 =	vadd.f32 v1, v32;
	_ =	sdelay $0x1  }
0x184: {  	s31 =	sadd.s32 s2, s31;
	[tilespmem:$0x83F0] =	vst v1  }
0x185: {  	[hbm4b:s31+s25] =	stream.strided.scatter [tilespmem:s4], [sflag:$0x1], $0x8000, s26, s25, $0x38;
	[tilespmem:$0x9000] =	vst v63  }
0x186: {  	_ =	swait.ge [sflag:s28], $0x8000  }
0x187: {  	[sflag:s28] =	ssyncset.done $0x0  }
0x188: {  	[sflag:s28] =	ssyncadd.s32 $0xFFFF8000  }
0x189: {  	v1 =	vld [tilespmem:$0x8400]  }
0x18a: {  	v2 =	vld [tilespmem:$0x8200]  }
0x18b: {  	v3 =	vld [tilespmem:$0x8410]  }
0x18c: {  	v60 =	vld [tilespmem:$0x8210]  }
0x18d: {  	v61 =	vld [tilespmem:$0x8420]  }
0x18e: {  	v62 =	vld [tilespmem:$0x8220]  }
0x18f: {  	v63 =	vld [tilespmem:$0x8430]  }
0x190: {  	v20 =	vld [tilespmem:$0x8230]  }
0x191: {  	v21 =	vld [tilespmem:$0x8440]  }
0x192: {  	v22 =	vld [tilespmem:$0x8240]  }
0x193: {  	v23 =	vld [tilespmem:$0x8450]  }
0x194: {  	v24 =	vld [tilespmem:$0x8250]  }
0x195: {  	v25 =	vld [tilespmem:$0x8460]  }
0x196: {  	v26 =	vld [tilespmem:$0x8260]  }
0x197: {  	v27 =	vld [tilespmem:$0x8270];
	vm0 =	vlt.f32 v2, $0.0e+00  }
0x198: {  	v34 =	vld [tilespmem:$0x8290];
	vm1 =	vgt.f32 v2, $0.0e+00;
	vm4 =	vlt.f32 v60, $0.0e+00;
	vm2 =	vgt.f32 v60, $0.0e+00  }
0x199: {  	v29 =	vld [tilespmem:$0x8480];
	vm6 =	vlt.f32 v62, $0.0e+00;
	vm7 =	vgt.f32 v62, $0.0e+00;
	vm8 =	vlt.f32 v20, $0.0e+00  }
0x19a: {  	v31 =	vld [tilespmem:$0x8280];
	vm9 =	vgt.f32 v20, $0.0e+00;
	vm10 =	vlt.f32 v22, $0.0e+00;
	vm11 =	vgt.f32 v22, $0.0e+00  }
0x19b: {  	v37 =	vld [tilespmem:$0x82A0];
	vm13 =	vlt.f32 v24, $0.0e+00;
	vm14 =	vgt.f32 v24, $0.0e+00;
	vm15 =	vlt.f32 v26, $0.0e+00  }
0x19c: {  	v32 =	vld [tilespmem:$0x8490];
	vm0 =	vmor vm1, vm0;
	vm5 =	vmor vm2, vm4;
	vm12 =	vmor vm11, vm10  }
0x19d: {  	v35 =	vld [tilespmem:$0x84A0];
	vm4 =	vgt.f32 v26, $0.0e+00;
	vm10 =	vlt.f32 v34, $0.0e+00;
	vm11 =	vgt.f32 v34, $0.0e+00  }
0x19e: {  	v43 =	vld [tilespmem:$0x82C0];
	v28 =	vsel vm0, $0x1, v0;
	v30 =	vsel vm5, $0x1, v0;
	vm0 =	vmor vm7, vm6  }
0x19f: {  	v39 =	vld [tilespmem:$0x84B0];
	v38 =	vsel vm12, $0x1, v0;
	vm5 =	vlt.f32 v27, $0.0e+00;
	vm6 =	vgt.f32 v27, $0.0e+00  }
0x1a0: {  	v47 =	vld [tilespmem:$0x82D0];
	vm12 =	vlt.f32 v37, $0.0e+00;
	v1 =	vadd.s32 v28, v1;
	v3 =	vadd.s32 v30, v3  }
0x1a1: {  	v2 =	vld [tilespmem:$0x8470];
	v33 =	vsel vm0, $0x1, v0;
	vm0 =	vmor vm9, vm8;
	v9 =	vadd.s32 v38, v21  }
0x1a2: {  	v40 =	vld [tilespmem:$0x82B0];
	vm7 =	vmor vm6, vm5;
	vm8 =	vlt.f32 v31, $0.0e+00;
	vm9 =	vgt.f32 v31, $0.0e+00  }
0x1a3: {  	v53 =	vld [tilespmem:$0x82F0];
	vm5 =	vlt.f32 v43, $0.0e+00;
	vm6 =	vgt.f32 v43, $0.0e+00;
	v5 =	vadd.s32 v33, v61  }
0x1a4: {  	v42 =	vld [tilespmem:$0x84C0];
	v36 =	vsel vm0, $0x1, v0;
	vm0 =	vmor vm14, vm13;
	v46 =	vsel vm7, $0x1, v0  }
0x1a5: {  	v56 =	vld [tilespmem:$0x8300];
	vm13 =	vgt.f32 v37, $0.0e+00;
	vm7 =	vlt.f32 v47, $0.0e+00;
	v7 =	vadd.s32 v36, v63  }
0x1a6: {  	v45 =	vld [tilespmem:$0x84D0];
	v41 =	vsel vm0, $0x1, v0;
	vm0 =	vmor vm4, vm15;
	v2 =	vadd.s32 v46, v2  }
0x1a7: {  	v50 =	vld [tilespmem:$0x82E0];
	vm14 =	vmor vm13, vm12;
	vm15 =	vlt.f32 v40, $0.0e+00;
	vm4 =	vgt.f32 v40, $0.0e+00  }
0x1a8: {  	v48 =	vld [tilespmem:$0x84E0];
	vm12 =	vlt.f32 v53, $0.0e+00;
	vm13 =	vgt.f32 v53, $0.0e+00;
	v11 =	vadd.s32 v41, v23  }
0x1a9: {  	v27 =	vld [tilespmem:$0x8330];
	v44 =	vsel vm0, $0x1, v0;
	vm0 =	vmor vm9, vm8;
	v54 =	vsel vm14, $0x1, v0  }
0x1aa: {  	v51 =	vld [tilespmem:$0x84F0];
	vm8 =	vgt.f32 v47, $0.0e+00;
	vm14 =	vlt.f32 v56, $0.0e+00;
	v13 =	vadd.s32 v44, v25  }
0x1ab: {  	v59 =	vld [tilespmem:$0x8310];
	v49 =	vsel vm0, $0x1, v0;
	vm0 =	vmor vm11, vm10;
	v10 =	vadd.s32 v54, v35  }
0x1ac: {  	v33 =	vld [tilespmem:$0x8350];
	vm9 =	vmor vm8, vm7;
	vm10 =	vlt.f32 v50, $0.0e+00;
	vm11 =	vgt.f32 v50, $0.0e+00  }
0x1ad: {  	v55 =	vld [tilespmem:$0x8500];
	v16 =	vadd.s32 v49, v29;
	v52 =	vsel vm0, $0x1, v0;
	vm0 =	vmor vm4, vm15  }
0x1ae: {  	v63 =	vld [tilespmem:$0x8320];
	v62 =	vsel vm9, $0x1, v0;
	vm15 =	vgt.f32 v56, $0.0e+00;
	vm9 =	vlt.f32 v27, $0.0e+00  }
0x1af: {  	v58 =	vld [tilespmem:$0x8510];
	[tilespmem:$0x8400] =	vst v1;
	v15 =	vadd.s32 v52, v32;
	v57 =	vsel vm0, $0x1, v0;
	vm0 =	vmor vm6, vm5  }
0x1b0: {  	v30 =	vld [tilespmem:$0x8340];
	[tilespmem:$0x8410] =	vst v3;
	v25 =	vadd.s32 v62, v45;
	vm4 =	vmor vm15, vm14;
	vm5 =	vlt.f32 v59, $0.0e+00  }
0x1b1: {  	[tilespmem:$0x8470] =	vst v2;
	v2 =	vld [tilespmem:$0x8360];
	vm6 =	vgt.f32 v59, $0.0e+00;
	vm14 =	vlt.f32 v33, $0.0e+00;
	vm15 =	vgt.f32 v33, $0.0e+00  }
0x1b2: {  	v26 =	vld [tilespmem:$0x8530];
	[tilespmem:$0x8440] =	vst v9;
	v12 =	vadd.s32 v57, v39;
	v60 =	vsel vm0, $0x1, v0;
	vm0 =	vmor vm11, vm10  }
0x1b3: {  	[tilespmem:$0x8420] =	vst v5;
	v44 =	vld [tilespmem:$0x8380];
	v31 =	vsel vm4, $0x1, v0;
	vm7 =	vlt.f32 v63, $0.0e+00;
	vm8 =	vgt.f32 v63, $0.0e+00  }
0x1b4: {  	v28 =	vld [tilespmem:$0x8540];
	[tilespmem:$0x8430] =	vst v7;
	vm10 =	vgt.f32 v27, $0.0e+00;
	v1 =	vadd.s32 v60, v42;
	v3 =	vsel vm0, $0x1, v0  }
0x1b5: {  	v61 =	vld [tilespmem:$0x8520];
	[tilespmem:$0x8450] =	vst v11;
	vm0 =	vmor vm13, vm12;
	v9 =	vadd.s32 v31, v55;
	vm11 =	vmor vm10, vm9  }
0x1b6: {  	v50 =	vld [tilespmem:$0x83B0];
	[tilespmem:$0x8460] =	vst v13;
	vm12 =	vlt.f32 v30, $0.0e+00;
	vm13 =	vgt.f32 v30, $0.0e+00;
	vm4 =	vlt.f32 v2, $0.0e+00  }
0x1b7: {  	v37 =	vld [tilespmem:$0x8570];
	[tilespmem:$0x84A0] =	vst v10;
	v3 =	vadd.s32 v3, v48;
	v29 =	vsel vm0, $0x1, v0;
	vm0 =	vmor vm6, vm5  }
0x1b8: {  	v35 =	vld [tilespmem:$0x8560];
	[tilespmem:$0x8480] =	vst v16;
	v38 =	vsel vm11, $0x1, v0;
	vm5 =	vgt.f32 v2, $0.0e+00;
	vm9 =	vlt.f32 v44, $0.0e+00  }
0x1b9: {  	[tilespmem:$0x8490] =	vst v15;
	v39 =	vld [tilespmem:$0x8370];
	vm10 =	vgt.f32 v44, $0.0e+00;
	v7 =	vadd.s32 v29, v51;
	v34 =	vsel vm0, $0x1, v0  }
0x1ba: {  	v47 =	vld [tilespmem:$0x83A0];
	[tilespmem:$0x84D0] =	vst v25;
	vm0 =	vmor vm8, vm7;
	v41 =	vadd.s32 v38, v26;
	vm6 =	vmor vm5, vm4  }
0x1bb: {  	[tilespmem:$0x84C0] =	vst v1;
	v1 =	vld [tilespmem:$0x8390];
	vm4 =	vlt.f32 v50, $0.0e+00;
	vm5 =	vgt.f32 v50, $0.0e+00;
	v4 =	vadd.s32 v34, v58  }
0x1bc: {  	v32 =	vld [tilespmem:$0x8550];
	[tilespmem:$0x84E0] =	vst v3;
	v36 =	vsel vm0, $0x1, v0;
	vm0 =	vmor vm13, vm12;
	v3 =	vsel vm6, $0x1, v0  }
0x1bd: {  	[tilespmem:$0x84B0] =	vst v12;
	v55 =	vld [tilespmem:$0x83D0];
	v40 =	vadd.s32 v36, v61;
	v43 =	vsel vm0, $0x1, v0;
	vm0 =	vmor vm15, vm14  }
0x1be: {  	v46 =	vld [tilespmem:$0x8590];
	[tilespmem:$0x8500] =	vst v9;
	vm7 =	vlt.f32 v39, $0.0e+00;
	vm8 =	vgt.f32 v39, $0.0e+00;
	v3 =	vadd.s32 v3, v35  }
0x1bf: {  	v59 =	vld [tilespmem:$0x83E0];
	[tilespmem:$0x84F0] =	vst v7;
	vm14 =	vlt.f32 v47, $0.0e+00;
	vm15 =	vgt.f32 v47, $0.0e+00;
	v45 =	vsel vm0, $0x1, v0  }
0x1c0: {  	[tilespmem:$0x8530] =	vst v41;
	vm0 =	vmor vm8, vm7;
	vm11 =	vlt.f32 v1, $0.0e+00;
	vm12 =	vgt.f32 v1, $0.0e+00;
	v1 =	vld [tilespmem:$0x83C0]  }
0x1c1: {  	v42 =	vld [tilespmem:$0x8580];
	[tilespmem:$0x8510] =	vst v4;
	v2 =	vadd.s32 v43, v28;
	v5 =	vadd.s32 v45, v32;
	v49 =	vsel vm0, $0x1, v0  }
0x1c2: {  	v48 =	vld [tilespmem:$0x85A0];
	[tilespmem:$0x8520] =	vst v40;
	vm0 =	vmor vm10, vm9;
	vm9 =	vlt.f32 v55, $0.0e+00;
	vm10 =	vgt.f32 v55, $0.0e+00  }
0x1c3: {  	v53 =	vld [tilespmem:$0x85B0];
	[tilespmem:$0x8560] =	vst v3;
	v51 =	vadd.s32 v49, v37;
	v52 =	vsel vm0, $0x1, v0;
	vm13 =	vmor vm12, vm11  }
0x1c4: {  	v57 =	vld [tilespmem:$0x85C0];
	[tilespmem:$0x8540] =	vst v2;
	vm0 =	vmor vm15, vm14;
	vm11 =	vlt.f32 v59, $0.0e+00;
	vm12 =	vgt.f32 v59, $0.0e+00  }
0x1c5: {  	[tilespmem:$0x8550] =	vst v5;
	v54 =	vsel vm13, $0x1, v0;
	vm6 =	vlt.f32 v1, $0.0e+00;
	vm7 =	vgt.f32 v1, $0.0e+00;
	v1 =	vld [tilespmem:$0x83F0]  }
0x1c6: {  	v61 =	vld [tilespmem:$0x85D0];
	v2 =	vadd.s32 v52, v42;
	v58 =	vsel vm0, $0x1, v0;
	vm0 =	vmor vm5, vm4;
	[tilespmem:$0x8570] =	vst v51  }
0x1c7: {  	v62 =	vld [tilespmem:$0x85E0];
	v56 =	vadd.s32 v54, v46;
	v3 =	vadd.s32 v58, v48;
	v60 =	vsel vm0, $0x1, v0;
	[tilespmem:$0x8580] =	vst v2  }
0x1c8: {  	s3 =	sadd.s32 $0x1, s3;
	v63 =	vld [tilespmem:$0x85F0];
	vm0 =	vmor vm10, vm9;
	[tilespmem:$0x8590] =	vst v56;
	v4 =	vadd.s32 v60, v53;
	vm8 =	vmor vm7, vm6  }
0x1c9: {  	p1 =	sne.s32 s3, $0x32;
	[tilespmem:$0x85A0] =	vst v3;
	v3 =	vsel vm0, $0x1, v0;
	vm0 =	vmor vm12, vm11;
	v2 =	vsel vm8, $0x1, v0  }
.Ltmp3:
0x1ca: {  	[tilespmem:$0x85B0] =	vst v4;
	v2 =	vadd.s32 v2, v57;
	vm13 =	vlt.f32 v1, $0.0e+00;
	vm14 =	vgt.f32 v1, $0.0e+00;
	(pc) =	sbr.rel @p1 .LBB2_2-.Ltmp3, $4  }
0x1cb: {  	[tilespmem:$0x85C0] =	vst v2;
	v2 =	vadd.s32 v3, v61;
	v1 =	vsel vm0, $0x1, v0;
	vm15 =	vmor vm14, vm13  }
0x1cc: {  	[tilespmem:$0x85D0] =	vst v2;
	v1 =	vadd.s32 v1, v62;
	v2 =	vsel vm15, $0x1, v0  }
0x1cd: {  	[tilespmem:$0x85E0] =	vst v1;
	v1 =	vadd.s32 v2, v63  }
0x1ce: {  	[tilespmem:$0x85F0] =	vst v1  }
0x1cf: {  	v1 =	vld [tilespmem:$0x8400]  }
0x1d0: {  	v2 =	vld [tilespmem:$0x8410]  }
0x1d1: {  	v3 =	vld [tilespmem:$0x8420]  }
0x1d2: {  	v4 =	vld [tilespmem:$0x8430]  }
0x1d3: {  	v5 =	vld [tilespmem:$0x8440]  }
0x1d4: {  	[tilespmem:$0x8000] =	vst v1;
	v1 =	vld [tilespmem:$0x8450]  }
0x1d5: {  	[tilespmem:$0x8010] =	vst v2;
	v2 =	vld [tilespmem:$0x8460]  }
0x1d6: {  	v54 =	vld [tilespmem:$0x8480];
	[tilespmem:$0x8020] =	vst v3  }
0x1d7: {  	v55 =	vld [tilespmem:$0x8490];
	[tilespmem:$0x8030] =	vst v4  }
0x1d8: {  	v3 =	vld [tilespmem:$0x8470];
	[tilespmem:$0x8040] =	vst v5  }
0x1d9: {  	[tilespmem:$0x8050] =	vst v1;
	v1 =	vld [tilespmem:$0x84A0]  }
0x1da: {  	[tilespmem:$0x8060] =	vst v2;
	v2 =	vld [tilespmem:$0x84B0]  }
0x1db: {  	v56 =	vld [tilespmem:$0x84D0];
	[tilespmem:$0x8080] =	vst v54  }
0x1dc: {  	v57 =	vld [tilespmem:$0x84E0];
	[tilespmem:$0x8090] =	vst v55  }
0x1dd: {  	[tilespmem:$0x8070] =	vst v3;
	v3 =	vld [tilespmem:$0x84C0]  }
0x1de: {  	[tilespmem:$0x80A0] =	vst v1;
	v1 =	vld [tilespmem:$0x84F0]  }
0x1df: {  	[tilespmem:$0x80B0] =	vst v2;
	v2 =	vld [tilespmem:$0x8500]  }
0x1e0: {  	v58 =	vld [tilespmem:$0x8520];
	[tilespmem:$0x80D0] =	vst v56  }
0x1e1: {  	v59 =	vld [tilespmem:$0x8530];
	[tilespmem:$0x80E0] =	vst v57  }
0x1e2: {  	[tilespmem:$0x80C0] =	vst v3;
	v3 =	vld [tilespmem:$0x8510]  }
0x1e3: {  	[tilespmem:$0x80F0] =	vst v1;
	v1 =	vld [tilespmem:$0x8540]  }
0x1e4: {  	[tilespmem:$0x8100] =	vst v2;
	v2 =	vld [tilespmem:$0x8550]  }
0x1e5: {  	v60 =	vld [tilespmem:$0x8570];
	[tilespmem:$0x8120] =	vst v58  }
0x1e6: {  	v61 =	vld [tilespmem:$0x8580];
	[tilespmem:$0x8130] =	vst v59  }
0x1e7: {  	[tilespmem:$0x8110] =	vst v3;
	v3 =	vld [tilespmem:$0x8560]  }
0x1e8: {  	[tilespmem:$0x8140] =	vst v1;
	v1 =	vld [tilespmem:$0x8590]  }
0x1e9: {  	[tilespmem:$0x8150] =	vst v2;
	v2 =	vld [tilespmem:$0x85A0]  }
0x1ea: {  	v62 =	vld [tilespmem:$0x85C0];
	[tilespmem:$0x8170] =	vst v60  }
0x1eb: {  	v63 =	vld [tilespmem:$0x85D0];
	[tilespmem:$0x8180] =	vst v61  }
0x1ec: {  	[tilespmem:$0x8160] =	vst v3;
	v3 =	vld [tilespmem:$0x85B0]  }
0x1ed: {  	[tilespmem:$0x8190] =	vst v1;
	v1 =	vld [tilespmem:$0x85E0]  }
0x1ee: {  	[tilespmem:$0x81A0] =	vst v2;
	v2 =	vld [tilespmem:$0x85F0]  }
0x1ef: {  	[tilespmem:$0x81C0] =	vst v62  }
0x1f0: {  	[tilespmem:$0x81D0] =	vst v63  }
0x1f1: {  	[tilespmem:$0x81B0] =	vst v3  }
0x1f2: {  	[tilespmem:$0x81E0] =	vst v1  }
0x1f3: {  	s3 =	simm.s32 $0x80;
	s8 =	simm.s32 $0x400;
	[tilespmem:$0x81F0] =	vst v2  }
0x1f4: {  	[spmem:s7] =	stream.strided.scatter [tilespmem:s26], [sflag:$0x1], $0x200, s8, s3, $0x38;
	[tilespmem:$0x9000] =	vst v63  }
.Ltmp4:
0x1f5: {  	_ =	swait.ge [sflag:s28], $0x200;
	(pc) =	sbr.rel @p0 .LBB2_7-.Ltmp4, $3  }
0x1f6: {  	[sflag:s28] =	ssyncset.done $0x0  }
0x1f7: {  	[sflag:s28] =	ssyncadd.s32 $0xFFFFFE00  }
0x1f8: {  	[bflag:$0x0] =	sbarrier.arrive $0xFFFF;
	_ =	sdelay $0x1  }
0x1f9: {  	s3 =	simm.s32 $0x8600  }
0x1fa: {  	[tilespmem:s3], [sflag:$0x1] =	stream.linear.gather [spmem:s7], $0x80, $0x38;
	[tilespmem:$0x9000] =	vst v63  }
0x1fb: {  	s31 =	simm.s32 $0x8800  }
0x1fc: {  	[tilespmem:s31], [sflag:$0x1] =	stream.linear.gather [spmem:s13], $0x80, $0x38;
	[tilespmem:$0x9000] =	vst v63  }
0x1fd: {  	s8 =	simm.s32 $0x8A00  }
0x1fe: {  	[tilespmem:s8], [sflag:$0x1] =	stream.linear.gather [spmem:s14], $0x80, $0x38;
	[tilespmem:$0x9000] =	vst v63  }
0x1ff: {  	s9 =	simm.s32 $0x8C00  }
0x200: {  	[tilespmem:s9], [sflag:$0x1] =	stream.linear.gather [spmem:s15], $0x80, $0x38;
	[tilespmem:$0x9000] =	vst v63  }
0x201: {  	_ =	swait.ge [sflag:s28], $0x200  }
0x202: {  	[sflag:s28] =	ssyncset.done $0x0  }
0x203: {  	s8 =	simm.s32 $0x8680;
	s29 =	rddreg [dreg:$0x5];
	[sflag:s28] =	ssyncadd.s32 $0xFFFFFE00  }
0x204: {  	[tilespmem:s8], [sflag:$0x1] =	stream.linear.gather [spmem:s29], $0x80, $0x38;
	[tilespmem:$0x9000] =	vst v63  }
0x205: {  	s30 =	simm.s32 $0x8880  }
0x206: {  	[tilespmem:s30], [sflag:$0x1] =	stream.linear.gather [spmem:s16], $0x80, $0x38;
	[tilespmem:$0x9000] =	vst v63  }
0x207: {  	s31 =	simm.s32 $0x8A80  }
0x208: {  	[tilespmem:s31], [sflag:$0x1] =	stream.linear.gather [spmem:s17], $0x80, $0x38;
	[tilespmem:$0x9000] =	vst v63  }
0x209: {  	s8 =	simm.s32 $0x8C80  }
0x20a: {  	[tilespmem:s8], [sflag:$0x1] =	stream.linear.gather [spmem:s18], $0x80, $0x38;
	[tilespmem:$0x9000] =	vst v63  }
0x20b: {  	_ =	swait.ge [sflag:s28], $0x200  }
0x20c: {  	[sflag:s28] =	ssyncset.done $0x0  }
0x20d: {  	s29 =	simm.s32 $0x8700;
	s9 =	rddreg [dreg:$0x6];
	[sflag:s28] =	ssyncadd.s32 $0xFFFFFE00  }
0x20e: {  	[tilespmem:s29], [sflag:$0x1] =	stream.linear.gather [spmem:s9], $0x80, $0x38;
	[tilespmem:$0x9000] =	vst v63  }
0x20f: {  	s30 =	simm.s32 $0x8900  }
0x210: {  	[tilespmem:s30], [sflag:$0x1] =	stream.linear.gather [spmem:s19], $0x80, $0x38;
	[tilespmem:$0x9000] =	vst v63  }
0x211: {  	s31 =	simm.s32 $0x8B00  }
0x212: {  	[tilespmem:s31], [sflag:$0x1] =	stream.linear.gather [spmem:s20], $0x80, $0x38;
	[tilespmem:$0x9000] =	vst v63  }
0x213: {  	s8 =	simm.s32 $0x8D00  }
0x214: {  	[tilespmem:s8], [sflag:$0x1] =	stream.linear.gather [spmem:s21], $0x80, $0x38;
	[tilespmem:$0x9000] =	vst v63  }
0x215: {  	_ =	swait.ge [sflag:s28], $0x200  }
0x216: {  	[sflag:s28] =	ssyncset.done $0x0  }
0x217: {  	s9 =	simm.s32 $0x8780;
	[sflag:s28] =	ssyncadd.s32 $0xFFFFFE00  }
0x218: {  	[tilespmem:s9], [sflag:$0x1] =	stream.linear.gather [spmem:s10], $0x80, $0x38;
	[tilespmem:$0x9000] =	vst v63  }
0x219: {  	s29 =	simm.s32 $0x8980  }
0x21a: {  	[tilespmem:s29], [sflag:$0x1] =	stream.linear.gather [spmem:s22], $0x80, $0x38;
	[tilespmem:$0x9000] =	vst v63  }
0x21b: {  	s30 =	simm.s32 $0x8B80  }
0x21c: {  	[tilespmem:s30], [sflag:$0x1] =	stream.linear.gather [spmem:s23], $0x80, $0x38;
	[tilespmem:$0x9000] =	vst v63  }
0x21d: {  	s31 =	simm.s32 $0x8D80  }
0x21e: {  	[tilespmem:s31], [sflag:$0x1] =	stream.linear.gather [spmem:s24], $0x80, $0x38;
	[tilespmem:$0x9000] =	vst v63  }
0x21f: {  	_ =	swait.ge [sflag:s28], $0x200  }
0x220: {  	[sflag:s28] =	ssyncset.done $0x0  }
0x221: {  	[sflag:s28] =	ssyncadd.s32 $0xFFFFFE00  }
0x222: {  	v1 =	vld [tilespmem:$0x8600]  }
0x223: {  	v2 =	vld [tilespmem:$0x8680]  }
0x224: {  	v3 =	vld [tilespmem:$0x8700]  }
0x225: {  	v63 =	vld [tilespmem:$0x89D0]  }
0x226: {  	v4 =	vld [tilespmem:$0x8780]  }
0x227: {  	v5 =	vld [tilespmem:$0x8610]  }
0x228: {  	v6 =	vld [tilespmem:$0x8690]  }
0x229: {  	v7 =	vld [tilespmem:$0x8710]  }
0x22a: {  	[tilespmem:$0x1FDD0] =	vst v63;
	v63 =	vld [tilespmem:$0x89F0]  }
0x22b: {  	v8 =	vld [tilespmem:$0x8790]  }
0x22c: {  	v9 =	vld [tilespmem:$0x8620]  }
0x22d: {  	v10 =	vld [tilespmem:$0x86A0]  }
0x22e: {  	v11 =	vld [tilespmem:$0x8720]  }
0x22f: {  	[tilespmem:$0x1FE00] =	vst v63;
	v63 =	vld [tilespmem:$0x8B10]  }
0x230: {  	v12 =	vld [tilespmem:$0x87A0]  }
0x231: {  	v13 =	vld [tilespmem:$0x8630]  }
0x232: {  	v14 =	vld [tilespmem:$0x86B0]  }
0x233: {  	v15 =	vld [tilespmem:$0x8730]  }
0x234: {  	[tilespmem:$0x1FE40] =	vst v63;
	v63 =	vld [tilespmem:$0x8B90]  }
0x235: {  	v16 =	vld [tilespmem:$0x87B0]  }
0x236: {  	v17 =	vld [tilespmem:$0x8640]  }
0x237: {  	v18 =	vld [tilespmem:$0x86C0]  }
0x238: {  	v19 =	vld [tilespmem:$0x8740]  }
0x239: {  	[tilespmem:$0x1FE70] =	vst v63;
	v63 =	vld [tilespmem:$0x8A20]  }
0x23a: {  	v20 =	vld [tilespmem:$0x87C0]  }
0x23b: {  	v21 =	vld [tilespmem:$0x8650]  }
0x23c: {  	v22 =	vld [tilespmem:$0x86D0]  }
0x23d: {  	v23 =	vld [tilespmem:$0x8750]  }
0x23e: {  	[tilespmem:$0x1FE50] =	vst v63;
	v63 =	vld [tilespmem:$0x8AA0]  }
0x23f: {  	v24 =	vld [tilespmem:$0x87D0]  }
0x240: {  	v25 =	vld [tilespmem:$0x8660]  }
0x241: {  	v26 =	vld [tilespmem:$0x86E0]  }
0x242: {  	v27 =	vld [tilespmem:$0x8760]  }
0x243: {  	[tilespmem:$0x1FE60] =	vst v63;
	v63 =	vld [tilespmem:$0x8B20]  }
0x244: {  	v28 =	vld [tilespmem:$0x87E0]  }
0x245: {  	v29 =	vld [tilespmem:$0x8670]  }
0x246: {  	v30 =	vld [tilespmem:$0x86F0]  }
0x247: {  	v31 =	vld [tilespmem:$0x8770]  }
0x248: {  	[tilespmem:$0x1FE80] =	vst v63;
	v63 =	vld [tilespmem:$0x8BA0]  }
0x249: {  	v32 =	vld [tilespmem:$0x87F0]  }
0x24a: {  	v33 =	vld [tilespmem:$0x8800]  }
0x24b: {  	v34 =	vld [tilespmem:$0x8880]  }
0x24c: {  	v35 =	vld [tilespmem:$0x8900]  }
0x24d: {  	[tilespmem:$0x1FEB0] =	vst v63;
	v63 =	vld [tilespmem:$0x8A30]  }
0x24e: {  	v36 =	vld [tilespmem:$0x8980]  }
0x24f: {  	v37 =	vld [tilespmem:$0x8810]  }
0x250: {  	v38 =	vld [tilespmem:$0x8890]  }
0x251: {  	v39 =	vld [tilespmem:$0x8910]  }
0x252: {  	[tilespmem:$0x1FE90] =	vst v63;
	v63 =	vld [tilespmem:$0x8AB0]  }
0x253: {  	v40 =	vld [tilespmem:$0x8990]  }
0x254: {  	v41 =	vld [tilespmem:$0x8820]  }
0x255: {  	v42 =	vld [tilespmem:$0x88A0]  }
0x256: {  	v43 =	vld [tilespmem:$0x8920]  }
0x257: {  	[tilespmem:$0x1FEA0] =	vst v63;
	v63 =	vld [tilespmem:$0x8B30]  }
0x258: {  	v44 =	vld [tilespmem:$0x89A0]  }
0x259: {  	v45 =	vld [tilespmem:$0x8830]  }
0x25a: {  	v46 =	vld [tilespmem:$0x88B0]  }
0x25b: {  	v47 =	vld [tilespmem:$0x8930]  }
0x25c: {  	[tilespmem:$0x1FEC0] =	vst v63;
	v63 =	vld [tilespmem:$0x8BB0]  }
0x25d: {  	v56 =	vld [tilespmem:$0x89B0]  }
0x25e: {  	v49 =	vld [tilespmem:$0x8840]  }
0x25f: {  	v48 =	vld [tilespmem:$0x89C0]  }
0x260: {  	v52 =	vld [tilespmem:$0x89E0]  }
0x261: {  	[tilespmem:$0x1FEF0] =	vst v63;
	v63 =	vld [tilespmem:$0x8A40]  }
0x262: {  	v60 =	vld [tilespmem:$0x8970]  }
0x263: {  	v50 =	vld [tilespmem:$0x88C0]  }
0x264: {  	v51 =	vld [tilespmem:$0x8940];
	[tilespmem:$0x1FDC0] =	vst v48  }
0x265: {  	v53 =	vld [tilespmem:$0x8850];
	[tilespmem:$0x1FDE0] =	vst v52;
	v1 =	vadd.s32 v1, v2  }
0x266: {  	v1 =	vadd.s32 v3, v1;
	v3 =	vadd.s32 v5, v6;
	[tilespmem:$0x1FED0] =	vst v63;
	v63 =	vld [tilespmem:$0x8AC0]  }
0x267: {  	v54 =	vld [tilespmem:$0x88D0];
	[tilespmem:$0x1FDF0] =	vst v60;
	v10 =	vadd.s32 v9, v10;
	v1 =	vadd.s32 v4, v1;
	v3 =	vadd.s32 v7, v3  }
0x268: {  	v55 =	vld [tilespmem:$0x8950];
	[tilespmem:$0x8000] =	vst v1;
	v1 =	vadd.s32 v8, v3;
	v3 =	vadd.s32 v11, v10  }
0x269: {  	v57 =	vld [tilespmem:$0x8860];
	v14 =	vadd.s32 v13, v14;
	[tilespmem:$0x8010] =	vst v1;
	v1 =	vadd.s32 v12, v3  }
0x26a: {  	v58 =	vld [tilespmem:$0x88E0];
	v18 =	vadd.s32 v17, v18;
	v3 =	vadd.s32 v15, v14;
	[tilespmem:$0x8020] =	vst v1  }
0x26b: {  	v22 =	vadd.s32 v21, v22;
	v1 =	vadd.s32 v16, v3;
	v3 =	vadd.s32 v19, v18;
	[tilespmem:$0x1FEE0] =	vst v63;
	v63 =	vld [tilespmem:$0x8B40]  }
0x26c: {  	v59 =	vld [tilespmem:$0x8960];
	[tilespmem:$0x8030] =	vst v1;
	v1 =	vadd.s32 v20, v3;
	v3 =	vadd.s32 v23, v22;
	v23 =	vadd.s32 v25, v26  }
0x26d: {  	v61 =	vld [tilespmem:$0x8870];
	[tilespmem:$0x8040] =	vst v1;
	v1 =	vadd.s32 v24, v3;
	v3 =	vadd.s32 v27, v23  }
0x26e: {  	v62 =	vld [tilespmem:$0x88F0];
	v24 =	vadd.s32 v29, v30;
	[tilespmem:$0x8050] =	vst v1;
	v1 =	vadd.s32 v28, v3  }
0x26f: {  	v52 =	vld [tilespmem:$0x8A00];
	v25 =	vadd.s32 v33, v34;
	v3 =	vadd.s32 v31, v24;
	[tilespmem:$0x8060] =	vst v1  }
0x270: {  	v26 =	vadd.s32 v37, v38;
	v1 =	vadd.s32 v32, v3;
	v3 =	vadd.s32 v35, v25;
	[tilespmem:$0x1FF00] =	vst v63;
	v63 =	vld [tilespmem:$0x8BC0]  }
0x271: {  	v48 =	vld [tilespmem:$0x8A80];
	v27 =	vadd.s32 v41, v42;
	[tilespmem:$0x8070] =	vst v1;
	v1 =	vadd.s32 v36, v3;
	v3 =	vadd.s32 v39, v26  }
0x272: {  	v60 =	vld [tilespmem:$0x8B00];
	[tilespmem:$0x8080] =	vst v1;
	v1 =	vadd.s32 v40, v3;
	v3 =	vadd.s32 v43, v27  }
0x273: {  	v2 =	vld [tilespmem:$0x8D80];
	v28 =	vadd.s32 v45, v46;
	[tilespmem:$0x8090] =	vst v1;
	v1 =	vadd.s32 v44, v3  }
0x274: {  	v9 =	vld [tilespmem:$0x8C20];
	v3 =	vadd.s32 v47, v28;
	[tilespmem:$0x80A0] =	vst v1  }
0x275: {  	v1 =	vadd.s32 v56, v3;
	[tilespmem:$0x1FF30] =	vst v63;
	v63 =	vld [tilespmem:$0x8A50]  }
0x276: {  	[tilespmem:$0x80B0] =	vst v1;
	v1 =	vld [tilespmem:$0x1FDC0]  }
0x277: {  	v13 =	vld [tilespmem:$0x8C30]  }
0x278: {  	v17 =	vld [tilespmem:$0x8C40]  }
0x279: {  	v5 =	vld [tilespmem:$0x8C10];
	v29 =	vadd.s32 v49, v50  }
0x27a: {  	v3 =	vadd.s32 v51, v29;
	[tilespmem:$0x1FF10] =	vst v63;
	v63 =	vld [tilespmem:$0x8AD0]  }
0x27b: {  	v6 =	vld [tilespmem:$0x8C90];
	v1 =	vadd.s32 v1, v3  }
0x27c: {  	[tilespmem:$0x80C0] =	vst v1;
	v1 =	vld [tilespmem:$0x1FDD0]  }
0x27d: {  	v7 =	vld [tilespmem:$0x8D10]  }
0x27e: {  	v8 =	vld [tilespmem:$0x8D90]  }
0x27f: {  	v30 =	vadd.s32 v53, v54;
	[tilespmem:$0x1FF20] =	vst v63;
	v63 =	vld [tilespmem:$0x8B50]  }
0x280: {  	v10 =	vld [tilespmem:$0x8CA0];
	v3 =	vadd.s32 v55, v30  }
0x281: {  	v11 =	vld [tilespmem:$0x8D20];
	v1 =	vadd.s32 v1, v3  }
0x282: {  	[tilespmem:$0x80D0] =	vst v1;
	v1 =	vld [tilespmem:$0x1FDE0]  }
0x283: {  	v12 =	vld [tilespmem:$0x8DA0]  }
0x284: {  	[tilespmem:$0x1FF40] =	vst v63;
	v63 =	vld [tilespmem:$0x8BD0]  }
0x285: {  	v14 =	vld [tilespmem:$0x8CB0];
	v31 =	vadd.s32 v57, v58  }
0x286: {  	[tilespmem:$0x1FE10] =	vst v60;
	v60 =	vld [tilespmem:$0x8B80];
	v3 =	vadd.s32 v59, v31  }
0x287: {  	v1 =	vadd.s32 v1, v3;
	v3 =	vld [tilespmem:$0x1FDF0]  }
0x288: {  	[tilespmem:$0x80E0] =	vst v1;
	v1 =	vld [tilespmem:$0x1FE00]  }
0x289: {  	[tilespmem:$0x1FF70] =	vst v63;
	v63 =	vld [tilespmem:$0x8A60]  }
0x28a: {  	v15 =	vld [tilespmem:$0x8D30]  }
0x28b: {  	v16 =	vld [tilespmem:$0x8DB0];
	v32 =	vadd.s32 v61, v62  }
0x28c: {  	[tilespmem:$0x1FE30] =	vst v60;
	v60 =	vld [tilespmem:$0x8A10];
	v3 =	vadd.s32 v3, v32  }
0x28d: {  	v1 =	vadd.s32 v1, v3;
	v3 =	vld [tilespmem:$0x1FE10]  }
0x28e: {  	[tilespmem:$0x1FF50] =	vst v63;
	v63 =	vld [tilespmem:$0x8AE0]  }
0x28f: {  	[tilespmem:$0x80F0] =	vst v1;
	v1 =	vld [tilespmem:$0x1FE30]  }
0x290: {  	v18 =	vld [tilespmem:$0x8CC0]  }
0x291: {  	[tilespmem:$0x1FE20] =	vst v60;
	v60 =	vld [tilespmem:$0x8A90]  }
0x292: {  	v34 =	vadd.s32 v52, v48;
	v36 =	vld [tilespmem:$0x1FE20]  }
0x293: {  	v3 =	vadd.s32 v3, v34;
	[tilespmem:$0x1FF60] =	vst v63;
	v63 =	vld [tilespmem:$0x8B60]  }
0x294: {  	v1 =	vadd.s32 v1, v3;
	v3 =	vld [tilespmem:$0x1FE40]  }
0x295: {  	[tilespmem:$0x8100] =	vst v1;
	v1 =	vld [tilespmem:$0x1FE70]  }
0x296: {  	v33 =	vld [tilespmem:$0x8D40]  }
0x297: {  	v38 =	vld [tilespmem:$0x1FE50]  }
0x298: {  	v4 =	vadd.s32 v36, v60;
	[tilespmem:$0x1FF80] =	vst v63;
	v63 =	vld [tilespmem:$0x8BE0]  }
0x299: {  	v39 =	vld [tilespmem:$0x1FE60];
	v3 =	vadd.s32 v3, v4  }
0x29a: {  	v1 =	vadd.s32 v1, v3;
	v3 =	vld [tilespmem:$0x1FE80]  }
0x29b: {  	[tilespmem:$0x8110] =	vst v1;
	v1 =	vld [tilespmem:$0x1FEB0]  }
0x29c: {  	v37 =	vld [tilespmem:$0x8C50]  }
0x29d: {  	[tilespmem:$0x1FFB0] =	vst v63;
	v63 =	vld [tilespmem:$0x8A70]  }
0x29e: {  	v41 =	vld [tilespmem:$0x1FE90];
	v4 =	vadd.s32 v38, v39  }
0x29f: {  	v42 =	vld [tilespmem:$0x1FEA0];
	v3 =	vadd.s32 v3, v4  }
0x2a0: {  	v1 =	vadd.s32 v1, v3;
	v3 =	vld [tilespmem:$0x1FEC0]  }
0x2a1: {  	[tilespmem:$0x8120] =	vst v1;
	v1 =	vld [tilespmem:$0x1FEF0]  }
0x2a2: {  	[tilespmem:$0x1FF90] =	vst v63;
	v63 =	vld [tilespmem:$0x8AF0]  }
0x2a3: {  	v52 =	vld [tilespmem:$0x8CE0]  }
0x2a4: {  	v4 =	vadd.s32 v41, v42;
	v44 =	vld [tilespmem:$0x1FED0]  }
0x2a5: {  	v3 =	vadd.s32 v3, v4;
	v45 =	vld [tilespmem:$0x1FEE0]  }
0x2a6: {  	v1 =	vadd.s32 v1, v3;
	v3 =	vld [tilespmem:$0x1FF00]  }
0x2a7: {  	[tilespmem:$0x1FFA0] =	vst v63;
	v63 =	vld [tilespmem:$0x8B70]  }
0x2a8: {  	[tilespmem:$0x8130] =	vst v1;
	v1 =	vld [tilespmem:$0x1FF30]  }
0x2a9: {  	v49 =	vld [tilespmem:$0x8C60]  }
0x2aa: {  	v47 =	vld [tilespmem:$0x1FF10]  }
0x2ab: {  	v4 =	vadd.s32 v44, v45;
	v48 =	vld [tilespmem:$0x1FF20]  }
0x2ac: {  	v3 =	vadd.s32 v3, v4;
	[tilespmem:$0x1FFC0] =	vst v63;
	v63 =	vld [tilespmem:$0x8BF0]  }
0x2ad: {  	v1 =	vadd.s32 v1, v3;
	v3 =	vld [tilespmem:$0x1FF40]  }
0x2ae: {  	[tilespmem:$0x8140] =	vst v1;
	v1 =	vld [tilespmem:$0x1FF70]  }
0x2af: {  	v46 =	vld [tilespmem:$0x8DD0]  }
0x2b0: {  	v50 =	vld [tilespmem:$0x1FF50]  }
0x2b1: {  	v4 =	vadd.s32 v47, v48;
	[tilespmem:$0x1FFF0] =	vst v63;
	v63 =	vld [tilespmem:$0x8C00]  }
0x2b2: {  	v3 =	vadd.s32 v3, v4;
	v51 =	vld [tilespmem:$0x1FF60]  }
0x2b3: {  	v1 =	vadd.s32 v1, v3;
	v3 =	vld [tilespmem:$0x1FF80]  }
0x2b4: {  	[tilespmem:$0x8150] =	vst v1;
	v1 =	vld [tilespmem:$0x1FFB0]  }
0x2b5: {  	v58 =	vld [tilespmem:$0x8DE0]  }
0x2b6: {  	[tilespmem:$0x1FFD0] =	vst v63;
	v63 =	vld [tilespmem:$0x8C80]  }
0x2b7: {  	v4 =	vadd.s32 v50, v51;
	v53 =	vld [tilespmem:$0x1FF90]  }
0x2b8: {  	v3 =	vadd.s32 v3, v4;
	v54 =	vld [tilespmem:$0x1FFA0]  }
0x2b9: {  	v1 =	vadd.s32 v1, v3;
	v3 =	vld [tilespmem:$0x1FFC0]  }
0x2ba: {  	[tilespmem:$0x8160] =	vst v1;
	v1 =	vld [tilespmem:$0x1FFF0]  }
0x2bb: {  	v56 =	vld [tilespmem:$0x1FFD0];
	[tilespmem:$0x1FFE0] =	vst v63  }
0x2bc: {  	v57 =	vld [tilespmem:$0x1FFE0]  }
0x2bd: {  	v63 =	vld [tilespmem:$0x8D00]  }
0x2be: {  	v35 =	vld [tilespmem:$0x8DC0]  }
0x2bf: {  	v61 =	vld [tilespmem:$0x8CF0]  }
0x2c0: {  	v40 =	vld [tilespmem:$0x8CD0];
	v4 =	vadd.s32 v53, v54  }
0x2c1: {  	v43 =	vld [tilespmem:$0x8D50];
	v3 =	vadd.s32 v3, v4;
	v4 =	vadd.s32 v56, v57  }
0x2c2: {  	v55 =	vld [tilespmem:$0x8D60];
	v59 =	vadd.s32 v5, v6;
	v1 =	vadd.s32 v1, v3;
	v3 =	vadd.s32 v63, v4  }
0x2c3: {  	v60 =	vld [tilespmem:$0x8C70];
	[tilespmem:$0x8170] =	vst v1;
	v1 =	vadd.s32 v2, v3;
	v2 =	vadd.s32 v7, v59;
	v3 =	vadd.s32 v9, v10  }
0x2c4: {  	v62 =	vld [tilespmem:$0x8D70];
	[tilespmem:$0x8180] =	vst v1;
	v1 =	vadd.s32 v8, v2;
	v2 =	vadd.s32 v11, v3;
	v3 =	vadd.s32 v13, v14  }
0x2c5: {  	v63 =	vld [tilespmem:$0x8DF0];
	[tilespmem:$0x8190] =	vst v1;
	v1 =	vadd.s32 v12, v2;
	v2 =	vadd.s32 v15, v3;
	v3 =	vadd.s32 v17, v18  }
0x2c6: {  	[tilespmem:$0x81A0] =	vst v1;
	v1 =	vadd.s32 v16, v2;
	v2 =	vadd.s32 v33, v3;
	v3 =	vadd.s32 v37, v40  }
0x2c7: {  	[tilespmem:$0x81B0] =	vst v1;
	v1 =	vadd.s32 v35, v2;
	v2 =	vadd.s32 v43, v3;
	v3 =	vadd.s32 v49, v52  }
0x2c8: {  	[tilespmem:$0x81C0] =	vst v1;
	v1 =	vadd.s32 v46, v2;
	v2 =	vadd.s32 v55, v3;
	v3 =	vadd.s32 v60, v61  }
0x2c9: {  	[tilespmem:$0x81D0] =	vst v1;
	v1 =	vadd.s32 v58, v2;
	v2 =	vadd.s32 v62, v3  }
0x2ca: {  	[tilespmem:$0x81E0] =	vst v1;
	v1 =	vadd.s32 v63, v2  }
.Ltmp5:
0x2cb: {  	[tilespmem:$0x81F0] =	vst v1;
	(pc) =	sbr.rel .LBB2_7-.Ltmp5, $4  }
0x2cc: {  	[hbm4b:s11+s4] =	stream.linear.scatter [tilespmem:s26], [sflag:$0x1], $0x200, $0x38;
	[tilespmem:$0x9000] =	vst v63  }
0x2cd: {  	_ =	swait.ge [sflag:s28], $0x200  }
0x2ce: {  	[sflag:s28] =	ssyncset.done $0x0  }
0x2cf: {  	[sflag:s28] =	ssyncadd.s32 $0xFFFFFE00  }
.LBB2_8:
0x2d0: {  	_ =	sfence.sel $0x180000  }
0x2d1: {  	[bflag:$0x0] =	sbarrier.arrive $0xFFFF  }
0x2d2: {  	_ =	strace $0x90000047  }
0x2d3: {  	s0 =	stileid.u32;
	[bflag:$0x2] =	sbarrier.arrive $0xFFFF  }
0x2d4: {  	p0 =	sne.s32 s0, $0x0;
	s0 =	rddreg [dreg:$0x4]  }
0x2d5: {  	s0 =	sadd.s32 @!p0 $0x100000, s0  }
0x2d6: {  	[sflag:s0] =	ssyncadd.tile.s32 @!p0 $0x1;
	_ =	shalt  }
.Lfunc_end2:
_tile_overlayer_lowered:
.L_overlay_start_2:
0x2d7: {  	(tag) =	ssettag $0x2  }
0x2d8: {  	s0 =	rddreg [dreg:$0x0];
	s2 =	stileid.u32  }
0x2d9: {  	s1 =	rddreg [dreg:$0x1];
	p0 =	sne.s32 s2, $0x0  }
0x2da: {  	s3 =	rddreg [dreg:$0x2];
	[bflag:$0x3] =	sbarrier.arrive $0xFFFF;
	s2 =	simm.s32 @!p0 $0x1C01  }
0x2db: {  	[timem:s3], [sflag:s2] =	dma.local @!p0 [hbm:s0], s1  }
0x2dc: {  	s0 =	simm.s32 @!p0 $0x1  }
0x2dd: {  	_ =	swait.ge @!p0 [sflag:s0], s1  }
0x2de: {  	s1 =	ssub.s32 @!p0 $0x0, s1;
	[sflag:s0] =	ssyncset.done @!p0 $0x0  }
0x2df: {  	[sflag:s0] =	ssyncadd.s32 @!p0 s1  }
0x2e0: {  	[bflag:$0x3] =	sbarrier.arrive $0xFFFF  }
0x2e1: {  	_ =	shalt  }

</sc_bundles>
